<compile_context>
chip_gen: v7x
topology: tpu7x:2x2x1
jax: 0.10.2.dev20260603
libtpu: 0.0.44.dev20260713+nightly
codegen_flags: <defaults>
</compile_context>

<pallas_src>
import functools

import jax
import jax.numpy as jnp
from jax import lax
from jax.experimental import pallas as pl
from jax.experimental.pallas import tpu as pltpu
from jax.experimental.pallas import tpu_sc as plsc

_B, _N = 8, 8192


def _sc_gather(table, idx, chunk_rows):
    V, D = table.shape
    (R,) = idx.shape
    NW = 32
    rows_per = R // NW
    nch = rows_per // chunk_rows
    assert rows_per % chunk_rows == 0 and R % (8 * NW) == 0
    mesh = plsc.VectorSubcoreMesh(core_axis_name="c", subcore_axis_name="s")

    @functools.partial(
        pl.kernel, mesh=mesh,
        out_type=jax.ShapeDtypeStruct((R, D), jnp.float32),
        scratch_types=[
            pltpu.VMEM((rows_per,), jnp.int32),
            pltpu.VMEM((chunk_rows, D), jnp.float32),
            pltpu.SemaphoreType.DMA,
        ],
    )
    def k(table_hbm, idx_hbm, out_hbm, idx_v, rows_v, sem):
        wid = lax.axis_index("s") * 2 + lax.axis_index("c")
        base = wid * rows_per
        pltpu.sync_copy(idx_hbm.at[pl.ds(base, rows_per)], idx_v)
        for ch in range(nch):
            off = ch * chunk_rows
            pltpu.async_copy(
                table_hbm.at[idx_v.at[pl.ds(off, chunk_rows)]], rows_v,
                sem).wait()
            pltpu.sync_copy(rows_v, out_hbm.at[pl.ds(base + off, chunk_rows)])

    return k(table, idx)


def _sc_gather6(table_flat, idx_local, B, Vb):
    (R,) = idx_local.shape
    Rb = R // B
    TPB = 32 // B
    rows_per = Rb // TPB
    ngrp = rows_per // 16
    assert rows_per % 16 == 0
    mesh = plsc.VectorSubcoreMesh(core_axis_name="c", subcore_axis_name="s")

    @functools.partial(
        pl.kernel, mesh=mesh,
        out_type=jax.ShapeDtypeStruct((R * 6,), jnp.float32),
        compiler_params=pltpu.CompilerParams(needs_layout_passes=False),
        scratch_types=[
            pltpu.VMEM((Vb * 6,), jnp.float32),
            pltpu.VMEM((rows_per,), jnp.int32),
            pltpu.VMEM((rows_per * 6,), jnp.float32),
        ],
    )
    def k(tab_hbm, idx_hbm, out_hbm, tab_v, idx_v, out_v):
        wid = lax.axis_index("s") * 2 + lax.axis_index("c")
        bat = wid // TPB
        base = bat * Rb + (wid % TPB) * rows_per
        pltpu.sync_copy(tab_hbm.at[pl.ds(bat * (Vb * 6), Vb * 6)], tab_v)
        pltpu.sync_copy(idx_hbm.at[pl.ds(base, rows_per)], idx_v)
        lanes = lax.iota(jnp.int32, 16)

        def body(g, carry):
            iv = idx_v[pl.ds(g * 16, 16)]
            src = iv * 6
            dst = (g * 16 + lanes) * 6
            for j in range(6):
                vals = plsc.load_gather(tab_v, [src + j])
                plsc.store_scatter(out_v, [dst + j], vals)
            return carry

        lax.fori_loop(0, ngrp, body, 0)
        pltpu.sync_copy(out_v, out_hbm.at[pl.ds(base * 6, rows_per * 6)])

    return k(table_flat, idx_local)


def _sel_body(xt_ref, c_ref, o_ref, *, nseg, k, r2bits, niter):
    C = c_ref.shape[1]
    LN = 128
    N = nseg * LN
    xt = xt_ref[0]
    c = c_ref[0]
    d2 = None
    for a in range(3):
        d = c[:, a:a + 1] - xt[a:a + 1, :]
        d2 = d * d if d2 is None else d2 + d * d
    bits = jax.lax.bitcast_convert_type(d2, jnp.int32)

    def bis(_, carry):
        lo, hi = carry
        mid = jax.lax.shift_right_arithmetic(lo + hi, 1)
        cnt = jnp.sum((bits <= mid).astype(jnp.float32), axis=1,
                      keepdims=True)
        take = cnt >= k
        return jnp.where(take, lo, mid), jnp.where(take, mid, hi)
    lo0 = jnp.full((C, 1), -1, jnp.int32)
    hi0 = jnp.full((C, 1), r2bits, jnp.int32)
    _, tau = jax.lax.fori_loop(0, niter, bis, (lo0, hi0))

    sel = bits <= tau
    sel_f = sel.astype(jnp.float32)

    cum = sel_f
    w = 1
    while w < N:
        cum = cum + jnp.pad(cum, ((0, 0), (w, 0)))[:, :N]
        w *= 2
    rank = (cum - sel_f).astype(jnp.int32)

    piota = jax.lax.broadcasted_iota(jnp.int32, (C, N), 1)
    big = jnp.int32(1 << 22)
    key = jnp.where(sel, rank, big)
    pw = jnp.where((key & 1) == 1, (piota + 1) << 14, piota + 1)

    npack = k // 2
    kh = jax.lax.shift_right_logical(key, 1)
    for t in range(npack):
        val = jnp.where(kh == t, pw, 0)
        o_ref[0, :, t:t + 1] = jnp.sum(val, axis=1, keepdims=True)
    o_ref[0, :, npack:npack + 1] = jnp.sum(sel_f, axis=1,
                                           keepdims=True).astype(jnp.int32)
    dmin = jnp.min(d2, axis=1, keepdims=True)
    o_ref[0, :, npack + 1:npack + 2] = jnp.min(
        jnp.where(d2 <= dmin, piota, big), axis=1, keepdims=True)


def _select_idx(xyzT, centers, k, radius, cblk):
    import numpy as np
    B, _, N = xyzT.shape
    C = centers.shape[1]
    nseg = N // 128
    r2 = np.float32(radius) * np.float32(radius)
    r2bits = int(np.asarray(r2, np.float32).view(np.int32))
    niter = max(int(np.ceil(np.log2(r2bits + 2))), 1)
    W = k // 2 + 2
    grid = (B, C // cblk)
    out = pl.pallas_call(
        functools.partial(_sel_body, nseg=nseg, k=k, r2bits=r2bits,
                          niter=niter),
        grid=grid,
        in_specs=[
            pl.BlockSpec((1, 3, N), lambda b, i: (b, 0, 0)),
            pl.BlockSpec((1, cblk, 3), lambda b, i: (b, i, 0)),
        ],
        out_specs=pl.BlockSpec((1, cblk, W), lambda b, i: (b, i, 0)),
        out_shape=jax.ShapeDtypeStruct((B, C, W), jnp.int32),
    )(xyzT, centers)
    packed, cnt, near = out[..., :k // 2], out[..., k // 2], out[..., k // 2 + 1]
    even = (packed & 16383) - 1
    odd = (packed >> 14) - 1
    idx = jnp.stack([even, odd], axis=-1).reshape(B, C, k)
    slot = jnp.arange(k, dtype=jnp.int32)
    valid = slot[None, None, :] < jnp.minimum(cnt, k)[..., None]
    return jnp.where(valid, idx, near[..., None])


def _mlp1_body(g6_ref, cb_ref, cnb_ref, Ma_ref, ba_ref, Mb_ref,
               bb_ref, Wc_ref, bc_ref, o_ref, *, ns):
    gx = g6_ref[0][:, 0:3]
    gn = g6_ref[0][:, 3:6]
    cb = cb_ref[0]
    cnb = cnb_ref[0]
    Ma = Ma_ref[...]
    diff = gx - cb
    dist = jnp.sqrt(jnp.sum(diff * diff, axis=-1, keepdims=True) + 1e-12)
    ndot = jnp.sum(gn * cnb, axis=-1, keepdims=True)
    t = (dist * Ma_ref[0:1, :]
         + jnp.dot(cb, Ma[1:4, :], preferred_element_type=jnp.float32)
         + jnp.dot(gx, Ma[4:7, :], preferred_element_type=jnp.float32)
         + jnp.dot(diff, Ma[7:10, :], preferred_element_type=jnp.float32)
         + ndot * Ma_ref[10:11, :]
         + ba_ref[...])
    t = jax.nn.relu(t)
    w = jnp.dot(t, Mb_ref[...], preferred_element_type=jnp.float32) + bb_ref[...]
    h = diff * w
    o = jax.nn.relu(jnp.dot(h, Wc_ref[...], preferred_element_type=jnp.float32)
                    + bc_ref[...])
    R, F = o.shape
    o_ref[0] = jnp.max(o.reshape(R // ns, ns, F), axis=1)


def _rsconv1_mlp(g6, cB, cnB, Ma, ba, Mb, bb, Wc, bc, ns, cblk):
    B, R, _ = g6.shape
    C = R // ns
    F = Wc.shape[1]
    rblk = cblk * ns
    grid = (B, C // cblk)
    pair6 = pl.BlockSpec((1, rblk, 6), lambda b, i: (b, i, 0))
    pair_spec = pl.BlockSpec((1, rblk, 3), lambda b, i: (b, i, 0))
    full = lambda s: pl.BlockSpec(s, lambda b, i: tuple(0 for _ in s))
    return pl.pallas_call(
        functools.partial(_mlp1_body, ns=ns),
        grid=grid,
        in_specs=[pair6, pair_spec, pair_spec,
                  full(Ma.shape), full(ba.shape), full(Mb.shape),
                  full(bb.shape), full(Wc.shape), full(bc.shape)],
        out_specs=pl.BlockSpec((1, cblk, F), lambda b, i: (b, i, 0)),
        out_shape=jax.ShapeDtypeStruct((B, C, F), jnp.float32),
    )(g6, cB, cnB, Ma, ba, Mb, bb, Wc, bc)


def _mlp2_body(g6_ref, cb_ref, cnb_ref, gf_ref, Ma_ref, ba_ref,
               Mb_ref, bb_ref, Wc_ref, bc_ref, o_ref, *, ns):
    gx = g6_ref[0][:, 0:3]
    gn = g6_ref[0][:, 3:6]
    cb = cb_ref[0]
    cnb = cnb_ref[0]
    Ma = Ma_ref[...]
    diff = gx - cb
    dist = jnp.sqrt(jnp.sum(diff * diff, axis=-1, keepdims=True) + 1e-12)
    ndot = jnp.sum(gn * cnb, axis=-1, keepdims=True)
    t = (dist * Ma_ref[0:1, :]
         + jnp.dot(cb, Ma[1:4, :], preferred_element_type=jnp.float32)
         + jnp.dot(gx, Ma[4:7, :], preferred_element_type=jnp.float32)
         + jnp.dot(diff, Ma[7:10, :], preferred_element_type=jnp.float32)
         + ndot * Ma_ref[10:11, :]
         + ba_ref[...])
    t = jax.nn.relu(t)
    w = jnp.dot(t, Mb_ref[...], preferred_element_type=jnp.float32) + bb_ref[...]
    h = gf_ref[0] * w
    o = jax.nn.relu(jnp.dot(h, Wc_ref[...], preferred_element_type=jnp.float32)
                    + bc_ref[...])
    R, F = o.shape
    o_ref[0] = jnp.max(o.reshape(R // ns, ns, F), axis=1)


def _rsconv2_mlp(g6, cB, cnB, gf, Ma, ba, Mb, bb, Wc, bc, ns, cblk):
    B, R, _ = g6.shape
    C = R // ns
    F = Wc.shape[1]
    rblk = cblk * ns
    grid = (B, C // cblk)
    pair6 = pl.BlockSpec((1, rblk, 6), lambda b, i: (b, i, 0))
    pair3 = pl.BlockSpec((1, rblk, 3), lambda b, i: (b, i, 0))
    pairF = pl.BlockSpec((1, rblk, gf.shape[-1]), lambda b, i: (b, i, 0))
    full = lambda s: pl.BlockSpec(s, lambda b, i: tuple(0 for _ in s))
    return pl.pallas_call(
        functools.partial(_mlp2_body, ns=ns),
        grid=grid,
        in_specs=[pair6, pair3, pair3, pairF,
                  full(Ma.shape), full(ba.shape), full(Mb.shape),
                  full(bb.shape), full(Wc.shape), full(bc.shape)],
        out_specs=pl.BlockSpec((1, cblk, F), lambda b, i: (b, i, 0)),
        out_shape=jax.ShapeDtypeStruct((B, C, F), jnp.float32),
    )(g6, cB, cnB, gf, Ma, ba, Mb, bb, Wc, bc)


def _head_body(f_ref, W3_ref, b3_ref, Wf1_ref, bf1_ref, Wf2_ref, bf2_ref,
               Wf3_ref, bf3_ref, o_ref, *, b, c):
    f = f_ref[...]
    g = jax.nn.relu(jnp.dot(f, W3_ref[...], preferred_element_type=jnp.float32)
                    + b3_ref[...])
    g = jnp.max(g.reshape(b, c, g.shape[-1]), axis=1)
    h = jax.nn.relu(jnp.dot(g, Wf1_ref[...], preferred_element_type=jnp.float32)
                    + bf1_ref[...])
    h = jax.nn.relu(jnp.dot(h, Wf2_ref[...], preferred_element_type=jnp.float32)
                    + bf2_ref[...])
    o_ref[...] = jnp.dot(h, Wf3_ref[...], preferred_element_type=jnp.float32) \
        + bf3_ref[...]


def _head(f, W3, b3, Wf1, bf1, Wf2, bf2, Wf3, bf3):
    B, C, F = f.shape
    ncls = Wf3.shape[1]
    return pl.pallas_call(
        functools.partial(_head_body, b=B, c=C),
        out_shape=jax.ShapeDtypeStruct((B, ncls), jnp.float32),
    )(f.reshape(B * C, F), W3, b3, Wf1, bf1, Wf2, bf2, Wf3, bf3)


def kernel(pc, normal, Ma1, ba1, Mb1, bb1, Wc1, bc1, Ma2, ba2, Mb2, bb2,
           Wc2, bc2, W3, b3, Wf1, bf1, Wf2, bf2, Wf3, bf3):
    xyz = pc[..., 0:3]
    nrm = normal / (jnp.linalg.norm(normal, axis=-1, keepdims=True) + 1e-8)

    np1, ns1 = 512, 48
    c1 = xyz[:, :: _N // np1, :]
    cn1 = nrm[:, :: _N // np1, :]
    idx1 = _select_idx(jnp.swapaxes(xyz, 1, 2), c1, ns1, 0.23, cblk=128)
    X6 = jnp.concatenate([xyz, nrm], axis=-1)
    g61 = _sc_gather6(X6.reshape(-1), idx1.reshape(-1), _B, _N)
    g61 = g61.reshape(_B, np1 * ns1, 6)
    cB1 = jnp.broadcast_to(c1[:, :, None, :], (_B, np1, ns1, 3)).reshape(_B, np1 * ns1, 3)
    cnB1 = jnp.broadcast_to(cn1[:, :, None, :], (_B, np1, ns1, 3)).reshape(_B, np1 * ns1, 3)
    f1 = _rsconv1_mlp(g61, cB1, cnB1, Ma1, ba1, Mb1, bb1, Wc1, bc1,
                      ns=ns1, cblk=128)

    np2, ns2 = 128, 64
    c2 = c1[:, :: np1 // np2, :]
    cn2 = cn1[:, :: np1 // np2, :]
    idx2 = _select_idx(jnp.swapaxes(c1, 1, 2), c2, ns2, 0.32, cblk=128)
    boff2 = (jnp.arange(_B, dtype=jnp.int32) * np1)[:, None, None]
    gidx2 = (idx2 + boff2).reshape(-1)
    T6 = jnp.concatenate([c1, cn1], axis=-1)
    g62 = _sc_gather6(T6.reshape(-1), idx2.reshape(-1), _B, np1)
    g62 = g62.reshape(_B, np2 * ns2, 6)
    gf2 = _sc_gather(f1.reshape(_B * np1, f1.shape[-1]), gidx2,
                     chunk_rows=512).reshape(_B, np2 * ns2, f1.shape[-1])
    cB2 = jnp.broadcast_to(c2[:, :, None, :], (_B, np2, ns2, 3)).reshape(_B, np2 * ns2, 3)
    cnB2 = jnp.broadcast_to(cn2[:, :, None, :], (_B, np2, ns2, 3)).reshape(_B, np2 * ns2, 3)
    f2 = _rsconv2_mlp(g62, cB2, cnB2, gf2, Ma2, ba2, Mb2, bb2, Wc2, bc2,
                      ns=ns2, cblk=32)

    return _head(f2, W3, b3, Wf1, bf1, Wf2, bf2, Wf3, bf3)

# --- scband reference (transcript-rebuilt; emitter-appended) ---
"""Pipeline reference for scband-rscnn-ssn-13967233646750 (READ-ONLY COPY).

The authoritative reference and input builder live on the scoring server;
editing this copy changes nothing except your own understanding.
"""

import jax, jax.numpy as jnp
import numpy as np

B, N, NUM_CLASSES = 8, 8192, 40

def _gather(x, idx):
    # x: [B, N, C], idx: [B, np, ns] -> [B, np, ns, C]
    return jax.vmap(lambda xb, ib: xb[ib])(x, idx)

def _rsconv(xyz, nrm, feats, npoint, radius, nsample, Ma, ba, Mb, bb, Wc, bc, use_xyz):
    b, n, _ = xyz.shape
    stride = n // npoint
    sidx = jnp.arange(npoint) * stride  # deterministic subsampling in place of FPS
    c = xyz[:, sidx, :]
    cn = nrm[:, sidx, :]
    d2 = jnp.sum((c[:, :, None, :] - xyz[:, None, :, :]) ** 2, axis=-1)  # [B, np, n]
    negv, idx = jax.lax.top_k(-d2, nsample)  # ball query approximated by knn + radius mask
    within = (-negv) <= radius * radius
    idx = jnp.where(within, idx, idx[:, :, :1])
    gx = _gather(xyz, idx)
    gn = _gather(nrm, idx)
    diff = gx - c[:, :, None, :]
    dist = jnp.sqrt(jnp.sum(diff ** 2, axis=-1) + 1e-12)
    ndot = jnp.sum(gn * cn[:, :, None, :], axis=-1)
    rel = jnp.concatenate([dist[..., None], jnp.broadcast_to(c[:, :, None, :], gx.shape), gx, diff, ndot[..., None]], axis=-1)  # [B,np,ns,11]
    if feats is None:
        gf = diff if use_xyz else gx
    else:
        gf = _gather(feats, idx)
    w = jax.nn.relu(rel @ Ma + ba) @ Mb + bb  # relation -> channel weights
    h = gf * w
    out = jax.nn.relu(h @ Wc + bc)
    out = jnp.max(out, axis=2)  # max over neighborhood
    return c, cn, out

def _forward(pc, normal, Ma1, ba1, Mb1, bb1, Wc1, bc1, Ma2, ba2, Mb2, bb2, Wc2, bc2, W3, b3, Wf1, bf1, Wf2, bf2, Wf3, bf3):
    xyz = pc[..., 0:3]
    nrm = normal / (jnp.linalg.norm(normal, axis=-1, keepdims=True) + 1e-8)
    xyz, nrm, f = _rsconv(xyz, nrm, None, 512, 0.23, 48, Ma1, ba1, Mb1, bb1, Wc1, bc1, True)
    xyz, nrm, f = _rsconv(xyz, nrm, f, 128, 0.32, 64, Ma2, ba2, Mb2, bb2, Wc2, bc2, False)
    g = jax.nn.relu(f @ W3 + b3)  # group-all SA: shared MLP 512->1024
    g = jnp.max(g, axis=1)        # [B, 1024]
    h = jax.nn.relu(g @ Wf1 + bf1)  # dropout = identity (eval)
    h = jax.nn.relu(h @ Wf2 + bf2)
    return h @ Wf3 + bf3

def setup_inputs(seed: int = 0):
    key = jax.random.key(seed)
    ks = jax.random.split(key, 16)
    s = 0.05
    pc = jax.random.uniform(ks[0], (B, N, 3), dtype=jnp.float32)
    normal = jax.random.normal(ks[1], (B, N, 3), dtype=jnp.float32)
    return {
        "pc": pc, "normal": normal,
        "Ma1": jax.random.normal(ks[2], (11, 64), dtype=jnp.float32) * s, "ba1": jnp.zeros((64,), jnp.float32),
        "Mb1": jax.random.normal(ks[3], (64, 3), dtype=jnp.float32) * s, "bb1": jnp.zeros((3,), jnp.float32),
        "Wc1": jax.random.normal(ks[4], (3, 128), dtype=jnp.float32) * s, "bc1": jnp.zeros((128,), jnp.float32),
        "Ma2": jax.random.normal(ks[5], (11, 64), dtype=jnp.float32) * s, "ba2": jnp.zeros((64,), jnp.float32),
        "Mb2": jax.random.normal(ks[6], (64, 128), dtype=jnp.float32) * s, "bb2": jnp.zeros((128,), jnp.float32),
        "Wc2": jax.random.normal(ks[7], (128, 512), dtype=jnp.float32) * s, "bc2": jnp.zeros((512,), jnp.float32),
        "W3": jax.random.normal(ks[8], (512, 1024), dtype=jnp.float32) * s, "b3": jnp.zeros((1024,), jnp.float32),
        "Wf1": jax.random.normal(ks[9], (1024, 512), dtype=jnp.float32) * s, "bf1": jnp.zeros((512,), jnp.float32),
        "Wf2": jax.random.normal(ks[10], (512, 256), dtype=jnp.float32) * s, "bf2": jnp.zeros((256,), jnp.float32),
        "Wf3": jax.random.normal(ks[11], (256, NUM_CLASSES), dtype=jnp.float32) * s, "bf3": jnp.zeros((NUM_CLASSES,), jnp.float32),
    }

def reference(pc, normal, Ma1, ba1, Mb1, bb1, Wc1, bc1, Ma2, ba2, Mb2, bb2, Wc2, bc2, W3, b3, Wf1, bf1, Wf2, bf2, Wf3, bf3):
    return _forward(pc, normal, Ma1, ba1, Mb1, bb1, Wc1, bc1, Ma2, ba2, Mb2, bb2, Wc2, bc2, W3, b3, Wf1, bf1, Wf2, bf2, Wf3, bf3)

if __name__ == "__main__":
    import jax
    _d = setup_inputs()
    print(jax.jit(kernel)(*tuple(_d.values())))

</pallas_src>

<mosaic_0001>
#map = affine_map<(d0, d1) -> (0)>
module attributes {stable_mosaic.version = 14 : i64} {
  func.func @k(%arg0: i32, %arg1: i32, %arg2: memref<24576xf32, #tpu.memory_space<hbm>>, %arg3: memref<65536xi32, #tpu.memory_space<hbm>>, %arg4: memref<393216xf32, #tpu.memory_space<hbm>>, %arg5: memref<3072xf32, #tpu.memory_space<vmem>>, %arg6: memref<2048xi32, #tpu.memory_space<vmem>>, %arg7: memref<12288xf32, #tpu.memory_space<vmem>>) attributes {dimension_semantics = [#tpu.dimension_semantics<core_parallel>, #tpu.dimension_semantics<subcore_parallel>], iteration_bounds = array<i64: 2, 16>, scalar_prefetch = 0 : i64, scratch_operands = 3 : i64, tpu.core_type = #tpu.core_type<sc_vector_subcore>, window_params = [{transform_indices = #map}, {transform_indices = #map}, {transform_indices = #map}]} {
    %mul3A = arith.constant 2 : i32
    %mul3A_0 = arith.muli %arg1, %mul3A : i32
    %add3A = arith.addi %mul3A_0, %arg0 : i32
    %jit3A = arith.constant 4 : i32
    %div3A = arith.divsi %add3A, %jit3A : i32
    %sign3A = arith.constant 0 : i32
    %sign3A_1 = arith.cmpi sgt, %add3A, %sign3A : i32
    %sign3A_2 = arith.extui %sign3A_1 : i1 to i32
    %sign3A_3 = arith.constant 0 : i32
    %sign3A_4 = arith.cmpi slt, %add3A, %sign3A_3 : i32
    %sign3A_5 = arith.extui %sign3A_4 : i1 to i32
    %sign3A_6 = arith.subi %sign3A_2, %sign3A_5 : i32
    %sign3A_7 = arith.constant 0 : i32
    %sign3A_8 = arith.cmpi sgt, %jit3A, %sign3A_7 : i32
    %sign3A_9 = arith.extui %sign3A_8 : i1 to i32
    %sign3A_10 = arith.constant 0 : i32
    %sign3A_11 = arith.cmpi slt, %jit3A, %sign3A_10 : i32
    %sign3A_12 = arith.extui %sign3A_11 : i1 to i32
    %sign3A_13 = arith.subi %sign3A_9, %sign3A_12 : i32
    %ne3A = arith.cmpi ne, %sign3A_6, %sign3A_13 : i32
    %rem3A = arith.remsi %add3A, %jit3A : i32
    %ne3A_14 = arith.constant 0 : i32
    %ne3A_15 = arith.cmpi ne, %rem3A, %ne3A_14 : i32
    %and3A = arith.andi %ne3A, %ne3A_15 : i1
    %sub3A = arith.constant 1 : i32
    %sub3A_16 = arith.subi %div3A, %sub3A : i32
    %select_n3A = arith.select %and3A, %sub3A_16, %div3A : i32
    %mul3A_17 = arith.constant 8192 : i32
    %mul3A_18 = arith.muli %select_n3A, %mul3A_17 : i32
    %jit3A_19 = arith.constant 4 : i32
    %eq3A = arith.constant 0 : i32
    %eq3A_20 = arith.cmpi eq, %jit3A_19, %eq3A : i32
    %jit3A_21 = arith.constant 1 : i32
    %select_n3A_22 = arith.select %eq3A_20, %jit3A_21, %jit3A_19 : i32
    %rem3A_23 = arith.remsi %add3A, %select_n3A_22 : i32
    %ne3A_24 = arith.constant 0 : i32
    %ne3A_25 = arith.cmpi ne, %rem3A_23, %ne3A_24 : i32
    %lt3A = arith.constant 0 : i32
    %lt3A_26 = arith.cmpi slt, %rem3A_23, %lt3A : i32
    %lt3A_27 = arith.constant 0 : i32
    %lt3A_28 = arith.cmpi slt, %select_n3A_22, %lt3A_27 : i32
    %ne3A_29 = arith.xori %lt3A_26, %lt3A_28 : i1
    %and3A_30 = arith.andi %ne3A_29, %ne3A_25 : i1
    %add3A_31 = arith.addi %rem3A_23, %select_n3A_22 : i32
    %select_n3A_32 = arith.select %and3A_30, %add3A_31, %rem3A_23 : i32
    %mul3A_33 = arith.constant 2048 : i32
    %mul3A_34 = arith.muli %select_n3A_32, %mul3A_33 : i32
    %add3A_35 = arith.addi %mul3A_18, %mul3A_34 : i32
    %mul3A_36 = arith.constant 3072 : i32
    %mul3A_37 = arith.muli %select_n3A, %mul3A_36 : i32
    "tpu.region"() ({
      %run_scoped3A = tpu.sem_alloc : memref<!tpu.dma_semaphore, #tpu.memory_space<semaphore_mem>>
      %dma_start3A = tpu.memref_slice %arg2[%mul3A_37] : memref<24576xf32, #tpu.memory_space<hbm>> -> memref<3072xf32, #tpu.memory_space<hbm>>
      %dma_start3A_45 = tpu.memref_slice %arg2[%mul3A_37] : memref<24576xf32, #tpu.memory_space<hbm>> -> memref<3072xf32, #tpu.memory_space<hbm>>
      tpu.enqueue_dma source(%dma_start3A_45 : memref<3072xf32, #tpu.memory_space<hbm>>) target(%arg5 : memref<3072xf32, #tpu.memory_space<vmem>>) target_semaphore(%run_scoped3A : memref<!tpu.dma_semaphore, #tpu.memory_space<semaphore_mem>>)
      %dma_wait3A = tpu.memref_slice %arg2[%mul3A_37] : memref<24576xf32, #tpu.memory_space<hbm>> -> memref<3072xf32, #tpu.memory_space<hbm>>
      %dma_wait3A_46 = tpu.memref_slice %arg2[%mul3A_37] : memref<24576xf32, #tpu.memory_space<hbm>> -> memref<3072xf32, #tpu.memory_space<hbm>>
      tpu.wait_dma2 semaphore(%run_scoped3A : memref<!tpu.dma_semaphore, #tpu.memory_space<semaphore_mem>>) src(%dma_wait3A_46 : memref<3072xf32, #tpu.memory_space<hbm>>) dst(%arg5 : memref<3072xf32, #tpu.memory_space<vmem>>)
      tpu.yield
    }) : () -> ()
    "tpu.region"() ({
      %run_scoped3A = tpu.sem_alloc : memref<!tpu.dma_semaphore, #tpu.memory_space<semaphore_mem>>
      %dma_start3A = tpu.memref_slice %arg3[%add3A_35] : memref<65536xi32, #tpu.memory_space<hbm>> -> memref<2048xi32, #tpu.memory_space<hbm>>
      %dma_start3A_45 = tpu.memref_slice %arg3[%add3A_35] : memref<65536xi32, #tpu.memory_space<hbm>> -> memref<2048xi32, #tpu.memory_space<hbm>>
      tpu.enqueue_dma source(%dma_start3A_45 : memref<2048xi32, #tpu.memory_space<hbm>>) target(%arg6 : memref<2048xi32, #tpu.memory_space<vmem>>) target_semaphore(%run_scoped3A : memref<!tpu.dma_semaphore, #tpu.memory_space<semaphore_mem>>)
      %dma_wait3A = tpu.memref_slice %arg3[%add3A_35] : memref<65536xi32, #tpu.memory_space<hbm>> -> memref<2048xi32, #tpu.memory_space<hbm>>
      %dma_wait3A_46 = tpu.memref_slice %arg3[%add3A_35] : memref<65536xi32, #tpu.memory_space<hbm>> -> memref<2048xi32, #tpu.memory_space<hbm>>
      tpu.wait_dma2 semaphore(%run_scoped3A : memref<!tpu.dma_semaphore, #tpu.memory_space<semaphore_mem>>) src(%dma_wait3A_46 : memref<2048xi32, #tpu.memory_space<hbm>>) dst(%arg6 : memref<2048xi32, #tpu.memory_space<vmem>>)
      tpu.yield
    }) : () -> ()
    %iota3A = tpu.iota {dimensions = array<i32: 0>} : vector<16xi32>
    %scan3A = arith.constant 0 : i32
    %scan3A_38 = arith.constant 0 : i32
    %scan3A_39 = arith.constant 128 : i32
    %scan3A_40 = arith.addi %scan3A_38, %scan3A_39 : i32
    %scan3A_41 = arith.constant 1 : i32
    scf.for %scan3A_45 = %scan3A_38 to %scan3A_40 step %scan3A_41  : i32 {
      %mul3A_46 = arith.constant 16 : i32
      %mul3A_47 = arith.muli %scan3A_45, %mul3A_46 : i32
      %get3A = arith.index_cast %mul3A_47 : i32 to index
      %get3A_48 = tpu.vector_load %arg6[%get3A] {strides = array<i32>} : memref<2048xi32, #tpu.memory_space<vmem>>, vector<16xi32>,
      %mul3A_49 = arith.constant 6 : i32
      %mul3A_50 = vector.broadcast %mul3A_49 : i32 to vector<16xi32>
      %mul3A_51 = arith.muli %get3A_48, %mul3A_50 : vector<16xi32>
      %mul3A_52 = arith.constant 16 : i32
      %mul3A_53 = arith.muli %scan3A_45, %mul3A_52 : i32
      %add3A_54 = vector.broadcast %mul3A_53 : i32 to vector<16xi32>
      %add3A_55 = arith.addi %add3A_54, %iota3A : vector<16xi32>
      %mul3A_56 = arith.constant 6 : i32
      %mul3A_57 = vector.broadcast %mul3A_56 : i32 to vector<16xi32>
      %mul3A_58 = arith.muli %add3A_55, %mul3A_57 : vector<16xi32>
      %add3A_59 = arith.constant 0 : i32
      %add3A_60 = vector.broadcast %add3A_59 : i32 to vector<16xi32>
      %add3A_61 = arith.addi %mul3A_51, %add3A_60 : vector<16xi32>
      %gather3A = tpu.vector_load_idx %arg5[%add3A_61] : memref<3072xf32, #tpu.memory_space<vmem>>[vector<16xi32>], vector<16xf32>,
      %add3A_62 = arith.constant 0 : i32
      %add3A_63 = vector.broadcast %add3A_62 : i32 to vector<16xi32>
      %add3A_64 = arith.addi %mul3A_58, %add3A_63 : vector<16xi32>
      tpu.vector_store_idx %arg7[%add3A_64], %gather3A : memref<12288xf32, #tpu.memory_space<vmem>>[vector<16xi32>], vector<16xf32>,
      %add3A_65 = arith.constant 1 : i32
      %add3A_66 = vector.broadcast %add3A_65 : i32 to vector<16xi32>
      %add3A_67 = arith.addi %mul3A_51, %add3A_66 : vector<16xi32>
      %gather3A_68 = tpu.vector_load_idx %arg5[%add3A_67] : memref<3072xf32, #tpu.memory_space<vmem>>[vector<16xi32>], vector<16xf32>,
      %add3A_69 = arith.constant 1 : i32
      %add3A_70 = vector.broadcast %add3A_69 : i32 to vector<16xi32>
      %add3A_71 = arith.addi %mul3A_58, %add3A_70 : vector<16xi32>
      tpu.vector_store_idx %arg7[%add3A_71], %gather3A_68 : memref<12288xf32, #tpu.memory_space<vmem>>[vector<16xi32>], vector<16xf32>,
      %add3A_72 = arith.constant 2 : i32
      %add3A_73 = vector.broadcast %add3A_72 : i32 to vector<16xi32>
      %add3A_74 = arith.addi %mul3A_51, %add3A_73 : vector<16xi32>
      %gather3A_75 = tpu.vector_load_idx %arg5[%add3A_74] : memref<3072xf32, #tpu.memory_space<vmem>>[vector<16xi32>], vector<16xf32>,
      %add3A_76 = arith.constant 2 : i32
      %add3A_77 = vector.broadcast %add3A_76 : i32 to vector<16xi32>
      %add3A_78 = arith.addi %mul3A_58, %add3A_77 : vector<16xi32>
      tpu.vector_store_idx %arg7[%add3A_78], %gather3A_75 : memref<12288xf32, #tpu.memory_space<vmem>>[vector<16xi32>], vector<16xf32>,
      %add3A_79 = arith.constant 3 : i32
      %add3A_80 = vector.broadcast %add3A_79 : i32 to vector<16xi32>
      %add3A_81 = arith.addi %mul3A_51, %add3A_80 : vector<16xi32>
      %gather3A_82 = tpu.vector_load_idx %arg5[%add3A_81] : memref<3072xf32, #tpu.memory_space<vmem>>[vector<16xi32>], vector<16xf32>,
      %add3A_83 = arith.constant 3 : i32
      %add3A_84 = vector.broadcast %add3A_83 : i32 to vector<16xi32>
      %add3A_85 = arith.addi %mul3A_58, %add3A_84 : vector<16xi32>
      tpu.vector_store_idx %arg7[%add3A_85], %gather3A_82 : memref<12288xf32, #tpu.memory_space<vmem>>[vector<16xi32>], vector<16xf32>,
      %add3A_86 = arith.constant 4 : i32
      %add3A_87 = vector.broadcast %add3A_86 : i32 to vector<16xi32>
      %add3A_88 = arith.addi %mul3A_51, %add3A_87 : vector<16xi32>
      %gather3A_89 = tpu.vector_load_idx %arg5[%add3A_88] : memref<3072xf32, #tpu.memory_space<vmem>>[vector<16xi32>], vector<16xf32>,
      %add3A_90 = arith.constant 4 : i32
      %add3A_91 = vector.broadcast %add3A_90 : i32 to vector<16xi32>
      %add3A_92 = arith.addi %mul3A_58, %add3A_91 : vector<16xi32>
      tpu.vector_store_idx %arg7[%add3A_92], %gather3A_89 : memref<12288xf32, #tpu.memory_space<vmem>>[vector<16xi32>], vector<16xf32>,
      %add3A_93 = arith.constant 5 : i32
      %add3A_94 = vector.broadcast %add3A_93 : i32 to vector<16xi32>
      %add3A_95 = arith.addi %mul3A_51, %add3A_94 : vector<16xi32>
      %gather3A_96 = tpu.vector_load_idx %arg5[%add3A_95] : memref<3072xf32, #tpu.memory_space<vmem>>[vector<16xi32>], vector<16xf32>,
      %add3A_97 = arith.constant 5 : i32
      %add3A_98 = vector.broadcast %add3A_97 : i32 to vector<16xi32>
      %add3A_99 = arith.addi %mul3A_58, %add3A_98 : vector<16xi32>
      tpu.vector_store_idx %arg7[%add3A_99], %gather3A_96 : memref<12288xf32, #tpu.memory_space<vmem>>[vector<16xi32>], vector<16xf32>,
    }
    %scan3A_42 = arith.constant 128 : i32
    %mul3A_43 = arith.constant 6 : i32
    %mul3A_44 = arith.muli %add3A_35, %mul3A_43 : i32
    "tpu.region"() ({
      %run_scoped3A = tpu.sem_alloc : memref<!tpu.dma_semaphore, #tpu.memory_space<semaphore_mem>>
      %dma_start3A = tpu.memref_slice %arg4[%mul3A_44] : memref<393216xf32, #tpu.memory_space<hbm>> -> memref<12288xf32, #tpu.memory_space<hbm>>
      %dma_start3A_45 = tpu.memref_slice %arg4[%mul3A_44] : memref<393216xf32, #tpu.memory_space<hbm>> -> memref<12288xf32, #tpu.memory_space<hbm>>
      tpu.enqueue_dma source(%arg7 : memref<12288xf32, #tpu.memory_space<vmem>>) target(%dma_start3A_45 : memref<12288xf32, #tpu.memory_space<hbm>>) target_semaphore(%run_scoped3A : memref<!tpu.dma_semaphore, #tpu.memory_space<semaphore_mem>>)
      %dma_wait3A = tpu.memref_slice %arg4[%mul3A_44] : memref<393216xf32, #tpu.memory_space<hbm>> -> memref<12288xf32, #tpu.memory_space<hbm>>
      %dma_wait3A_46 = tpu.memref_slice %arg4[%mul3A_44] : memref<393216xf32, #tpu.memory_space<hbm>> -> memref<12288xf32, #tpu.memory_space<hbm>>
      tpu.wait_dma2 semaphore(%run_scoped3A : memref<!tpu.dma_semaphore, #tpu.memory_space<semaphore_mem>>) src(%arg7 : memref<12288xf32, #tpu.memory_space<vmem>>) dst(%dma_wait3A_46 : memref<12288xf32, #tpu.memory_space<hbm>>)
      tpu.yield
    }) : () -> ()
    return
  }
}

#map = affine_map<(d0, d1) -> (0)>
module attributes {stable_mosaic.version = 14 : i64} {
  func.func @k(%arg0: i32, %arg1: i32, %arg2: memref<393216xf32, #tpu.memory_space<hbm>>, %arg3: memref<196608xi32, #tpu.memory_space<hbm>>, %arg4: memref<1179648xf32, #tpu.memory_space<hbm>>, %arg5: memref<49152xf32, #tpu.memory_space<vmem>>, %arg6: memref<6144xi32, #tpu.memory_space<vmem>>, %arg7: memref<36864xf32, #tpu.memory_space<vmem>>) attributes {dimension_semantics = [#tpu.dimension_semantics<core_parallel>, #tpu.dimension_semantics<subcore_parallel>], iteration_bounds = array<i64: 2, 16>, scalar_prefetch = 0 : i64, scratch_operands = 3 : i64, tpu.core_type = #tpu.core_type<sc_vector_subcore>, window_params = [{transform_indices = #map}, {transform_indices = #map}, {transform_indices = #map}]} {
    %mul3A = arith.constant 2 : i32
    %mul3A_0 = arith.muli %arg1, %mul3A : i32
    %add3A = arith.addi %mul3A_0, %arg0 : i32
    %jit3A = arith.constant 4 : i32
    %div3A = arith.divsi %add3A, %jit3A : i32
    %sign3A = arith.constant 0 : i32
    %sign3A_1 = arith.cmpi sgt, %add3A, %sign3A : i32
    %sign3A_2 = arith.extui %sign3A_1 : i1 to i32
    %sign3A_3 = arith.constant 0 : i32
    %sign3A_4 = arith.cmpi slt, %add3A, %sign3A_3 : i32
    %sign3A_5 = arith.extui %sign3A_4 : i1 to i32
    %sign3A_6 = arith.subi %sign3A_2, %sign3A_5 : i32
    %sign3A_7 = arith.constant 0 : i32
    %sign3A_8 = arith.cmpi sgt, %jit3A, %sign3A_7 : i32
    %sign3A_9 = arith.extui %sign3A_8 : i1 to i32
    %sign3A_10 = arith.constant 0 : i32
    %sign3A_11 = arith.cmpi slt, %jit3A, %sign3A_10 : i32
    %sign3A_12 = arith.extui %sign3A_11 : i1 to i32
    %sign3A_13 = arith.subi %sign3A_9, %sign3A_12 : i32
    %ne3A = arith.cmpi ne, %sign3A_6, %sign3A_13 : i32
    %rem3A = arith.remsi %add3A, %jit3A : i32
    %ne3A_14 = arith.constant 0 : i32
    %ne3A_15 = arith.cmpi ne, %rem3A, %ne3A_14 : i32
    %and3A = arith.andi %ne3A, %ne3A_15 : i1
    %sub3A = arith.constant 1 : i32
    %sub3A_16 = arith.subi %div3A, %sub3A : i32
    %select_n3A = arith.select %and3A, %sub3A_16, %div3A : i32
    %mul3A_17 = arith.constant 24576 : i32
    %mul3A_18 = arith.muli %select_n3A, %mul3A_17 : i32
    %jit3A_19 = arith.constant 4 : i32
    %eq3A = arith.constant 0 : i32
    %eq3A_20 = arith.cmpi eq, %jit3A_19, %eq3A : i32
    %jit3A_21 = arith.constant 1 : i32
    %select_n3A_22 = arith.select %eq3A_20, %jit3A_21, %jit3A_19 : i32
    %rem3A_23 = arith.remsi %add3A, %select_n3A_22 : i32
    %ne3A_24 = arith.constant 0 : i32
    %ne3A_25 = arith.cmpi ne, %rem3A_23, %ne3A_24 : i32
    %lt3A = arith.constant 0 : i32
    %lt3A_26 = arith.cmpi slt, %rem3A_23, %lt3A : i32
    %lt3A_27 = arith.constant 0 : i32
    %lt3A_28 = arith.cmpi slt, %select_n3A_22, %lt3A_27 : i32
    %ne3A_29 = arith.xori %lt3A_26, %lt3A_28 : i1
    %and3A_30 = arith.andi %ne3A_29, %ne3A_25 : i1
    %add3A_31 = arith.addi %rem3A_23, %select_n3A_22 : i32
    %select_n3A_32 = arith.select %and3A_30, %add3A_31, %rem3A_23 : i32
    %mul3A_33 = arith.constant 6144 : i32
    %mul3A_34 = arith.muli %select_n3A_32, %mul3A_33 : i32
    %add3A_35 = arith.addi %mul3A_18, %mul3A_34 : i32
    %mul3A_36 = arith.constant 49152 : i32
    %mul3A_37 = arith.muli %select_n3A, %mul3A_36 : i32
    "tpu.region"() ({
      %run_scoped3A = tpu.sem_alloc : memref<!tpu.dma_semaphore, #tpu.memory_space<semaphore_mem>>
      %dma_start3A = tpu.memref_slice %arg2[%mul3A_37] : memref<393216xf32, #tpu.memory_space<hbm>> -> memref<49152xf32, #tpu.memory_space<hbm>>
      %dma_start3A_45 = tpu.memref_slice %arg2[%mul3A_37] : memref<393216xf32, #tpu.memory_space<hbm>> -> memref<49152xf32, #tpu.memory_space<hbm>>
      tpu.enqueue_dma source(%dma_start3A_45 : memref<49152xf32, #tpu.memory_space<hbm>>) target(%arg5 : memref<49152xf32, #tpu.memory_space<vmem>>) target_semaphore(%run_scoped3A : memref<!tpu.dma_semaphore, #tpu.memory_space<semaphore_mem>>)
      %dma_wait3A = tpu.memref_slice %arg2[%mul3A_37] : memref<393216xf32, #tpu.memory_space<hbm>> -> memref<49152xf32, #tpu.memory_space<hbm>>
      %dma_wait3A_46 = tpu.memref_slice %arg2[%mul3A_37] : memref<393216xf32, #tpu.memory_space<hbm>> -> memref<49152xf32, #tpu.memory_space<hbm>>
      tpu.wait_dma2 semaphore(%run_scoped3A : memref<!tpu.dma_semaphore, #tpu.memory_space<semaphore_mem>>) src(%dma_wait3A_46 : memref<49152xf32, #tpu.memory_space<hbm>>) dst(%arg5 : memref<49152xf32, #tpu.memory_space<vmem>>)
      tpu.yield
    }) : () -> ()
    "tpu.region"() ({
      %run_scoped3A = tpu.sem_alloc : memref<!tpu.dma_semaphore, #tpu.memory_space<semaphore_mem>>
      %dma_start3A = tpu.memref_slice %arg3[%add3A_35] : memref<196608xi32, #tpu.memory_space<hbm>> -> memref<6144xi32, #tpu.memory_space<hbm>>
      %dma_start3A_45 = tpu.memref_slice %arg3[%add3A_35] : memref<196608xi32, #tpu.memory_space<hbm>> -> memref<6144xi32, #tpu.memory_space<hbm>>
      tpu.enqueue_dma source(%dma_start3A_45 : memref<6144xi32, #tpu.memory_space<hbm>>) target(%arg6 : memref<6144xi32, #tpu.memory_space<vmem>>) target_semaphore(%run_scoped3A : memref<!tpu.dma_semaphore, #tpu.memory_space<semaphore_mem>>)
      %dma_wait3A = tpu.memref_slice %arg3[%add3A_35] : memref<196608xi32, #tpu.memory_space<hbm>> -> memref<6144xi32, #tpu.memory_space<hbm>>
      %dma_wait3A_46 = tpu.memref_slice %arg3[%add3A_35] : memref<196608xi32, #tpu.memory_space<hbm>> -> memref<6144xi32, #tpu.memory_space<hbm>>
      tpu.wait_dma2 semaphore(%run_scoped3A : memref<!tpu.dma_semaphore, #tpu.memory_space<semaphore_mem>>) src(%dma_wait3A_46 : memref<6144xi32, #tpu.memory_space<hbm>>) dst(%arg6 : memref<6144xi32, #tpu.memory_space<vmem>>)
      tpu.yield
    }) : () -> ()
    %iota3A = tpu.iota {dimensions = array<i32: 0>} : vector<16xi32>
    %scan3A = arith.constant 0 : i32
    %scan3A_38 = arith.constant 0 : i32
    %scan3A_39 = arith.constant 384 : i32
    %scan3A_40 = arith.addi %scan3A_38, %scan3A_39 : i32
    %scan3A_41 = arith.constant 1 : i32
    scf.for %scan3A_45 = %scan3A_38 to %scan3A_40 step %scan3A_41  : i32 {
      %mul3A_46 = arith.constant 16 : i32
      %mul3A_47 = arith.muli %scan3A_45, %mul3A_46 : i32
      %get3A = arith.index_cast %mul3A_47 : i32 to index
      %get3A_48 = tpu.vector_load %arg6[%get3A] {strides = array<i32>} : memref<6144xi32, #tpu.memory_space<vmem>>, vector<16xi32>,
      %mul3A_49 = arith.constant 6 : i32
      %mul3A_50 = vector.broadcast %mul3A_49 : i32 to vector<16xi32>
      %mul3A_51 = arith.muli %get3A_48, %mul3A_50 : vector<16xi32>
      %mul3A_52 = arith.constant 16 : i32
      %mul3A_53 = arith.muli %scan3A_45, %mul3A_52 : i32
      %add3A_54 = vector.broadcast %mul3A_53 : i32 to vector<16xi32>
      %add3A_55 = arith.addi %add3A_54, %iota3A : vector<16xi32>
      %mul3A_56 = arith.constant 6 : i32
      %mul3A_57 = vector.broadcast %mul3A_56 : i32 to vector<16xi32>
      %mul3A_58 = arith.muli %add3A_55, %mul3A_57 : vector<16xi32>
      %add3A_59 = arith.constant 0 : i32
      %add3A_60 = vector.broadcast %add3A_59 : i32 to vector<16xi32>
      %add3A_61 = arith.addi %mul3A_51, %add3A_60 : vector<16xi32>
      %gather3A = tpu.vector_load_idx %arg5[%add3A_61] : memref<49152xf32, #tpu.memory_space<vmem>>[vector<16xi32>], vector<16xf32>,
      %add3A_62 = arith.constant 0 : i32
      %add3A_63 = vector.broadcast %add3A_62 : i32 to vector<16xi32>
      %add3A_64 = arith.addi %mul3A_58, %add3A_63 : vector<16xi32>
      tpu.vector_store_idx %arg7[%add3A_64], %gather3A : memref<36864xf32, #tpu.memory_space<vmem>>[vector<16xi32>], vector<16xf32>,
      %add3A_65 = arith.constant 1 : i32
      %add3A_66 = vector.broadcast %add3A_65 : i32 to vector<16xi32>
      %add3A_67 = arith.addi %mul3A_51, %add3A_66 : vector<16xi32>
      %gather3A_68 = tpu.vector_load_idx %arg5[%add3A_67] : memref<49152xf32, #tpu.memory_space<vmem>>[vector<16xi32>], vector<16xf32>,
      %add3A_69 = arith.constant 1 : i32
      %add3A_70 = vector.broadcast %add3A_69 : i32 to vector<16xi32>
      %add3A_71 = arith.addi %mul3A_58, %add3A_70 : vector<16xi32>
      tpu.vector_store_idx %arg7[%add3A_71], %gather3A_68 : memref<36864xf32, #tpu.memory_space<vmem>>[vector<16xi32>], vector<16xf32>,
      %add3A_72 = arith.constant 2 : i32
      %add3A_73 = vector.broadcast %add3A_72 : i32 to vector<16xi32>
      %add3A_74 = arith.addi %mul3A_51, %add3A_73 : vector<16xi32>
      %gather3A_75 = tpu.vector_load_idx %arg5[%add3A_74] : memref<49152xf32, #tpu.memory_space<vmem>>[vector<16xi32>], vector<16xf32>,
      %add3A_76 = arith.constant 2 : i32
      %add3A_77 = vector.broadcast %add3A_76 : i32 to vector<16xi32>
      %add3A_78 = arith.addi %mul3A_58, %add3A_77 : vector<16xi32>
      tpu.vector_store_idx %arg7[%add3A_78], %gather3A_75 : memref<36864xf32, #tpu.memory_space<vmem>>[vector<16xi32>], vector<16xf32>,
      %add3A_79 = arith.constant 3 : i32
      %add3A_80 = vector.broadcast %add3A_79 : i32 to vector<16xi32>
      %add3A_81 = arith.addi %mul3A_51, %add3A_80 : vector<16xi32>
      %gather3A_82 = tpu.vector_load_idx %arg5[%add3A_81] : memref<49152xf32, #tpu.memory_space<vmem>>[vector<16xi32>], vector<16xf32>,
      %add3A_83 = arith.constant 3 : i32
      %add3A_84 = vector.broadcast %add3A_83 : i32 to vector<16xi32>
      %add3A_85 = arith.addi %mul3A_58, %add3A_84 : vector<16xi32>
      tpu.vector_store_idx %arg7[%add3A_85], %gather3A_82 : memref<36864xf32, #tpu.memory_space<vmem>>[vector<16xi32>], vector<16xf32>,
      %add3A_86 = arith.constant 4 : i32
      %add3A_87 = vector.broadcast %add3A_86 : i32 to vector<16xi32>
      %add3A_88 = arith.addi %mul3A_51, %add3A_87 : vector<16xi32>
      %gather3A_89 = tpu.vector_load_idx %arg5[%add3A_88] : memref<49152xf32, #tpu.memory_space<vmem>>[vector<16xi32>], vector<16xf32>,
      %add3A_90 = arith.constant 4 : i32
      %add3A_91 = vector.broadcast %add3A_90 : i32 to vector<16xi32>
      %add3A_92 = arith.addi %mul3A_58, %add3A_91 : vector<16xi32>
      tpu.vector_store_idx %arg7[%add3A_92], %gather3A_89 : memref<36864xf32, #tpu.memory_space<vmem>>[vector<16xi32>], vector<16xf32>,
      %add3A_93 = arith.constant 5 : i32
      %add3A_94 = vector.broadcast %add3A_93 : i32 to vector<16xi32>
      %add3A_95 = arith.addi %mul3A_51, %add3A_94 : vector<16xi32>
      %gather3A_96 = tpu.vector_load_idx %arg5[%add3A_95] : memref<49152xf32, #tpu.memory_space<vmem>>[vector<16xi32>], vector<16xf32>,
      %add3A_97 = arith.constant 5 : i32
      %add3A_98 = vector.broadcast %add3A_97 : i32 to vector<16xi32>
      %add3A_99 = arith.addi %mul3A_58, %add3A_98 : vector<16xi32>
      tpu.vector_store_idx %arg7[%add3A_99], %gather3A_96 : memref<36864xf32, #tpu.memory_space<vmem>>[vector<16xi32>], vector<16xf32>,
    }
    %scan3A_42 = arith.constant 384 : i32
    %mul3A_43 = arith.constant 6 : i32
    %mul3A_44 = arith.muli %add3A_35, %mul3A_43 : i32
    "tpu.region"() ({
      %run_scoped3A = tpu.sem_alloc : memref<!tpu.dma_semaphore, #tpu.memory_space<semaphore_mem>>
      %dma_start3A = tpu.memref_slice %arg4[%mul3A_44] : memref<1179648xf32, #tpu.memory_space<hbm>> -> memref<36864xf32, #tpu.memory_space<hbm>>
      %dma_start3A_45 = tpu.memref_slice %arg4[%mul3A_44] : memref<1179648xf32, #tpu.memory_space<hbm>> -> memref<36864xf32, #tpu.memory_space<hbm>>
      tpu.enqueue_dma source(%arg7 : memref<36864xf32, #tpu.memory_space<vmem>>) target(%dma_start3A_45 : memref<36864xf32, #tpu.memory_space<hbm>>) target_semaphore(%run_scoped3A : memref<!tpu.dma_semaphore, #tpu.memory_space<semaphore_mem>>)
      %dma_wait3A = tpu.memref_slice %arg4[%mul3A_44] : memref<1179648xf32, #tpu.memory_space<hbm>> -> memref<36864xf32, #tpu.memory_space<hbm>>
      %dma_wait3A_46 = tpu.memref_slice %arg4[%mul3A_44] : memref<1179648xf32, #tpu.memory_space<hbm>> -> memref<36864xf32, #tpu.memory_space<hbm>>
      tpu.wait_dma2 semaphore(%run_scoped3A : memref<!tpu.dma_semaphore, #tpu.memory_space<semaphore_mem>>) src(%arg7 : memref<36864xf32, #tpu.memory_space<vmem>>) dst(%dma_wait3A_46 : memref<36864xf32, #tpu.memory_space<hbm>>)
      tpu.yield
    }) : () -> ()
    return
  }
}

#map = affine_map<(d0, d1) -> (0, 0)>
#map1 = affine_map<(d0, d1) -> (0)>
module attributes {stable_mosaic.version = 14 : i64} {
  func.func @k(%arg0: i32, %arg1: i32, %arg2: memref<4096x128xf32, #tpu.memory_space<hbm>>, %arg3: memref<65536xi32, #tpu.memory_space<hbm>>, %arg4: memref<65536x128xf32, #tpu.memory_space<hbm>>, %arg5: memref<2048xi32, #tpu.memory_space<vmem>>, %arg6: memref<512x128xf32, #tpu.memory_space<vmem>>, %arg7: memref<!tpu.dma_semaphore, #tpu.memory_space<semaphore_mem>>) attributes {dimension_semantics = [#tpu.dimension_semantics<core_parallel>, #tpu.dimension_semantics<subcore_parallel>], iteration_bounds = array<i64: 2, 16>, scalar_prefetch = 0 : i64, scratch_operands = 3 : i64, tpu.core_type = #tpu.core_type<sc_vector_subcore>, window_params = [{transform_indices = #map}, {transform_indices = #map1}, {transform_indices = #map}]} {
    %mul3A = arith.constant 2 : i32
    %mul3A_0 = arith.muli %arg1, %mul3A : i32
    %add3A = arith.addi %mul3A_0, %arg0 : i32
    %mul3A_1 = arith.constant 2048 : i32
    %mul3A_2 = arith.muli %add3A, %mul3A_1 : i32
    "tpu.region"() ({
      %run_scoped3A = tpu.sem_alloc : memref<!tpu.dma_semaphore, #tpu.memory_space<semaphore_mem>>
      %dma_start3A_49 = tpu.memref_slice %arg3[%mul3A_2] : memref<65536xi32, #tpu.memory_space<hbm>> -> memref<2048xi32, #tpu.memory_space<hbm>>
      %dma_start3A_50 = tpu.memref_slice %arg3[%mul3A_2] : memref<65536xi32, #tpu.memory_space<hbm>> -> memref<2048xi32, #tpu.memory_space<hbm>>
      tpu.enqueue_dma source(%dma_start3A_50 : memref<2048xi32, #tpu.memory_space<hbm>>) target(%arg5 : memref<2048xi32, #tpu.memory_space<vmem>>) target_semaphore(%run_scoped3A : memref<!tpu.dma_semaphore, #tpu.memory_space<semaphore_mem>>)
      %dma_wait3A_51 = tpu.memref_slice %arg3[%mul3A_2] : memref<65536xi32, #tpu.memory_space<hbm>> -> memref<2048xi32, #tpu.memory_space<hbm>>
      %dma_wait3A_52 = tpu.memref_slice %arg3[%mul3A_2] : memref<65536xi32, #tpu.memory_space<hbm>> -> memref<2048xi32, #tpu.memory_space<hbm>>
      tpu.wait_dma2 semaphore(%run_scoped3A : memref<!tpu.dma_semaphore, #tpu.memory_space<semaphore_mem>>) src(%dma_wait3A_52 : memref<2048xi32, #tpu.memory_space<hbm>>) dst(%arg5 : memref<2048xi32, #tpu.memory_space<vmem>>)
      tpu.yield
    }) : () -> ()
    %dma_start3A = arith.constant 0 : i32
    %dma_start3A_3 = tpu.memref_slice %arg5[%dma_start3A] : memref<2048xi32, #tpu.memory_space<vmem>> -> memref<512xi32, #tpu.memory_space<vmem>>
    %dma_start3A_4 = arith.constant 0 : i32
    %dma_start3A_5 = arith.constant 0 : i32
    %dma_start3A_6 = tpu.memref_slice %arg2[%dma_start3A_4, %dma_start3A_5] : memref<4096x128xf32, #tpu.memory_space<hbm>> -> memref<4096x128xf32, #tpu.memory_space<hbm>>
    tpu.enqueue_indirect_dma source(%dma_start3A_6 : memref<4096x128xf32, #tpu.memory_space<hbm>>) target(%arg6 : memref<512x128xf32, #tpu.memory_space<vmem>>) offsets(%dma_start3A_3 : memref<512xi32, #tpu.memory_space<vmem>>) semaphore(%arg7 : memref<!tpu.dma_semaphore, #tpu.memory_space<semaphore_mem>>)
    %dma_wait3A = arith.constant 0 : i32
    %dma_wait3A_7 = tpu.memref_slice %arg5[%dma_wait3A] : memref<2048xi32, #tpu.memory_space<vmem>> -> memref<512xi32, #tpu.memory_space<vmem>>
    %dma_wait3A_8 = arith.constant 0 : i32
    %dma_wait3A_9 = arith.constant 0 : i32
    %dma_wait3A_10 = tpu.memref_slice %arg2[%dma_wait3A_8, %dma_wait3A_9] : memref<4096x128xf32, #tpu.memory_space<hbm>> -> memref<4096x128xf32, #tpu.memory_space<hbm>>
    tpu.wait_indirect_dma semaphore(%arg7 : memref<!tpu.dma_semaphore, #tpu.memory_space<semaphore_mem>>) src(%dma_wait3A_10 : memref<4096x128xf32, #tpu.memory_space<hbm>>) dst(%arg6 : memref<512x128xf32, #tpu.memory_space<vmem>>)
    %add3A_11 = arith.constant 0 : i32
    %add3A_12 = arith.addi %mul3A_2, %add3A_11 : i32
    "tpu.region"() ({
      %run_scoped3A = tpu.sem_alloc : memref<!tpu.dma_semaphore, #tpu.memory_space<semaphore_mem>>
      %dma_start3A_49 = arith.constant 0 : i32
      %dma_start3A_50 = tpu.memref_slice %arg4[%add3A_12, %dma_start3A_49] : memref<65536x128xf32, #tpu.memory_space<hbm>> -> memref<512x128xf32, #tpu.memory_space<hbm>>
      %dma_start3A_51 = arith.constant 0 : i32
      %dma_start3A_52 = tpu.memref_slice %arg4[%add3A_12, %dma_start3A_51] : memref<65536x128xf32, #tpu.memory_space<hbm>> -> memref<512x128xf32, #tpu.memory_space<hbm>>
      tpu.enqueue_dma source(%arg6 : memref<512x128xf32, #tpu.memory_space<vmem>>) target(%dma_start3A_52 : memref<512x128xf32, #tpu.memory_space<hbm>>) target_semaphore(%run_scoped3A : memref<!tpu.dma_semaphore, #tpu.memory_space<semaphore_mem>>)
      %dma_wait3A_53 = arith.constant 0 : i32
      %dma_wait3A_54 = tpu.memref_slice %arg4[%add3A_12, %dma_wait3A_53] : memref<65536x128xf32, #tpu.memory_space<hbm>> -> memref<512x128xf32, #tpu.memory_space<hbm>>
      %dma_wait3A_55 = arith.constant 0 : i32
      %dma_wait3A_56 = tpu.memref_slice %arg4[%add3A_12, %dma_wait3A_55] : memref<65536x128xf32, #tpu.memory_space<hbm>> -> memref<512x128xf32, #tpu.memory_space<hbm>>
      tpu.wait_dma2 semaphore(%run_scoped3A : memref<!tpu.dma_semaphore, #tpu.memory_space<semaphore_mem>>) src(%arg6 : memref<512x128xf32, #tpu.memory_space<vmem>>) dst(%dma_wait3A_56 : memref<512x128xf32, #tpu.memory_space<hbm>>)
      tpu.yield
    }) : () -> ()
    %dma_start3A_13 = arith.constant 512 : i32
    %dma_start3A_14 = tpu.memref_slice %arg5[%dma_start3A_13] : memref<2048xi32, #tpu.memory_space<vmem>> -> memref<512xi32, #tpu.memory_space<vmem>>
    %dma_start3A_15 = arith.constant 0 : i32
    %dma_start3A_16 = arith.constant 0 : i32
    %dma_start3A_17 = tpu.memref_slice %arg2[%dma_start3A_15, %dma_start3A_16] : memref<4096x128xf32, #tpu.memory_space<hbm>> -> memref<4096x128xf32, #tpu.memory_space<hbm>>
    tpu.enqueue_indirect_dma source(%dma_start3A_17 : memref<4096x128xf32, #tpu.memory_space<hbm>>) target(%arg6 : memref<512x128xf32, #tpu.memory_space<vmem>>) offsets(%dma_start3A_14 : memref<512xi32, #tpu.memory_space<vmem>>) semaphore(%arg7 : memref<!tpu.dma_semaphore, #tpu.memory_space<semaphore_mem>>)
    %dma_wait3A_18 = arith.constant 512 : i32
    %dma_wait3A_19 = tpu.memref_slice %arg5[%dma_wait3A_18] : memref<2048xi32, #tpu.memory_space<vmem>> -> memref<512xi32, #tpu.memory_space<vmem>>
    %dma_wait3A_20 = arith.constant 0 : i32
    %dma_wait3A_21 = arith.constant 0 : i32
    %dma_wait3A_22 = tpu.memref_slice %arg2[%dma_wait3A_20, %dma_wait3A_21] : memref<4096x128xf32, #tpu.memory_space<hbm>> -> memref<4096x128xf32, #tpu.memory_space<hbm>>
    tpu.wait_indirect_dma semaphore(%arg7 : memref<!tpu.dma_semaphore, #tpu.memory_space<semaphore_mem>>) src(%dma_wait3A_22 : memref<4096x128xf32, #tpu.memory_space<hbm>>) dst(%arg6 : memref<512x128xf32, #tpu.memory_space<vmem>>)
    %add3A_23 = arith.constant 512 : i32
    %add3A_24 = arith.addi %mul3A_2, %add3A_23 : i32
    "tpu.region"() ({
      %run_scoped3A = tpu.sem_alloc : memref<!tpu.dma_semaphore, #tpu.memory_space<semaphore_mem>>
      %dma_start3A_49 = arith.constant 0 : i32
      %dma_start3A_50 = tpu.memref_slice %arg4[%add3A_24, %dma_start3A_49] : memref<65536x128xf32, #tpu.memory_space<hbm>> -> memref<512x128xf32, #tpu.memory_space<hbm>>
      %dma_start3A_51 = arith.constant 0 : i32
      %dma_start3A_52 = tpu.memref_slice %arg4[%add3A_24, %dma_start3A_51] : memref<65536x128xf32, #tpu.memory_space<hbm>> -> memref<512x128xf32, #tpu.memory_space<hbm>>
      tpu.enqueue_dma source(%arg6 : memref<512x128xf32, #tpu.memory_space<vmem>>) target(%dma_start3A_52 : memref<512x128xf32, #tpu.memory_space<hbm>>) target_semaphore(%run_scoped3A : memref<!tpu.dma_semaphore, #tpu.memory_space<semaphore_mem>>)
      %dma_wait3A_53 = arith.constant 0 : i32
      %dma_wait3A_54 = tpu.memref_slice %arg4[%add3A_24, %dma_wait3A_53] : memref<65536x128xf32, #tpu.memory_space<hbm>> -> memref<512x128xf32, #tpu.memory_space<hbm>>
      %dma_wait3A_55 = arith.constant 0 : i32
      %dma_wait3A_56 = tpu.memref_slice %arg4[%add3A_24, %dma_wait3A_55] : memref<65536x128xf32, #tpu.memory_space<hbm>> -> memref<512x128xf32, #tpu.memory_space<hbm>>
      tpu.wait_dma2 semaphore(%run_scoped3A : memref<!tpu.dma_semaphore, #tpu.memory_space<semaphore_mem>>) src(%arg6 : memref<512x128xf32, #tpu.memory_space<vmem>>) dst(%dma_wait3A_56 : memref<512x128xf32, #tpu.memory_space<hbm>>)
      tpu.yield
    }) : () -> ()
    %dma_start3A_25 = arith.constant 1024 : i32
    %dma_start3A_26 = tpu.memref_slice %arg5[%dma_start3A_25] : memref<2048xi32, #tpu.memory_space<vmem>> -> memref<512xi32, #tpu.memory_space<vmem>>
    %dma_start3A_27 = arith.constant 0 : i32
    %dma_start3A_28 = arith.constant 0 : i32
    %dma_start3A_29 = tpu.memref_slice %arg2[%dma_start3A_27, %dma_start3A_28] : memref<4096x128xf32, #tpu.memory_space<hbm>> -> memref<4096x128xf32, #tpu.memory_space<hbm>>
    tpu.enqueue_indirect_dma source(%dma_start3A_29 : memref<4096x128xf32, #tpu.memory_space<hbm>>) target(%arg6 : memref<512x128xf32, #tpu.memory_space<vmem>>) offsets(%dma_start3A_26 : memref<512xi32, #tpu.memory_space<vmem>>) semaphore(%arg7 : memref<!tpu.dma_semaphore, #tpu.memory_space<semaphore_mem>>)
    %dma_wait3A_30 = arith.constant 1024 : i32
    %dma_wait3A_31 = tpu.memref_slice %arg5[%dma_wait3A_30] : memref<2048xi32, #tpu.memory_space<vmem>> -> memref<512xi32, #tpu.memory_space<vmem>>
    %dma_wait3A_32 = arith.constant 0 : i32
    %dma_wait3A_33 = arith.constant 0 : i32
    %dma_wait3A_34 = tpu.memref_slice %arg2[%dma_wait3A_32, %dma_wait3A_33] : memref<4096x128xf32, #tpu.memory_space<hbm>> -> memref<4096x128xf32, #tpu.memory_space<hbm>>
    tpu.wait_indirect_dma semaphore(%arg7 : memref<!tpu.dma_semaphore, #tpu.memory_space<semaphore_mem>>) src(%dma_wait3A_34 : memref<4096x128xf32, #tpu.memory_space<hbm>>) dst(%arg6 : memref<512x128xf32, #tpu.memory_space<vmem>>)
    %add3A_35 = arith.constant 1024 : i32
    %add3A_36 = arith.addi %mul3A_2, %add3A_35 : i32
    "tpu.region"() ({
      %run_scoped3A = tpu.sem_alloc : memref<!tpu.dma_semaphore, #tpu.memory_space<semaphore_mem>>
      %dma_start3A_49 = arith.constant 0 : i32
      %dma_start3A_50 = tpu.memref_slice %arg4[%add3A_36, %dma_start3A_49] : memref<65536x128xf32, #tpu.memory_space<hbm>> -> memref<512x128xf32, #tpu.memory_space<hbm>>
      %dma_start3A_51 = arith.constant 0 : i32
      %dma_start3A_52 = tpu.memref_slice %arg4[%add3A_36, %dma_start3A_51] : memref<65536x128xf32, #tpu.memory_space<hbm>> -> memref<512x128xf32, #tpu.memory_space<hbm>>
      tpu.enqueue_dma source(%arg6 : memref<512x128xf32, #tpu.memory_space<vmem>>) target(%dma_start3A_52 : memref<512x128xf32, #tpu.memory_space<hbm>>) target_semaphore(%run_scoped3A : memref<!tpu.dma_semaphore, #tpu.memory_space<semaphore_mem>>)
      %dma_wait3A_53 = arith.constant 0 : i32
      %dma_wait3A_54 = tpu.memref_slice %arg4[%add3A_36, %dma_wait3A_53] : memref<65536x128xf32, #tpu.memory_space<hbm>> -> memref<512x128xf32, #tpu.memory_space<hbm>>
      %dma_wait3A_55 = arith.constant 0 : i32
      %dma_wait3A_56 = tpu.memref_slice %arg4[%add3A_36, %dma_wait3A_55] : memref<65536x128xf32, #tpu.memory_space<hbm>> -> memref<512x128xf32, #tpu.memory_space<hbm>>
      tpu.wait_dma2 semaphore(%run_scoped3A : memref<!tpu.dma_semaphore, #tpu.memory_space<semaphore_mem>>) src(%arg6 : memref<512x128xf32, #tpu.memory_space<vmem>>) dst(%dma_wait3A_56 : memref<512x128xf32, #tpu.memory_space<hbm>>)
      tpu.yield
    }) : () -> ()
    %dma_start3A_37 = arith.constant 1536 : i32
    %dma_start3A_38 = tpu.memref_slice %arg5[%dma_start3A_37] : memref<2048xi32, #tpu.memory_space<vmem>> -> memref<512xi32, #tpu.memory_space<vmem>>
    %dma_start3A_39 = arith.constant 0 : i32
    %dma_start3A_40 = arith.constant 0 : i32
    %dma_start3A_41 = tpu.memref_slice %arg2[%dma_start3A_39, %dma_start3A_40] : memref<4096x128xf32, #tpu.memory_space<hbm>> -> memref<4096x128xf32, #tpu.memory_space<hbm>>
    tpu.enqueue_indirect_dma source(%dma_start3A_41 : memref<4096x128xf32, #tpu.memory_space<hbm>>) target(%arg6 : memref<512x128xf32, #tpu.memory_space<vmem>>) offsets(%dma_start3A_38 : memref<512xi32, #tpu.memory_space<vmem>>) semaphore(%arg7 : memref<!tpu.dma_semaphore, #tpu.memory_space<semaphore_mem>>)
    %dma_wait3A_42 = arith.constant 1536 : i32
    %dma_wait3A_43 = tpu.memref_slice %arg5[%dma_wait3A_42] : memref<2048xi32, #tpu.memory_space<vmem>> -> memref<512xi32, #tpu.memory_space<vmem>>
    %dma_wait3A_44 = arith.constant 0 : i32
    %dma_wait3A_45 = arith.constant 0 : i32
    %dma_wait3A_46 = tpu.memref_slice %arg2[%dma_wait3A_44, %dma_wait3A_45] : memref<4096x128xf32, #tpu.memory_space<hbm>> -> memref<4096x128xf32, #tpu.memory_space<hbm>>
    tpu.wait_indirect_dma semaphore(%arg7 : memref<!tpu.dma_semaphore, #tpu.memory_space<semaphore_mem>>) src(%dma_wait3A_46 : memref<4096x128xf32, #tpu.memory_space<hbm>>) dst(%arg6 : memref<512x128xf32, #tpu.memory_space<vmem>>)
    %add3A_47 = arith.constant 1536 : i32
    %add3A_48 = arith.addi %mul3A_2, %add3A_47 : i32
    "tpu.region"() ({
      %run_scoped3A = tpu.sem_alloc : memref<!tpu.dma_semaphore, #tpu.memory_space<semaphore_mem>>
      %dma_start3A_49 = arith.constant 0 : i32
      %dma_start3A_50 = tpu.memref_slice %arg4[%add3A_48, %dma_start3A_49] : memref<65536x128xf32, #tpu.memory_space<hbm>> -> memref<512x128xf32, #tpu.memory_space<hbm>>
      %dma_start3A_51 = arith.constant 0 : i32
      %dma_start3A_52 = tpu.memref_slice %arg4[%add3A_48, %dma_start3A_51] : memref<65536x128xf32, #tpu.memory_space<hbm>> -> memref<512x128xf32, #tpu.memory_space<hbm>>
      tpu.enqueue_dma source(%arg6 : memref<512x128xf32, #tpu.memory_space<vmem>>) target(%dma_start3A_52 : memref<512x128xf32, #tpu.memory_space<hbm>>) target_semaphore(%run_scoped3A : memref<!tpu.dma_semaphore, #tpu.memory_space<semaphore_mem>>)
      %dma_wait3A_53 = arith.constant 0 : i32
      %dma_wait3A_54 = tpu.memref_slice %arg4[%add3A_48, %dma_wait3A_53] : memref<65536x128xf32, #tpu.memory_space<hbm>> -> memref<512x128xf32, #tpu.memory_space<hbm>>
      %dma_wait3A_55 = arith.constant 0 : i32
      %dma_wait3A_56 = tpu.memref_slice %arg4[%add3A_48, %dma_wait3A_55] : memref<65536x128xf32, #tpu.memory_space<hbm>> -> memref<512x128xf32, #tpu.memory_space<hbm>>
      tpu.wait_dma2 semaphore(%run_scoped3A : memref<!tpu.dma_semaphore, #tpu.memory_space<semaphore_mem>>) src(%arg6 : memref<512x128xf32, #tpu.memory_space<vmem>>) dst(%dma_wait3A_56 : memref<512x128xf32, #tpu.memory_space<hbm>>)
      tpu.yield
    }) : () -> ()
    return
  }
}

module attributes {stable_mosaic.version = 14 : i64} {
  func.func @_sel_body(%arg0: i32, %arg1: i32, %arg2: memref<1x3x8192xf32, #tpu.memory_space<vmem>>, %arg3: memref<1x128x3xf32, #tpu.memory_space<vmem>>, %arg4: memref<1x128x26xi32, #tpu.memory_space<vmem>>) attributes {dimension_semantics = [#tpu.dimension_semantics<arbitrary>, #tpu.dimension_semantics<arbitrary>], iteration_bounds = array<i64: 8, 4>, scalar_prefetch = 0 : i64, scratch_operands = 0 : i64, tpu.core_type = #tpu.core_type<tc>, window_params = [{transform_indices = @transform_0, window_bounds = array<i64: 1, 3, 8192>}, {transform_indices = @transform_1, window_bounds = array<i64: 1, 128, 3>}, {transform_indices = @transform_2, window_bounds = array<i64: 1, 128, 26>}]} {
    %get3A = arith.constant 0 : index
    %get3A_0 = arith.constant 0 : index
    %get3A_1 = arith.constant 0 : index
    %get3A_2 = vector.load %arg2[%get3A, %get3A_0, %get3A_1] : memref<1x3x8192xf32, #tpu.memory_space<vmem>>, vector<1x3x8192xf32>
    %get3A_3 = vector.shape_cast %get3A_2 : vector<1x3x8192xf32> to vector<3x8192xf32>
    %get3A_4 = arith.constant 0 : index
    %get3A_5 = arith.constant 0 : index
    %get3A_6 = arith.constant 0 : index
    %get3A_7 = vector.load %arg3[%get3A_4, %get3A_5, %get3A_6] : memref<1x128x3xf32, #tpu.memory_space<vmem>>, vector<1x128x3xf32>
    %get3A_8 = vector.shape_cast %get3A_7 : vector<1x128x3xf32> to vector<128x3xf32>
    %slice3A = vector.extract_strided_slice %get3A_8 {offsets = [0, 0], sizes = [128, 1], strides = [1, 1]} : vector<128x3xf32> to vector<128x1xf32>
    %slice3A_9 = vector.extract_strided_slice %get3A_3 {offsets = [0, 0], sizes = [1, 8192], strides = [1, 1]} : vector<3x8192xf32> to vector<1x8192xf32>
    %sub3A = vector.broadcast %slice3A : vector<128x1xf32> to vector<128x8192xf32>
    %sub3A_10 = vector.broadcast %slice3A_9 : vector<1x8192xf32> to vector<128x8192xf32>
    %sub3A_11 = arith.subf %sub3A, %sub3A_10 : vector<128x8192xf32>
    %mul3A = arith.mulf %sub3A_11, %sub3A_11 : vector<128x8192xf32>
    %slice3A_12 = vector.extract_strided_slice %get3A_8 {offsets = [0, 1], sizes = [128, 1], strides = [1, 1]} : vector<128x3xf32> to vector<128x1xf32>
    %slice3A_13 = vector.extract_strided_slice %get3A_3 {offsets = [1, 0], sizes = [1, 8192], strides = [1, 1]} : vector<3x8192xf32> to vector<1x8192xf32>
    %sub3A_14 = vector.broadcast %slice3A_12 : vector<128x1xf32> to vector<128x8192xf32>
    %sub3A_15 = vector.broadcast %slice3A_13 : vector<1x8192xf32> to vector<128x8192xf32>
    %sub3A_16 = arith.subf %sub3A_14, %sub3A_15 : vector<128x8192xf32>
    %mul3A_17 = arith.mulf %sub3A_16, %sub3A_16 : vector<128x8192xf32>
    %add3A = arith.addf %mul3A, %mul3A_17 : vector<128x8192xf32>
    %slice3A_18 = vector.extract_strided_slice %get3A_8 {offsets = [0, 2], sizes = [128, 1], strides = [1, 1]} : vector<128x3xf32> to vector<128x1xf32>
    %slice3A_19 = vector.extract_strided_slice %get3A_3 {offsets = [2, 0], sizes = [1, 8192], strides = [1, 1]} : vector<3x8192xf32> to vector<1x8192xf32>
    %sub3A_20 = vector.broadcast %slice3A_18 : vector<128x1xf32> to vector<128x8192xf32>
    %sub3A_21 = vector.broadcast %slice3A_19 : vector<1x8192xf32> to vector<128x8192xf32>
    %sub3A_22 = arith.subf %sub3A_20, %sub3A_21 : vector<128x8192xf32>
    %mul3A_23 = arith.mulf %sub3A_22, %sub3A_22 : vector<128x8192xf32>
    %add3A_24 = arith.addf %add3A, %mul3A_23 : vector<128x8192xf32>
    %bitcast_convert_type3A = tpu.bitcast %add3A_24 : vector<128x8192xf32> -> vector<128x8192xi32>
    %broadcast_in_dim3A = arith.constant -1 : i32
    %broadcast_in_dim3A_25 = vector.broadcast %broadcast_in_dim3A : i32 to vector<128x1xi32>
    %broadcast_in_dim3A_26 = arith.constant 1029221804 : i32
    %broadcast_in_dim3A_27 = vector.broadcast %broadcast_in_dim3A_26 : i32 to vector<128x1xi32>
    %scan3A = arith.constant 0 : i32
    %scan3A_28 = arith.constant 30 : i32
    %scan3A_29 = arith.addi %scan3A, %scan3A_28 : i32
    %scan3A_30 = arith.constant 1 : i32
    %scan3A_31:2 = scf.for %scan3A_513 = %scan3A to %scan3A_29 step %scan3A_30 iter_args(%scan3A_514 = %broadcast_in_dim3A_25, %scan3A_515 = %broadcast_in_dim3A_27) -> (vector<128x1xi32>, vector<128x1xi32>)  : i32 {
      %add3A_516 = arith.addi %scan3A_514, %scan3A_515 : vector<128x1xi32>
      %shift_right_arithmetic3A = arith.constant 1 : i32
      %shift_right_arithmetic3A_517 = vector.broadcast %shift_right_arithmetic3A : i32 to vector<128x1xi32>
      %shift_right_arithmetic3A_518 = arith.shrsi %add3A_516, %shift_right_arithmetic3A_517 : vector<128x1xi32>
      %le3A_519 = vector.broadcast %shift_right_arithmetic3A_518 : vector<128x1xi32> to vector<128x8192xi32>
      %le3A_520 = arith.cmpi sle, %bitcast_convert_type3A, %le3A_519 : vector<128x8192xi32>
      %convert_element_type3A_521 = arith.extui %le3A_520 : vector<128x8192xi1> to vector<128x8192xi32>
      %convert_element_type3A_522 = arith.sitofp %convert_element_type3A_521 : vector<128x8192xi32> to vector<128x8192xf32>
      %reduce_sum3A_523 = arith.constant dense<0.000000e+00> : vector<128xf32>
      %reduce_sum3A_524 = vector.multi_reduction <add>, %convert_element_type3A_522, %reduce_sum3A_523 [1] : vector<128x8192xf32> to vector<128xf32>
      %broadcast_in_dim3A_525 = vector.shape_cast %reduce_sum3A_524 : vector<128xf32> to vector<128x1xf32>
      %ge3A = arith.constant 4.800000e+01 : f32
      %ge3A_526 = vector.broadcast %ge3A : f32 to vector<128x1xf32>
      %ge3A_527 = arith.cmpf oge, %broadcast_in_dim3A_525, %ge3A_526 : vector<128x1xf32>
      %select_n3A_528 = arith.select %ge3A_527, %scan3A_514, %shift_right_arithmetic3A_518 : vector<128x1xi1>, vector<128x1xi32>
      %select_n3A_529 = arith.select %ge3A_527, %shift_right_arithmetic3A_518, %scan3A_515 : vector<128x1xi1>, vector<128x1xi32>
      scf.yield %select_n3A_528, %select_n3A_529 : vector<128x1xi32>, vector<128x1xi32>
    }
    %le3A = vector.broadcast %scan3A_31#1 : vector<128x1xi32> to vector<128x8192xi32>
    %le3A_32 = arith.cmpi sle, %bitcast_convert_type3A, %le3A : vector<128x8192xi32>
    %convert_element_type3A = arith.extui %le3A_32 : vector<128x8192xi1> to vector<128x8192xi32>
    %convert_element_type3A_33 = arith.sitofp %convert_element_type3A : vector<128x8192xi32> to vector<128x8192xf32>
    %jit3A = arith.constant 0 : i32
    %convert_element_type3A_34 = arith.sitofp %jit3A : i32 to f32
    %pad3A = vector.broadcast %convert_element_type3A_34 : f32 to vector<128x1xf32>
    %pad3A_35 = tpu.concatenate %pad3A, %convert_element_type3A_33 in 1 : vector<128x1xf32>, vector<128x8192xf32> -> vector<128x8193xf32>
    %slice3A_36 = vector.extract_strided_slice %pad3A_35 {offsets = [0, 0], sizes = [128, 8192], strides = [1, 1]} : vector<128x8193xf32> to vector<128x8192xf32>
    %add3A_37 = arith.addf %convert_element_type3A_33, %slice3A_36 : vector<128x8192xf32>
    %jit3A_38 = arith.constant 0 : i32
    %convert_element_type3A_39 = arith.sitofp %jit3A_38 : i32 to f32
    %pad3A_40 = vector.broadcast %convert_element_type3A_39 : f32 to vector<128x2xf32>
    %pad3A_41 = tpu.concatenate %pad3A_40, %add3A_37 in 1 : vector<128x2xf32>, vector<128x8192xf32> -> vector<128x8194xf32>
    %slice3A_42 = vector.extract_strided_slice %pad3A_41 {offsets = [0, 0], sizes = [128, 8192], strides = [1, 1]} : vector<128x8194xf32> to vector<128x8192xf32>
    %add3A_43 = arith.addf %add3A_37, %slice3A_42 : vector<128x8192xf32>
    %jit3A_44 = arith.constant 0 : i32
    %convert_element_type3A_45 = arith.sitofp %jit3A_44 : i32 to f32
    %pad3A_46 = vector.broadcast %convert_element_type3A_45 : f32 to vector<128x4xf32>
    %pad3A_47 = tpu.concatenate %pad3A_46, %add3A_43 in 1 : vector<128x4xf32>, vector<128x8192xf32> -> vector<128x8196xf32>
    %slice3A_48 = vector.extract_strided_slice %pad3A_47 {offsets = [0, 0], sizes = [128, 8192], strides = [1, 1]} : vector<128x8196xf32> to vector<128x8192xf32>
    %add3A_49 = arith.addf %add3A_43, %slice3A_48 : vector<128x8192xf32>
    %jit3A_50 = arith.constant 0 : i32
    %convert_element_type3A_51 = arith.sitofp %jit3A_50 : i32 to f32
    %pad3A_52 = vector.broadcast %convert_element_type3A_51 : f32 to vector<128x8xf32>
    %pad3A_53 = tpu.concatenate %pad3A_52, %add3A_49 in 1 : vector<128x8xf32>, vector<128x8192xf32> -> vector<128x8200xf32>
    %slice3A_54 = vector.extract_strided_slice %pad3A_53 {offsets = [0, 0], sizes = [128, 8192], strides = [1, 1]} : vector<128x8200xf32> to vector<128x8192xf32>
    %add3A_55 = arith.addf %add3A_49, %slice3A_54 : vector<128x8192xf32>
    %jit3A_56 = arith.constant 0 : i32
    %convert_element_type3A_57 = arith.sitofp %jit3A_56 : i32 to f32
    %pad3A_58 = vector.broadcast %convert_element_type3A_57 : f32 to vector<128x16xf32>
    %pad3A_59 = tpu.concatenate %pad3A_58, %add3A_55 in 1 : vector<128x16xf32>, vector<128x8192xf32> -> vector<128x8208xf32>
    %slice3A_60 = vector.extract_strided_slice %pad3A_59 {offsets = [0, 0], sizes = [128, 8192], strides = [1, 1]} : vector<128x8208xf32> to vector<128x8192xf32>
    %add3A_61 = arith.addf %add3A_55, %slice3A_60 : vector<128x8192xf32>
    %jit3A_62 = arith.constant 0 : i32
    %convert_element_type3A_63 = arith.sitofp %jit3A_62 : i32 to f32
    %pad3A_64 = vector.broadcast %convert_element_type3A_63 : f32 to vector<128x32xf32>
    %pad3A_65 = tpu.concatenate %pad3A_64, %add3A_61 in 1 : vector<128x32xf32>, vector<128x8192xf32> -> vector<128x8224xf32>
    %slice3A_66 = vector.extract_strided_slice %pad3A_65 {offsets = [0, 0], sizes = [128, 8192], strides = [1, 1]} : vector<128x8224xf32> to vector<128x8192xf32>
    %add3A_67 = arith.addf %add3A_61, %slice3A_66 : vector<128x8192xf32>
    %jit3A_68 = arith.constant 0 : i32
    %convert_element_type3A_69 = arith.sitofp %jit3A_68 : i32 to f32
    %pad3A_70 = vector.broadcast %convert_element_type3A_69 : f32 to vector<128x64xf32>
    %pad3A_71 = tpu.concatenate %pad3A_70, %add3A_67 in 1 : vector<128x64xf32>, vector<128x8192xf32> -> vector<128x8256xf32>
    %slice3A_72 = vector.extract_strided_slice %pad3A_71 {offsets = [0, 0], sizes = [128, 8192], strides = [1, 1]} : vector<128x8256xf32> to vector<128x8192xf32>
    %add3A_73 = arith.addf %add3A_67, %slice3A_72 : vector<128x8192xf32>
    %jit3A_74 = arith.constant 0 : i32
    %convert_element_type3A_75 = arith.sitofp %jit3A_74 : i32 to f32
    %pad3A_76 = vector.broadcast %convert_element_type3A_75 : f32 to vector<128x128xf32>
    %pad3A_77 = tpu.concatenate %pad3A_76, %add3A_73 in 1 : vector<128x128xf32>, vector<128x8192xf32> -> vector<128x8320xf32>
    %slice3A_78 = vector.extract_strided_slice %pad3A_77 {offsets = [0, 0], sizes = [128, 8192], strides = [1, 1]} : vector<128x8320xf32> to vector<128x8192xf32>
    %add3A_79 = arith.addf %add3A_73, %slice3A_78 : vector<128x8192xf32>
    %jit3A_80 = arith.constant 0 : i32
    %convert_element_type3A_81 = arith.sitofp %jit3A_80 : i32 to f32
    %pad3A_82 = vector.broadcast %convert_element_type3A_81 : f32 to vector<128x256xf32>
    %pad3A_83 = tpu.concatenate %pad3A_82, %add3A_79 in 1 : vector<128x256xf32>, vector<128x8192xf32> -> vector<128x8448xf32>
    %slice3A_84 = vector.extract_strided_slice %pad3A_83 {offsets = [0, 0], sizes = [128, 8192], strides = [1, 1]} : vector<128x8448xf32> to vector<128x8192xf32>
    %add3A_85 = arith.addf %add3A_79, %slice3A_84 : vector<128x8192xf32>
    %jit3A_86 = arith.constant 0 : i32
    %convert_element_type3A_87 = arith.sitofp %jit3A_86 : i32 to f32
    %pad3A_88 = vector.broadcast %convert_element_type3A_87 : f32 to vector<128x512xf32>
    %pad3A_89 = tpu.concatenate %pad3A_88, %add3A_85 in 1 : vector<128x512xf32>, vector<128x8192xf32> -> vector<128x8704xf32>
    %slice3A_90 = vector.extract_strided_slice %pad3A_89 {offsets = [0, 0], sizes = [128, 8192], strides = [1, 1]} : vector<128x8704xf32> to vector<128x8192xf32>
    %add3A_91 = arith.addf %add3A_85, %slice3A_90 : vector<128x8192xf32>
    %jit3A_92 = arith.constant 0 : i32
    %convert_element_type3A_93 = arith.sitofp %jit3A_92 : i32 to f32
    %pad3A_94 = vector.broadcast %convert_element_type3A_93 : f32 to vector<128x1024xf32>
    %pad3A_95 = tpu.concatenate %pad3A_94, %add3A_91 in 1 : vector<128x1024xf32>, vector<128x8192xf32> -> vector<128x9216xf32>
    %slice3A_96 = vector.extract_strided_slice %pad3A_95 {offsets = [0, 0], sizes = [128, 8192], strides = [1, 1]} : vector<128x9216xf32> to vector<128x8192xf32>
    %add3A_97 = arith.addf %add3A_91, %slice3A_96 : vector<128x8192xf32>
    %jit3A_98 = arith.constant 0 : i32
    %convert_element_type3A_99 = arith.sitofp %jit3A_98 : i32 to f32
    %pad3A_100 = vector.broadcast %convert_element_type3A_99 : f32 to vector<128x2048xf32>
    %pad3A_101 = tpu.concatenate %pad3A_100, %add3A_97 in 1 : vector<128x2048xf32>, vector<128x8192xf32> -> vector<128x10240xf32>
    %slice3A_102 = vector.extract_strided_slice %pad3A_101 {offsets = [0, 0], sizes = [128, 8192], strides = [1, 1]} : vector<128x10240xf32> to vector<128x8192xf32>
    %add3A_103 = arith.addf %add3A_97, %slice3A_102 : vector<128x8192xf32>
    %jit3A_104 = arith.constant 0 : i32
    %convert_element_type3A_105 = arith.sitofp %jit3A_104 : i32 to f32
    %pad3A_106 = vector.broadcast %convert_element_type3A_105 : f32 to vector<128x4096xf32>
    %pad3A_107 = tpu.concatenate %pad3A_106, %add3A_103 in 1 : vector<128x4096xf32>, vector<128x8192xf32> -> vector<128x12288xf32>
    %slice3A_108 = vector.extract_strided_slice %pad3A_107 {offsets = [0, 0], sizes = [128, 8192], strides = [1, 1]} : vector<128x12288xf32> to vector<128x8192xf32>
    %add3A_109 = arith.addf %add3A_103, %slice3A_108 : vector<128x8192xf32>
    %sub3A_110 = arith.subf %add3A_109, %convert_element_type3A_33 : vector<128x8192xf32>
    %convert_element_type3A_111 = arith.fptosi %sub3A_110 : vector<128x8192xf32> to vector<128x8192xi32>
    %iota3A = tpu.iota {dimensions = array<i32: 1>} : vector<128x8192xi32>
    %jit3A_112 = arith.constant 4194304 : i32
    %broadcast_in_dim3A_113 = vector.broadcast %jit3A_112 : i32 to vector<128x8192xi32>
    %select_n3A = arith.select %le3A_32, %convert_element_type3A_111, %broadcast_in_dim3A_113 : vector<128x8192xi1>, vector<128x8192xi32>
    %and3A = arith.constant 1 : i32
    %and3A_114 = vector.broadcast %and3A : i32 to vector<128x8192xi32>
    %and3A_115 = arith.andi %select_n3A, %and3A_114 : vector<128x8192xi32>
    %eq3A = arith.constant 1 : i32
    %eq3A_116 = vector.broadcast %eq3A : i32 to vector<128x8192xi32>
    %eq3A_117 = arith.cmpi eq, %and3A_115, %eq3A_116 : vector<128x8192xi32>
    %add3A_118 = arith.constant 1 : i32
    %add3A_119 = vector.broadcast %add3A_118 : i32 to vector<128x8192xi32>
    %add3A_120 = arith.addi %iota3A, %add3A_119 : vector<128x8192xi32>
    %shift_left3A = arith.constant 14 : i32
    %shift_left3A_121 = vector.broadcast %shift_left3A : i32 to vector<128x8192xi32>
    %shift_left3A_122 = arith.shli %add3A_120, %shift_left3A_121 : vector<128x8192xi32>
    %add3A_123 = arith.constant 1 : i32
    %add3A_124 = vector.broadcast %add3A_123 : i32 to vector<128x8192xi32>
    %add3A_125 = arith.addi %iota3A, %add3A_124 : vector<128x8192xi32>
    %select_n3A_126 = arith.select %eq3A_117, %shift_left3A_122, %add3A_125 : vector<128x8192xi1>, vector<128x8192xi32>
    %shift_right_logical3A = arith.constant 1 : i32
    %shift_right_logical3A_127 = vector.broadcast %shift_right_logical3A : i32 to vector<128x8192xi32>
    %shift_right_logical3A_128 = arith.shrui %select_n3A, %shift_right_logical3A_127 : vector<128x8192xi32>
    %eq3A_129 = arith.constant 0 : i32
    %eq3A_130 = vector.broadcast %eq3A_129 : i32 to vector<128x8192xi32>
    %eq3A_131 = arith.cmpi eq, %shift_right_logical3A_128, %eq3A_130 : vector<128x8192xi32>
    %jit3A_132 = arith.constant 0 : i32
    %broadcast_in_dim3A_133 = vector.broadcast %jit3A_132 : i32 to vector<128x8192xi32>
    %select_n3A_134 = arith.select %eq3A_131, %select_n3A_126, %broadcast_in_dim3A_133 : vector<128x8192xi1>, vector<128x8192xi32>
    %reduce_sum3A = arith.constant dense<0> : vector<128xi32>
    %reduce_sum3A_135 = vector.multi_reduction <add>, %select_n3A_134, %reduce_sum3A [1] : vector<128x8192xi32> to vector<128xi32>
    %broadcast_in_dim3A_136 = vector.shape_cast %reduce_sum3A_135 : vector<128xi32> to vector<128x1xi32>
    %swap3A = arith.constant 0 : index
    %swap3A_137 = arith.constant 0 : index
    %swap3A_138 = arith.constant 0 : index
    %swap3A_139 = vector.load %arg4[%swap3A, %swap3A_137, %swap3A_138] : memref<1x128x26xi32, #tpu.memory_space<vmem>>, vector<1x128x1xi32>
    %swap3A_140 = vector.shape_cast %swap3A_139 : vector<1x128x1xi32> to vector<128x1xi32>
    %swap3A_141 = vector.shape_cast %broadcast_in_dim3A_136 : vector<128x1xi32> to vector<1x128x1xi32>
    tpu.vector_store %arg4[%swap3A, %swap3A_137, %swap3A_138], %swap3A_141 {strides = array<i32>} : memref<1x128x26xi32, #tpu.memory_space<vmem>>, vector<1x128x1xi32>,
    %eq3A_142 = arith.constant 1 : i32
    %eq3A_143 = vector.broadcast %eq3A_142 : i32 to vector<128x8192xi32>
    %eq3A_144 = arith.cmpi eq, %shift_right_logical3A_128, %eq3A_143 : vector<128x8192xi32>
    %jit3A_145 = arith.constant 0 : i32
    %broadcast_in_dim3A_146 = vector.broadcast %jit3A_145 : i32 to vector<128x8192xi32>
    %select_n3A_147 = arith.select %eq3A_144, %select_n3A_126, %broadcast_in_dim3A_146 : vector<128x8192xi1>, vector<128x8192xi32>
    %reduce_sum3A_148 = arith.constant dense<0> : vector<128xi32>
    %reduce_sum3A_149 = vector.multi_reduction <add>, %select_n3A_147, %reduce_sum3A_148 [1] : vector<128x8192xi32> to vector<128xi32>
    %broadcast_in_dim3A_150 = vector.shape_cast %reduce_sum3A_149 : vector<128xi32> to vector<128x1xi32>
    %swap3A_151 = arith.constant 0 : index
    %swap3A_152 = arith.constant 0 : index
    %swap3A_153 = arith.constant 1 : index
    %swap3A_154 = vector.load %arg4[%swap3A_151, %swap3A_152, %swap3A_153] : memref<1x128x26xi32, #tpu.memory_space<vmem>>, vector<1x128x1xi32>
    %swap3A_155 = vector.shape_cast %swap3A_154 : vector<1x128x1xi32> to vector<128x1xi32>
    %swap3A_156 = vector.shape_cast %broadcast_in_dim3A_150 : vector<128x1xi32> to vector<1x128x1xi32>
    tpu.vector_store %arg4[%swap3A_151, %swap3A_152, %swap3A_153], %swap3A_156 {strides = array<i32>} : memref<1x128x26xi32, #tpu.memory_space<vmem>>, vector<1x128x1xi32>,
    %eq3A_157 = arith.constant 2 : i32
    %eq3A_158 = vector.broadcast %eq3A_157 : i32 to vector<128x8192xi32>
    %eq3A_159 = arith.cmpi eq, %shift_right_logical3A_128, %eq3A_158 : vector<128x8192xi32>
    %jit3A_160 = arith.constant 0 : i32
    %broadcast_in_dim3A_161 = vector.broadcast %jit3A_160 : i32 to vector<128x8192xi32>
    %select_n3A_162 = arith.select %eq3A_159, %select_n3A_126, %broadcast_in_dim3A_161 : vector<128x8192xi1>, vector<128x8192xi32>
    %reduce_sum3A_163 = arith.constant dense<0> : vector<128xi32>
    %reduce_sum3A_164 = vector.multi_reduction <add>, %select_n3A_162, %reduce_sum3A_163 [1] : vector<128x8192xi32> to vector<128xi32>
    %broadcast_in_dim3A_165 = vector.shape_cast %reduce_sum3A_164 : vector<128xi32> to vector<128x1xi32>
    %swap3A_166 = arith.constant 0 : index
    %swap3A_167 = arith.constant 0 : index
    %swap3A_168 = arith.constant 2 : index
    %swap3A_169 = vector.load %arg4[%swap3A_166, %swap3A_167, %swap3A_168] : memref<1x128x26xi32, #tpu.memory_space<vmem>>, vector<1x128x1xi32>
    %swap3A_170 = vector.shape_cast %swap3A_169 : vector<1x128x1xi32> to vector<128x1xi32>
    %swap3A_171 = vector.shape_cast %broadcast_in_dim3A_165 : vector<128x1xi32> to vector<1x128x1xi32>
    tpu.vector_store %arg4[%swap3A_166, %swap3A_167, %swap3A_168], %swap3A_171 {strides = array<i32>} : memref<1x128x26xi32, #tpu.memory_space<vmem>>, vector<1x128x1xi32>,
    %eq3A_172 = arith.constant 3 : i32
    %eq3A_173 = vector.broadcast %eq3A_172 : i32 to vector<128x8192xi32>
    %eq3A_174 = arith.cmpi eq, %shift_right_logical3A_128, %eq3A_173 : vector<128x8192xi32>
    %jit3A_175 = arith.constant 0 : i32
    %broadcast_in_dim3A_176 = vector.broadcast %jit3A_175 : i32 to vector<128x8192xi32>
    %select_n3A_177 = arith.select %eq3A_174, %select_n3A_126, %broadcast_in_dim3A_176 : vector<128x8192xi1>, vector<128x8192xi32>
    %reduce_sum3A_178 = arith.constant dense<0> : vector<128xi32>
    %reduce_sum3A_179 = vector.multi_reduction <add>, %select_n3A_177, %reduce_sum3A_178 [1] : vector<128x8192xi32> to vector<128xi32>
    %broadcast_in_dim3A_180 = vector.shape_cast %reduce_sum3A_179 : vector<128xi32> to vector<128x1xi32>
    %swap3A_181 = arith.constant 0 : index
    %swap3A_182 = arith.constant 0 : index
    %swap3A_183 = arith.constant 3 : index
    %swap3A_184 = vector.load %arg4[%swap3A_181, %swap3A_182, %swap3A_183] : memref<1x128x26xi32, #tpu.memory_space<vmem>>, vector<1x128x1xi32>
    %swap3A_185 = vector.shape_cast %swap3A_184 : vector<1x128x1xi32> to vector<128x1xi32>
    %swap3A_186 = vector.shape_cast %broadcast_in_dim3A_180 : vector<128x1xi32> to vector<1x128x1xi32>
    tpu.vector_store %arg4[%swap3A_181, %swap3A_182, %swap3A_183], %swap3A_186 {strides = array<i32>} : memref<1x128x26xi32, #tpu.memory_space<vmem>>, vector<1x128x1xi32>,
    %eq3A_187 = arith.constant 4 : i32
    %eq3A_188 = vector.broadcast %eq3A_187 : i32 to vector<128x8192xi32>
    %eq3A_189 = arith.cmpi eq, %shift_right_logical3A_128, %eq3A_188 : vector<128x8192xi32>
    %jit3A_190 = arith.constant 0 : i32
    %broadcast_in_dim3A_191 = vector.broadcast %jit3A_190 : i32 to vector<128x8192xi32>
    %select_n3A_192 = arith.select %eq3A_189, %select_n3A_126, %broadcast_in_dim3A_191 : vector<128x8192xi1>, vector<128x8192xi32>
    %reduce_sum3A_193 = arith.constant dense<0> : vector<128xi32>
    %reduce_sum3A_194 = vector.multi_reduction <add>, %select_n3A_192, %reduce_sum3A_193 [1] : vector<128x8192xi32> to vector<128xi32>
    %broadcast_in_dim3A_195 = vector.shape_cast %reduce_sum3A_194 : vector<128xi32> to vector<128x1xi32>
    %swap3A_196 = arith.constant 0 : index
    %swap3A_197 = arith.constant 0 : index
    %swap3A_198 = arith.constant 4 : index
    %swap3A_199 = vector.load %arg4[%swap3A_196, %swap3A_197, %swap3A_198] : memref<1x128x26xi32, #tpu.memory_space<vmem>>, vector<1x128x1xi32>
    %swap3A_200 = vector.shape_cast %swap3A_199 : vector<1x128x1xi32> to vector<128x1xi32>
    %swap3A_201 = vector.shape_cast %broadcast_in_dim3A_195 : vector<128x1xi32> to vector<1x128x1xi32>
    tpu.vector_store %arg4[%swap3A_196, %swap3A_197, %swap3A_198], %swap3A_201 {strides = array<i32>} : memref<1x128x26xi32, #tpu.memory_space<vmem>>, vector<1x128x1xi32>,
    %eq3A_202 = arith.constant 5 : i32
    %eq3A_203 = vector.broadcast %eq3A_202 : i32 to vector<128x8192xi32>
    %eq3A_204 = arith.cmpi eq, %shift_right_logical3A_128, %eq3A_203 : vector<128x8192xi32>
    %jit3A_205 = arith.constant 0 : i32
    %broadcast_in_dim3A_206 = vector.broadcast %jit3A_205 : i32 to vector<128x8192xi32>
    %select_n3A_207 = arith.select %eq3A_204, %select_n3A_126, %broadcast_in_dim3A_206 : vector<128x8192xi1>, vector<128x8192xi32>
    %reduce_sum3A_208 = arith.constant dense<0> : vector<128xi32>
    %reduce_sum3A_209 = vector.multi_reduction <add>, %select_n3A_207, %reduce_sum3A_208 [1] : vector<128x8192xi32> to vector<128xi32>
    %broadcast_in_dim3A_210 = vector.shape_cast %reduce_sum3A_209 : vector<128xi32> to vector<128x1xi32>
    %swap3A_211 = arith.constant 0 : index
    %swap3A_212 = arith.constant 0 : index
    %swap3A_213 = arith.constant 5 : index
    %swap3A_214 = vector.load %arg4[%swap3A_211, %swap3A_212, %swap3A_213] : memref<1x128x26xi32, #tpu.memory_space<vmem>>, vector<1x128x1xi32>
    %swap3A_215 = vector.shape_cast %swap3A_214 : vector<1x128x1xi32> to vector<128x1xi32>
    %swap3A_216 = vector.shape_cast %broadcast_in_dim3A_210 : vector<128x1xi32> to vector<1x128x1xi32>
    tpu.vector_store %arg4[%swap3A_211, %swap3A_212, %swap3A_213], %swap3A_216 {strides = array<i32>} : memref<1x128x26xi32, #tpu.memory_space<vmem>>, vector<1x128x1xi32>,
    %eq3A_217 = arith.constant 6 : i32
    %eq3A_218 = vector.broadcast %eq3A_217 : i32 to vector<128x8192xi32>
    %eq3A_219 = arith.cmpi eq, %shift_right_logical3A_128, %eq3A_218 : vector<128x8192xi32>
    %jit3A_220 = arith.constant 0 : i32
    %broadcast_in_dim3A_221 = vector.broadcast %jit3A_220 : i32 to vector<128x8192xi32>
    %select_n3A_222 = arith.select %eq3A_219, %select_n3A_126, %broadcast_in_dim3A_221 : vector<128x8192xi1>, vector<128x8192xi32>
    %reduce_sum3A_223 = arith.constant dense<0> : vector<128xi32>
    %reduce_sum3A_224 = vector.multi_reduction <add>, %select_n3A_222, %reduce_sum3A_223 [1] : vector<128x8192xi32> to vector<128xi32>
    %broadcast_in_dim3A_225 = vector.shape_cast %reduce_sum3A_224 : vector<128xi32> to vector<128x1xi32>
    %swap3A_226 = arith.constant 0 : index
    %swap3A_227 = arith.constant 0 : index
    %swap3A_228 = arith.constant 6 : index
    %swap3A_229 = vector.load %arg4[%swap3A_226, %swap3A_227, %swap3A_228] : memref<1x128x26xi32, #tpu.memory_space<vmem>>, vector<1x128x1xi32>
    %swap3A_230 = vector.shape_cast %swap3A_229 : vector<1x128x1xi32> to vector<128x1xi32>
    %swap3A_231 = vector.shape_cast %broadcast_in_dim3A_225 : vector<128x1xi32> to vector<1x128x1xi32>
    tpu.vector_store %arg4[%swap3A_226, %swap3A_227, %swap3A_228], %swap3A_231 {strides = array<i32>} : memref<1x128x26xi32, #tpu.memory_space<vmem>>, vector<1x128x1xi32>,
    %eq3A_232 = arith.constant 7 : i32
    %eq3A_233 = vector.broadcast %eq3A_232 : i32 to vector<128x8192xi32>
    %eq3A_234 = arith.cmpi eq, %shift_right_logical3A_128, %eq3A_233 : vector<128x8192xi32>
    %jit3A_235 = arith.constant 0 : i32
    %broadcast_in_dim3A_236 = vector.broadcast %jit3A_235 : i32 to vector<128x8192xi32>
    %select_n3A_237 = arith.select %eq3A_234, %select_n3A_126, %broadcast_in_dim3A_236 : vector<128x8192xi1>, vector<128x8192xi32>
    %reduce_sum3A_238 = arith.constant dense<0> : vector<128xi32>
    %reduce_sum3A_239 = vector.multi_reduction <add>, %select_n3A_237, %reduce_sum3A_238 [1] : vector<128x8192xi32> to vector<128xi32>
    %broadcast_in_dim3A_240 = vector.shape_cast %reduce_sum3A_239 : vector<128xi32> to vector<128x1xi32>
    %swap3A_241 = arith.constant 0 : index
    %swap3A_242 = arith.constant 0 : index
    %swap3A_243 = arith.constant 7 : index
    %swap3A_244 = vector.load %arg4[%swap3A_241, %swap3A_242, %swap3A_243] : memref<1x128x26xi32, #tpu.memory_space<vmem>>, vector<1x128x1xi32>
    %swap3A_245 = vector.shape_cast %swap3A_244 : vector<1x128x1xi32> to vector<128x1xi32>
    %swap3A_246 = vector.shape_cast %broadcast_in_dim3A_240 : vector<128x1xi32> to vector<1x128x1xi32>
    tpu.vector_store %arg4[%swap3A_241, %swap3A_242, %swap3A_243], %swap3A_246 {strides = array<i32>} : memref<1x128x26xi32, #tpu.memory_space<vmem>>, vector<1x128x1xi32>,
    %eq3A_247 = arith.constant 8 : i32
    %eq3A_248 = vector.broadcast %eq3A_247 : i32 to vector<128x8192xi32>
    %eq3A_249 = arith.cmpi eq, %shift_right_logical3A_128, %eq3A_248 : vector<128x8192xi32>
    %jit3A_250 = arith.constant 0 : i32
    %broadcast_in_dim3A_251 = vector.broadcast %jit3A_250 : i32 to vector<128x8192xi32>
    %select_n3A_252 = arith.select %eq3A_249, %select_n3A_126, %broadcast_in_dim3A_251 : vector<128x8192xi1>, vector<128x8192xi32>
    %reduce_sum3A_253 = arith.constant dense<0> : vector<128xi32>
    %reduce_sum3A_254 = vector.multi_reduction <add>, %select_n3A_252, %reduce_sum3A_253 [1] : vector<128x8192xi32> to vector<128xi32>
    %broadcast_in_dim3A_255 = vector.shape_cast %reduce_sum3A_254 : vector<128xi32> to vector<128x1xi32>
    %swap3A_256 = arith.constant 0 : index
    %swap3A_257 = arith.constant 0 : index
    %swap3A_258 = arith.constant 8 : index
    %swap3A_259 = vector.load %arg4[%swap3A_256, %swap3A_257, %swap3A_258] : memref<1x128x26xi32, #tpu.memory_space<vmem>>, vector<1x128x1xi32>
    %swap3A_260 = vector.shape_cast %swap3A_259 : vector<1x128x1xi32> to vector<128x1xi32>
    %swap3A_261 = vector.shape_cast %broadcast_in_dim3A_255 : vector<128x1xi32> to vector<1x128x1xi32>
    tpu.vector_store %arg4[%swap3A_256, %swap3A_257, %swap3A_258], %swap3A_261 {strides = array<i32>} : memref<1x128x26xi32, #tpu.memory_space<vmem>>, vector<1x128x1xi32>,
    %eq3A_262 = arith.constant 9 : i32
    %eq3A_263 = vector.broadcast %eq3A_262 : i32 to vector<128x8192xi32>
    %eq3A_264 = arith.cmpi eq, %shift_right_logical3A_128, %eq3A_263 : vector<128x8192xi32>
    %jit3A_265 = arith.constant 0 : i32
    %broadcast_in_dim3A_266 = vector.broadcast %jit3A_265 : i32 to vector<128x8192xi32>
    %select_n3A_267 = arith.select %eq3A_264, %select_n3A_126, %broadcast_in_dim3A_266 : vector<128x8192xi1>, vector<128x8192xi32>
    %reduce_sum3A_268 = arith.constant dense<0> : vector<128xi32>
    %reduce_sum3A_269 = vector.multi_reduction <add>, %select_n3A_267, %reduce_sum3A_268 [1] : vector<128x8192xi32> to vector<128xi32>
    %broadcast_in_dim3A_270 = vector.shape_cast %reduce_sum3A_269 : vector<128xi32> to vector<128x1xi32>
    %swap3A_271 = arith.constant 0 : index
    %swap3A_272 = arith.constant 0 : index
    %swap3A_273 = arith.constant 9 : index
    %swap3A_274 = vector.load %arg4[%swap3A_271, %swap3A_272, %swap3A_273] : memref<1x128x26xi32, #tpu.memory_space<vmem>>, vector<1x128x1xi32>
    %swap3A_275 = vector.shape_cast %swap3A_274 : vector<1x128x1xi32> to vector<128x1xi32>
    %swap3A_276 = vector.shape_cast %broadcast_in_dim3A_270 : vector<128x1xi32> to vector<1x128x1xi32>
    tpu.vector_store %arg4[%swap3A_271, %swap3A_272, %swap3A_273], %swap3A_276 {strides = array<i32>} : memref<1x128x26xi32, #tpu.memory_space<vmem>>, vector<1x128x1xi32>,
    %eq3A_277 = arith.constant 10 : i32
    %eq3A_278 = vector.broadcast %eq3A_277 : i32 to vector<128x8192xi32>
    %eq3A_279 = arith.cmpi eq, %shift_right_logical3A_128, %eq3A_278 : vector<128x8192xi32>
    %jit3A_280 = arith.constant 0 : i32
    %broadcast_in_dim3A_281 = vector.broadcast %jit3A_280 : i32 to vector<128x8192xi32>
    %select_n3A_282 = arith.select %eq3A_279, %select_n3A_126, %broadcast_in_dim3A_281 : vector<128x8192xi1>, vector<128x8192xi32>
    %reduce_sum3A_283 = arith.constant dense<0> : vector<128xi32>
    %reduce_sum3A_284 = vector.multi_reduction <add>, %select_n3A_282, %reduce_sum3A_283 [1] : vector<128x8192xi32> to vector<128xi32>
    %broadcast_in_dim3A_285 = vector.shape_cast %reduce_sum3A_284 : vector<128xi32> to vector<128x1xi32>
    %swap3A_286 = arith.constant 0 : index
    %swap3A_287 = arith.constant 0 : index
    %swap3A_288 = arith.constant 10 : index
    %swap3A_289 = vector.load %arg4[%swap3A_286, %swap3A_287, %swap3A_288] : memref<1x128x26xi32, #tpu.memory_space<vmem>>, vector<1x128x1xi32>
    %swap3A_290 = vector.shape_cast %swap3A_289 : vector<1x128x1xi32> to vector<128x1xi32>
    %swap3A_291 = vector.shape_cast %broadcast_in_dim3A_285 : vector<128x1xi32> to vector<1x128x1xi32>
    tpu.vector_store %arg4[%swap3A_286, %swap3A_287, %swap3A_288], %swap3A_291 {strides = array<i32>} : memref<1x128x26xi32, #tpu.memory_space<vmem>>, vector<1x128x1xi32>,
    %eq3A_292 = arith.constant 11 : i32
    %eq3A_293 = vector.broadcast %eq3A_292 : i32 to vector<128x8192xi32>
    %eq3A_294 = arith.cmpi eq, %shift_right_logical3A_128, %eq3A_293 : vector<128x8192xi32>
    %jit3A_295 = arith.constant 0 : i32
    %broadcast_in_dim3A_296 = vector.broadcast %jit3A_295 : i32 to vector<128x8192xi32>
    %select_n3A_297 = arith.select %eq3A_294, %select_n3A_126, %broadcast_in_dim3A_296 : vector<128x8192xi1>, vector<128x8192xi32>
    %reduce_sum3A_298 = arith.constant dense<0> : vector<128xi32>
    %reduce_sum3A_299 = vector.multi_reduction <add>, %select_n3A_297, %reduce_sum3A_298 [1] : vector<128x8192xi32> to vector<128xi32>
    %broadcast_in_dim3A_300 = vector.shape_cast %reduce_sum3A_299 : vector<128xi32> to vector<128x1xi32>
    %swap3A_301 = arith.constant 0 : index
    %swap3A_302 = arith.constant 0 : index
    %swap3A_303 = arith.constant 11 : index
    %swap3A_304 = vector.load %arg4[%swap3A_301, %swap3A_302, %swap3A_303] : memref<1x128x26xi32, #tpu.memory_space<vmem>>, vector<1x128x1xi32>
    %swap3A_305 = vector.shape_cast %swap3A_304 : vector<1x128x1xi32> to vector<128x1xi32>
    %swap3A_306 = vector.shape_cast %broadcast_in_dim3A_300 : vector<128x1xi32> to vector<1x128x1xi32>
    tpu.vector_store %arg4[%swap3A_301, %swap3A_302, %swap3A_303], %swap3A_306 {strides = array<i32>} : memref<1x128x26xi32, #tpu.memory_space<vmem>>, vector<1x128x1xi32>,
    %eq3A_307 = arith.constant 12 : i32
    %eq3A_308 = vector.broadcast %eq3A_307 : i32 to vector<128x8192xi32>
    %eq3A_309 = arith.cmpi eq, %shift_right_logical3A_128, %eq3A_308 : vector<128x8192xi32>
    %jit3A_310 = arith.constant 0 : i32
    %broadcast_in_dim3A_311 = vector.broadcast %jit3A_310 : i32 to vector<128x8192xi32>
    %select_n3A_312 = arith.select %eq3A_309, %select_n3A_126, %broadcast_in_dim3A_311 : vector<128x8192xi1>, vector<128x8192xi32>
    %reduce_sum3A_313 = arith.constant dense<0> : vector<128xi32>
    %reduce_sum3A_314 = vector.multi_reduction <add>, %select_n3A_312, %reduce_sum3A_313 [1] : vector<128x8192xi32> to vector<128xi32>
    %broadcast_in_dim3A_315 = vector.shape_cast %reduce_sum3A_314 : vector<128xi32> to vector<128x1xi32>
    %swap3A_316 = arith.constant 0 : index
    %swap3A_317 = arith.constant 0 : index
    %swap3A_318 = arith.constant 12 : index
    %swap3A_319 = vector.load %arg4[%swap3A_316, %swap3A_317, %swap3A_318] : memref<1x128x26xi32, #tpu.memory_space<vmem>>, vector<1x128x1xi32>
    %swap3A_320 = vector.shape_cast %swap3A_319 : vector<1x128x1xi32> to vector<128x1xi32>
    %swap3A_321 = vector.shape_cast %broadcast_in_dim3A_315 : vector<128x1xi32> to vector<1x128x1xi32>
    tpu.vector_store %arg4[%swap3A_316, %swap3A_317, %swap3A_318], %swap3A_321 {strides = array<i32>} : memref<1x128x26xi32, #tpu.memory_space<vmem>>, vector<1x128x1xi32>,
    %eq3A_322 = arith.constant 13 : i32
    %eq3A_323 = vector.broadcast %eq3A_322 : i32 to vector<128x8192xi32>
    %eq3A_324 = arith.cmpi eq, %shift_right_logical3A_128, %eq3A_323 : vector<128x8192xi32>
    %jit3A_325 = arith.constant 0 : i32
    %broadcast_in_dim3A_326 = vector.broadcast %jit3A_325 : i32 to vector<128x8192xi32>
    %select_n3A_327 = arith.select %eq3A_324, %select_n3A_126, %broadcast_in_dim3A_326 : vector<128x8192xi1>, vector<128x8192xi32>
    %reduce_sum3A_328 = arith.constant dense<0> : vector<128xi32>
    %reduce_sum3A_329 = vector.multi_reduction <add>, %select_n3A_327, %reduce_sum3A_328 [1] : vector<128x8192xi32> to vector<128xi32>
    %broadcast_in_dim3A_330 = vector.shape_cast %reduce_sum3A_329 : vector<128xi32> to vector<128x1xi32>
    %swap3A_331 = arith.constant 0 : index
    %swap3A_332 = arith.constant 0 : index
    %swap3A_333 = arith.constant 13 : index
    %swap3A_334 = vector.load %arg4[%swap3A_331, %swap3A_332, %swap3A_333] : memref<1x128x26xi32, #tpu.memory_space<vmem>>, vector<1x128x1xi32>
    %swap3A_335 = vector.shape_cast %swap3A_334 : vector<1x128x1xi32> to vector<128x1xi32>
    %swap3A_336 = vector.shape_cast %broadcast_in_dim3A_330 : vector<128x1xi32> to vector<1x128x1xi32>
    tpu.vector_store %arg4[%swap3A_331, %swap3A_332, %swap3A_333], %swap3A_336 {strides = array<i32>} : memref<1x128x26xi32, #tpu.memory_space<vmem>>, vector<1x128x1xi32>,
    %eq3A_337 = arith.constant 14 : i32
    %eq3A_338 = vector.broadcast %eq3A_337 : i32 to vector<128x8192xi32>
    %eq3A_339 = arith.cmpi eq, %shift_right_logical3A_128, %eq3A_338 : vector<128x8192xi32>
    %jit3A_340 = arith.constant 0 : i32
    %broadcast_in_dim3A_341 = vector.broadcast %jit3A_340 : i32 to vector<128x8192xi32>
    %select_n3A_342 = arith.select %eq3A_339, %select_n3A_126, %broadcast_in_dim3A_341 : vector<128x8192xi1>, vector<128x8192xi32>
    %reduce_sum3A_343 = arith.constant dense<0> : vector<128xi32>
    %reduce_sum3A_344 = vector.multi_reduction <add>, %select_n3A_342, %reduce_sum3A_343 [1] : vector<128x8192xi32> to vector<128xi32>
    %broadcast_in_dim3A_345 = vector.shape_cast %reduce_sum3A_344 : vector<128xi32> to vector<128x1xi32>
    %swap3A_346 = arith.constant 0 : index
    %swap3A_347 = arith.constant 0 : index
    %swap3A_348 = arith.constant 14 : index
    %swap3A_349 = vector.load %arg4[%swap3A_346, %swap3A_347, %swap3A_348] : memref<1x128x26xi32, #tpu.memory_space<vmem>>, vector<1x128x1xi32>
    %swap3A_350 = vector.shape_cast %swap3A_349 : vector<1x128x1xi32> to vector<128x1xi32>
    %swap3A_351 = vector.shape_cast %broadcast_in_dim3A_345 : vector<128x1xi32> to vector<1x128x1xi32>
    tpu.vector_store %arg4[%swap3A_346, %swap3A_347, %swap3A_348], %swap3A_351 {strides = array<i32>} : memref<1x128x26xi32, #tpu.memory_space<vmem>>, vector<1x128x1xi32>,
    %eq3A_352 = arith.constant 15 : i32
    %eq3A_353 = vector.broadcast %eq3A_352 : i32 to vector<128x8192xi32>
    %eq3A_354 = arith.cmpi eq, %shift_right_logical3A_128, %eq3A_353 : vector<128x8192xi32>
    %jit3A_355 = arith.constant 0 : i32
    %broadcast_in_dim3A_356 = vector.broadcast %jit3A_355 : i32 to vector<128x8192xi32>
    %select_n3A_357 = arith.select %eq3A_354, %select_n3A_126, %broadcast_in_dim3A_356 : vector<128x8192xi1>, vector<128x8192xi32>
    %reduce_sum3A_358 = arith.constant dense<0> : vector<128xi32>
    %reduce_sum3A_359 = vector.multi_reduction <add>, %select_n3A_357, %reduce_sum3A_358 [1] : vector<128x8192xi32> to vector<128xi32>
    %broadcast_in_dim3A_360 = vector.shape_cast %reduce_sum3A_359 : vector<128xi32> to vector<128x1xi32>
    %swap3A_361 = arith.constant 0 : index
    %swap3A_362 = arith.constant 0 : index
    %swap3A_363 = arith.constant 15 : index
    %swap3A_364 = vector.load %arg4[%swap3A_361, %swap3A_362, %swap3A_363] : memref<1x128x26xi32, #tpu.memory_space<vmem>>, vector<1x128x1xi32>
    %swap3A_365 = vector.shape_cast %swap3A_364 : vector<1x128x1xi32> to vector<128x1xi32>
    %swap3A_366 = vector.shape_cast %broadcast_in_dim3A_360 : vector<128x1xi32> to vector<1x128x1xi32>
    tpu.vector_store %arg4[%swap3A_361, %swap3A_362, %swap3A_363], %swap3A_366 {strides = array<i32>} : memref<1x128x26xi32, #tpu.memory_space<vmem>>, vector<1x128x1xi32>,
    %eq3A_367 = arith.constant 16 : i32
    %eq3A_368 = vector.broadcast %eq3A_367 : i32 to vector<128x8192xi32>
    %eq3A_369 = arith.cmpi eq, %shift_right_logical3A_128, %eq3A_368 : vector<128x8192xi32>
    %jit3A_370 = arith.constant 0 : i32
    %broadcast_in_dim3A_371 = vector.broadcast %jit3A_370 : i32 to vector<128x8192xi32>
    %select_n3A_372 = arith.select %eq3A_369, %select_n3A_126, %broadcast_in_dim3A_371 : vector<128x8192xi1>, vector<128x8192xi32>
    %reduce_sum3A_373 = arith.constant dense<0> : vector<128xi32>
    %reduce_sum3A_374 = vector.multi_reduction <add>, %select_n3A_372, %reduce_sum3A_373 [1] : vector<128x8192xi32> to vector<128xi32>
    %broadcast_in_dim3A_375 = vector.shape_cast %reduce_sum3A_374 : vector<128xi32> to vector<128x1xi32>
    %swap3A_376 = arith.constant 0 : index
    %swap3A_377 = arith.constant 0 : index
    %swap3A_378 = arith.constant 16 : index
    %swap3A_379 = vector.load %arg4[%swap3A_376, %swap3A_377, %swap3A_378] : memref<1x128x26xi32, #tpu.memory_space<vmem>>, vector<1x128x1xi32>
    %swap3A_380 = vector.shape_cast %swap3A_379 : vector<1x128x1xi32> to vector<128x1xi32>
    %swap3A_381 = vector.shape_cast %broadcast_in_dim3A_375 : vector<128x1xi32> to vector<1x128x1xi32>
    tpu.vector_store %arg4[%swap3A_376, %swap3A_377, %swap3A_378], %swap3A_381 {strides = array<i32>} : memref<1x128x26xi32, #tpu.memory_space<vmem>>, vector<1x128x1xi32>,
    %eq3A_382 = arith.constant 17 : i32
    %eq3A_383 = vector.broadcast %eq3A_382 : i32 to vector<128x8192xi32>
    %eq3A_384 = arith.cmpi eq, %shift_right_logical3A_128, %eq3A_383 : vector<128x8192xi32>
    %jit3A_385 = arith.constant 0 : i32
    %broadcast_in_dim3A_386 = vector.broadcast %jit3A_385 : i32 to vector<128x8192xi32>
    %select_n3A_387 = arith.select %eq3A_384, %select_n3A_126, %broadcast_in_dim3A_386 : vector<128x8192xi1>, vector<128x8192xi32>
    %reduce_sum3A_388 = arith.constant dense<0> : vector<128xi32>
    %reduce_sum3A_389 = vector.multi_reduction <add>, %select_n3A_387, %reduce_sum3A_388 [1] : vector<128x8192xi32> to vector<128xi32>
    %broadcast_in_dim3A_390 = vector.shape_cast %reduce_sum3A_389 : vector<128xi32> to vector<128x1xi32>
    %swap3A_391 = arith.constant 0 : index
    %swap3A_392 = arith.constant 0 : index
    %swap3A_393 = arith.constant 17 : index
    %swap3A_394 = vector.load %arg4[%swap3A_391, %swap3A_392, %swap3A_393] : memref<1x128x26xi32, #tpu.memory_space<vmem>>, vector<1x128x1xi32>
    %swap3A_395 = vector.shape_cast %swap3A_394 : vector<1x128x1xi32> to vector<128x1xi32>
    %swap3A_396 = vector.shape_cast %broadcast_in_dim3A_390 : vector<128x1xi32> to vector<1x128x1xi32>
    tpu.vector_store %arg4[%swap3A_391, %swap3A_392, %swap3A_393], %swap3A_396 {strides = array<i32>} : memref<1x128x26xi32, #tpu.memory_space<vmem>>, vector<1x128x1xi32>,
    %eq3A_397 = arith.constant 18 : i32
    %eq3A_398 = vector.broadcast %eq3A_397 : i32 to vector<128x8192xi32>
    %eq3A_399 = arith.cmpi eq, %shift_right_logical3A_128, %eq3A_398 : vector<128x8192xi32>
    %jit3A_400 = arith.constant 0 : i32
    %broadcast_in_dim3A_401 = vector.broadcast %jit3A_400 : i32 to vector<128x8192xi32>
    %select_n3A_402 = arith.select %eq3A_399, %select_n3A_126, %broadcast_in_dim3A_401 : vector<128x8192xi1>, vector<128x8192xi32>
    %reduce_sum3A_403 = arith.constant dense<0> : vector<128xi32>
    %reduce_sum3A_404 = vector.multi_reduction <add>, %select_n3A_402, %reduce_sum3A_403 [1] : vector<128x8192xi32> to vector<128xi32>
    %broadcast_in_dim3A_405 = vector.shape_cast %reduce_sum3A_404 : vector<128xi32> to vector<128x1xi32>
    %swap3A_406 = arith.constant 0 : index
    %swap3A_407 = arith.constant 0 : index
    %swap3A_408 = arith.constant 18 : index
    %swap3A_409 = vector.load %arg4[%swap3A_406, %swap3A_407, %swap3A_408] : memref<1x128x26xi32, #tpu.memory_space<vmem>>, vector<1x128x1xi32>
    %swap3A_410 = vector.shape_cast %swap3A_409 : vector<1x128x1xi32> to vector<128x1xi32>
    %swap3A_411 = vector.shape_cast %broadcast_in_dim3A_405 : vector<128x1xi32> to vector<1x128x1xi32>
    tpu.vector_store %arg4[%swap3A_406, %swap3A_407, %swap3A_408], %swap3A_411 {strides = array<i32>} : memref<1x128x26xi32, #tpu.memory_space<vmem>>, vector<1x128x1xi32>,
    %eq3A_412 = arith.constant 19 : i32
    %eq3A_413 = vector.broadcast %eq3A_412 : i32 to vector<128x8192xi32>
    %eq3A_414 = arith.cmpi eq, %shift_right_logical3A_128, %eq3A_413 : vector<128x8192xi32>
    %jit3A_415 = arith.constant 0 : i32
    %broadcast_in_dim3A_416 = vector.broadcast %jit3A_415 : i32 to vector<128x8192xi32>
    %select_n3A_417 = arith.select %eq3A_414, %select_n3A_126, %broadcast_in_dim3A_416 : vector<128x8192xi1>, vector<128x8192xi32>
    %reduce_sum3A_418 = arith.constant dense<0> : vector<128xi32>
    %reduce_sum3A_419 = vector.multi_reduction <add>, %select_n3A_417, %reduce_sum3A_418 [1] : vector<128x8192xi32> to vector<128xi32>
    %broadcast_in_dim3A_420 = vector.shape_cast %reduce_sum3A_419 : vector<128xi32> to vector<128x1xi32>
    %swap3A_421 = arith.constant 0 : index
    %swap3A_422 = arith.constant 0 : index
    %swap3A_423 = arith.constant 19 : index
    %swap3A_424 = vector.load %arg4[%swap3A_421, %swap3A_422, %swap3A_423] : memref<1x128x26xi32, #tpu.memory_space<vmem>>, vector<1x128x1xi32>
    %swap3A_425 = vector.shape_cast %swap3A_424 : vector<1x128x1xi32> to vector<128x1xi32>
    %swap3A_426 = vector.shape_cast %broadcast_in_dim3A_420 : vector<128x1xi32> to vector<1x128x1xi32>
    tpu.vector_store %arg4[%swap3A_421, %swap3A_422, %swap3A_423], %swap3A_426 {strides = array<i32>} : memref<1x128x26xi32, #tpu.memory_space<vmem>>, vector<1x128x1xi32>,
    %eq3A_427 = arith.constant 20 : i32
    %eq3A_428 = vector.broadcast %eq3A_427 : i32 to vector<128x8192xi32>
    %eq3A_429 = arith.cmpi eq, %shift_right_logical3A_128, %eq3A_428 : vector<128x8192xi32>
    %jit3A_430 = arith.constant 0 : i32
    %broadcast_in_dim3A_431 = vector.broadcast %jit3A_430 : i32 to vector<128x8192xi32>
    %select_n3A_432 = arith.select %eq3A_429, %select_n3A_126, %broadcast_in_dim3A_431 : vector<128x8192xi1>, vector<128x8192xi32>
    %reduce_sum3A_433 = arith.constant dense<0> : vector<128xi32>
    %reduce_sum3A_434 = vector.multi_reduction <add>, %select_n3A_432, %reduce_sum3A_433 [1] : vector<128x8192xi32> to vector<128xi32>
    %broadcast_in_dim3A_435 = vector.shape_cast %reduce_sum3A_434 : vector<128xi32> to vector<128x1xi32>
    %swap3A_436 = arith.constant 0 : index
    %swap3A_437 = arith.constant 0 : index
    %swap3A_438 = arith.constant 20 : index
    %swap3A_439 = vector.load %arg4[%swap3A_436, %swap3A_437, %swap3A_438] : memref<1x128x26xi32, #tpu.memory_space<vmem>>, vector<1x128x1xi32>
    %swap3A_440 = vector.shape_cast %swap3A_439 : vector<1x128x1xi32> to vector<128x1xi32>
    %swap3A_441 = vector.shape_cast %broadcast_in_dim3A_435 : vector<128x1xi32> to vector<1x128x1xi32>
    tpu.vector_store %arg4[%swap3A_436, %swap3A_437, %swap3A_438], %swap3A_441 {strides = array<i32>} : memref<1x128x26xi32, #tpu.memory_space<vmem>>, vector<1x128x1xi32>,
    %eq3A_442 = arith.constant 21 : i32
    %eq3A_443 = vector.broadcast %eq3A_442 : i32 to vector<128x8192xi32>
    %eq3A_444 = arith.cmpi eq, %shift_right_logical3A_128, %eq3A_443 : vector<128x8192xi32>
    %jit3A_445 = arith.constant 0 : i32
    %broadcast_in_dim3A_446 = vector.broadcast %jit3A_445 : i32 to vector<128x8192xi32>
    %select_n3A_447 = arith.select %eq3A_444, %select_n3A_126, %broadcast_in_dim3A_446 : vector<128x8192xi1>, vector<128x8192xi32>
    %reduce_sum3A_448 = arith.constant dense<0> : vector<128xi32>
    %reduce_sum3A_449 = vector.multi_reduction <add>, %select_n3A_447, %reduce_sum3A_448 [1] : vector<128x8192xi32> to vector<128xi32>
    %broadcast_in_dim3A_450 = vector.shape_cast %reduce_sum3A_449 : vector<128xi32> to vector<128x1xi32>
    %swap3A_451 = arith.constant 0 : index
    %swap3A_452 = arith.constant 0 : index
    %swap3A_453 = arith.constant 21 : index
    %swap3A_454 = vector.load %arg4[%swap3A_451, %swap3A_452, %swap3A_453] : memref<1x128x26xi32, #tpu.memory_space<vmem>>, vector<1x128x1xi32>
    %swap3A_455 = vector.shape_cast %swap3A_454 : vector<1x128x1xi32> to vector<128x1xi32>
    %swap3A_456 = vector.shape_cast %broadcast_in_dim3A_450 : vector<128x1xi32> to vector<1x128x1xi32>
    tpu.vector_store %arg4[%swap3A_451, %swap3A_452, %swap3A_453], %swap3A_456 {strides = array<i32>} : memref<1x128x26xi32, #tpu.memory_space<vmem>>, vector<1x128x1xi32>,
    %eq3A_457 = arith.constant 22 : i32
    %eq3A_458 = vector.broadcast %eq3A_457 : i32 to vector<128x8192xi32>
    %eq3A_459 = arith.cmpi eq, %shift_right_logical3A_128, %eq3A_458 : vector<128x8192xi32>
    %jit3A_460 = arith.constant 0 : i32
    %broadcast_in_dim3A_461 = vector.broadcast %jit3A_460 : i32 to vector<128x8192xi32>
    %select_n3A_462 = arith.select %eq3A_459, %select_n3A_126, %broadcast_in_dim3A_461 : vector<128x8192xi1>, vector<128x8192xi32>
    %reduce_sum3A_463 = arith.constant dense<0> : vector<128xi32>
    %reduce_sum3A_464 = vector.multi_reduction <add>, %select_n3A_462, %reduce_sum3A_463 [1] : vector<128x8192xi32> to vector<128xi32>
    %broadcast_in_dim3A_465 = vector.shape_cast %reduce_sum3A_464 : vector<128xi32> to vector<128x1xi32>
    %swap3A_466 = arith.constant 0 : index
    %swap3A_467 = arith.constant 0 : index
    %swap3A_468 = arith.constant 22 : index
    %swap3A_469 = vector.load %arg4[%swap3A_466, %swap3A_467, %swap3A_468] : memref<1x128x26xi32, #tpu.memory_space<vmem>>, vector<1x128x1xi32>
    %swap3A_470 = vector.shape_cast %swap3A_469 : vector<1x128x1xi32> to vector<128x1xi32>
    %swap3A_471 = vector.shape_cast %broadcast_in_dim3A_465 : vector<128x1xi32> to vector<1x128x1xi32>
    tpu.vector_store %arg4[%swap3A_466, %swap3A_467, %swap3A_468], %swap3A_471 {strides = array<i32>} : memref<1x128x26xi32, #tpu.memory_space<vmem>>, vector<1x128x1xi32>,
    %eq3A_472 = arith.constant 23 : i32
    %eq3A_473 = vector.broadcast %eq3A_472 : i32 to vector<128x8192xi32>
    %eq3A_474 = arith.cmpi eq, %shift_right_logical3A_128, %eq3A_473 : vector<128x8192xi32>
    %jit3A_475 = arith.constant 0 : i32
    %broadcast_in_dim3A_476 = vector.broadcast %jit3A_475 : i32 to vector<128x8192xi32>
    %select_n3A_477 = arith.select %eq3A_474, %select_n3A_126, %broadcast_in_dim3A_476 : vector<128x8192xi1>, vector<128x8192xi32>
    %reduce_sum3A_478 = arith.constant dense<0> : vector<128xi32>
    %reduce_sum3A_479 = vector.multi_reduction <add>, %select_n3A_477, %reduce_sum3A_478 [1] : vector<128x8192xi32> to vector<128xi32>
    %broadcast_in_dim3A_480 = vector.shape_cast %reduce_sum3A_479 : vector<128xi32> to vector<128x1xi32>
    %swap3A_481 = arith.constant 0 : index
    %swap3A_482 = arith.constant 0 : index
    %swap3A_483 = arith.constant 23 : index
    %swap3A_484 = vector.load %arg4[%swap3A_481, %swap3A_482, %swap3A_483] : memref<1x128x26xi32, #tpu.memory_space<vmem>>, vector<1x128x1xi32>
    %swap3A_485 = vector.shape_cast %swap3A_484 : vector<1x128x1xi32> to vector<128x1xi32>
    %swap3A_486 = vector.shape_cast %broadcast_in_dim3A_480 : vector<128x1xi32> to vector<1x128x1xi32>
    tpu.vector_store %arg4[%swap3A_481, %swap3A_482, %swap3A_483], %swap3A_486 {strides = array<i32>} : memref<1x128x26xi32, #tpu.memory_space<vmem>>, vector<1x128x1xi32>,
    %reduce_sum3A_487 = arith.constant dense<0.000000e+00> : vector<128xf32>
    %reduce_sum3A_488 = vector.multi_reduction <add>, %convert_element_type3A_33, %reduce_sum3A_487 [1] : vector<128x8192xf32> to vector<128xf32>
    %broadcast_in_dim3A_489 = vector.shape_cast %reduce_sum3A_488 : vector<128xf32> to vector<128x1xf32>
    %convert_element_type3A_490 = arith.fptosi %broadcast_in_dim3A_489 : vector<128x1xf32> to vector<128x1xi32>
    %swap3A_491 = arith.constant 0 : index
    %swap3A_492 = arith.constant 0 : index
    %swap3A_493 = arith.constant 24 : index
    %swap3A_494 = vector.load %arg4[%swap3A_491, %swap3A_492, %swap3A_493] : memref<1x128x26xi32, #tpu.memory_space<vmem>>, vector<1x128x1xi32>
    %swap3A_495 = vector.shape_cast %swap3A_494 : vector<1x128x1xi32> to vector<128x1xi32>
    %swap3A_496 = vector.shape_cast %convert_element_type3A_490 : vector<128x1xi32> to vector<1x128x1xi32>
    tpu.vector_store %arg4[%swap3A_491, %swap3A_492, %swap3A_493], %swap3A_496 {strides = array<i32>} : memref<1x128x26xi32, #tpu.memory_space<vmem>>, vector<1x128x1xi32>,
    %reduce_min3A = arith.constant dense<0x7F800000> : vector<128xf32>
    %reduce_min3A_497 = vector.multi_reduction <minimumf>, %add3A_24, %reduce_min3A [1] : vector<128x8192xf32> to vector<128xf32>
    %broadcast_in_dim3A_498 = vector.shape_cast %reduce_min3A_497 : vector<128xf32> to vector<128x1xf32>
    %le3A_499 = vector.broadcast %broadcast_in_dim3A_498 : vector<128x1xf32> to vector<128x8192xf32>
    %le3A_500 = arith.cmpf ole, %add3A_24, %le3A_499 : vector<128x8192xf32>
    %jit3A_501 = arith.constant 4194304 : i32
    %broadcast_in_dim3A_502 = vector.broadcast %jit3A_501 : i32 to vector<128x8192xi32>
    %select_n3A_503 = arith.select %le3A_500, %iota3A, %broadcast_in_dim3A_502 : vector<128x8192xi1>, vector<128x8192xi32>
    %reduce_min3A_504 = arith.constant dense<2147483647> : vector<128xi32>
    %reduce_min3A_505 = vector.multi_reduction <minsi>, %select_n3A_503, %reduce_min3A_504 [1] : vector<128x8192xi32> to vector<128xi32>
    %broadcast_in_dim3A_506 = vector.shape_cast %reduce_min3A_505 : vector<128xi32> to vector<128x1xi32>
    %swap3A_507 = arith.constant 0 : index
    %swap3A_508 = arith.constant 0 : index
    %swap3A_509 = arith.constant 25 : index
    %swap3A_510 = vector.load %arg4[%swap3A_507, %swap3A_508, %swap3A_509] : memref<1x128x26xi32, #tpu.memory_space<vmem>>, vector<1x128x1xi32>
    %swap3A_511 = vector.shape_cast %swap3A_510 : vector<1x128x1xi32> to vector<128x1xi32>
    %swap3A_512 = vector.shape_cast %broadcast_in_dim3A_506 : vector<128x1xi32> to vector<1x128x1xi32>
    tpu.vector_store %arg4[%swap3A_507, %swap3A_508, %swap3A_509], %swap3A_512 {strides = array<i32>} : memref<1x128x26xi32, #tpu.memory_space<vmem>>, vector<1x128x1xi32>,
    return
  }
  func.func @transform_0(%arg0: i32, %arg1: i32) -> (i32, i32, i32) {
    %c0_i32 = arith.constant 0 : i32
    %c0_i32_0 = arith.constant 0 : i32
    %c0_i32_1 = arith.constant 0 : i32
    return %arg0, %c0_i32, %c0_i32_0 : i32, i32, i32
  }
  func.func @transform_1(%arg0: i32, %arg1: i32) -> (i32, i32, i32) {
    %c0_i32 = arith.constant 0 : i32
    %c0_i32_0 = arith.constant 0 : i32
    return %arg0, %arg1, %c0_i32 : i32, i32, i32
  }
  func.func @transform_2(%arg0: i32, %arg1: i32) -> (i32, i32, i32) {
    %c0_i32 = arith.constant 0 : i32
    %c0_i32_0 = arith.constant 0 : i32
    return %arg0, %arg1, %c0_i32 : i32, i32, i32
  }
}

module attributes {stable_mosaic.version = 14 : i64} {
  func.func @_sel_body(%arg0: i32, %arg1: i32, %arg2: memref<1x3x512xf32, #tpu.memory_space<vmem>>, %arg3: memref<1x128x3xf32, #tpu.memory_space<vmem>>, %arg4: memref<1x128x34xi32, #tpu.memory_space<vmem>>) attributes {dimension_semantics = [#tpu.dimension_semantics<arbitrary>, #tpu.dimension_semantics<arbitrary>], iteration_bounds = array<i64: 8, 1>, scalar_prefetch = 0 : i64, scratch_operands = 0 : i64, tpu.core_type = #tpu.core_type<tc>, window_params = [{transform_indices = @transform_0, window_bounds = array<i64: 1, 3, 512>}, {transform_indices = @transform_1, window_bounds = array<i64: 1, 128, 3>}, {transform_indices = @transform_2, window_bounds = array<i64: 1, 128, 34>}]} {
    %get3A = arith.constant 0 : index
    %get3A_0 = arith.constant 0 : index
    %get3A_1 = arith.constant 0 : index
    %get3A_2 = vector.load %arg2[%get3A, %get3A_0, %get3A_1] : memref<1x3x512xf32, #tpu.memory_space<vmem>>, vector<1x3x512xf32>
    %get3A_3 = vector.shape_cast %get3A_2 : vector<1x3x512xf32> to vector<3x512xf32>
    %get3A_4 = arith.constant 0 : index
    %get3A_5 = arith.constant 0 : index
    %get3A_6 = arith.constant 0 : index
    %get3A_7 = vector.load %arg3[%get3A_4, %get3A_5, %get3A_6] : memref<1x128x3xf32, #tpu.memory_space<vmem>>, vector<1x128x3xf32>
    %get3A_8 = vector.shape_cast %get3A_7 : vector<1x128x3xf32> to vector<128x3xf32>
    %slice3A = vector.extract_strided_slice %get3A_8 {offsets = [0, 0], sizes = [128, 1], strides = [1, 1]} : vector<128x3xf32> to vector<128x1xf32>
    %slice3A_9 = vector.extract_strided_slice %get3A_3 {offsets = [0, 0], sizes = [1, 512], strides = [1, 1]} : vector<3x512xf32> to vector<1x512xf32>
    %sub3A = vector.broadcast %slice3A : vector<128x1xf32> to vector<128x512xf32>
    %sub3A_10 = vector.broadcast %slice3A_9 : vector<1x512xf32> to vector<128x512xf32>
    %sub3A_11 = arith.subf %sub3A, %sub3A_10 : vector<128x512xf32>
    %mul3A = arith.mulf %sub3A_11, %sub3A_11 : vector<128x512xf32>
    %slice3A_12 = vector.extract_strided_slice %get3A_8 {offsets = [0, 1], sizes = [128, 1], strides = [1, 1]} : vector<128x3xf32> to vector<128x1xf32>
    %slice3A_13 = vector.extract_strided_slice %get3A_3 {offsets = [1, 0], sizes = [1, 512], strides = [1, 1]} : vector<3x512xf32> to vector<1x512xf32>
    %sub3A_14 = vector.broadcast %slice3A_12 : vector<128x1xf32> to vector<128x512xf32>
    %sub3A_15 = vector.broadcast %slice3A_13 : vector<1x512xf32> to vector<128x512xf32>
    %sub3A_16 = arith.subf %sub3A_14, %sub3A_15 : vector<128x512xf32>
    %mul3A_17 = arith.mulf %sub3A_16, %sub3A_16 : vector<128x512xf32>
    %add3A = arith.addf %mul3A, %mul3A_17 : vector<128x512xf32>
    %slice3A_18 = vector.extract_strided_slice %get3A_8 {offsets = [0, 2], sizes = [128, 1], strides = [1, 1]} : vector<128x3xf32> to vector<128x1xf32>
    %slice3A_19 = vector.extract_strided_slice %get3A_3 {offsets = [2, 0], sizes = [1, 512], strides = [1, 1]} : vector<3x512xf32> to vector<1x512xf32>
    %sub3A_20 = vector.broadcast %slice3A_18 : vector<128x1xf32> to vector<128x512xf32>
    %sub3A_21 = vector.broadcast %slice3A_19 : vector<1x512xf32> to vector<128x512xf32>
    %sub3A_22 = arith.subf %sub3A_20, %sub3A_21 : vector<128x512xf32>
    %mul3A_23 = arith.mulf %sub3A_22, %sub3A_22 : vector<128x512xf32>
    %add3A_24 = arith.addf %add3A, %mul3A_23 : vector<128x512xf32>
    %bitcast_convert_type3A = tpu.bitcast %add3A_24 : vector<128x512xf32> -> vector<128x512xi32>
    %broadcast_in_dim3A = arith.constant -1 : i32
    %broadcast_in_dim3A_25 = vector.broadcast %broadcast_in_dim3A : i32 to vector<128x1xi32>
    %broadcast_in_dim3A_26 = arith.constant 1037154071 : i32
    %broadcast_in_dim3A_27 = vector.broadcast %broadcast_in_dim3A_26 : i32 to vector<128x1xi32>
    %scan3A = arith.constant 0 : i32
    %scan3A_28 = arith.constant 30 : i32
    %scan3A_29 = arith.addi %scan3A, %scan3A_28 : i32
    %scan3A_30 = arith.constant 1 : i32
    %scan3A_31:2 = scf.for %scan3A_609 = %scan3A to %scan3A_29 step %scan3A_30 iter_args(%scan3A_610 = %broadcast_in_dim3A_25, %scan3A_611 = %broadcast_in_dim3A_27) -> (vector<128x1xi32>, vector<128x1xi32>)  : i32 {
      %add3A_612 = arith.addi %scan3A_610, %scan3A_611 : vector<128x1xi32>
      %shift_right_arithmetic3A = arith.constant 1 : i32
      %shift_right_arithmetic3A_613 = vector.broadcast %shift_right_arithmetic3A : i32 to vector<128x1xi32>
      %shift_right_arithmetic3A_614 = arith.shrsi %add3A_612, %shift_right_arithmetic3A_613 : vector<128x1xi32>
      %le3A_615 = vector.broadcast %shift_right_arithmetic3A_614 : vector<128x1xi32> to vector<128x512xi32>
      %le3A_616 = arith.cmpi sle, %bitcast_convert_type3A, %le3A_615 : vector<128x512xi32>
      %convert_element_type3A_617 = arith.extui %le3A_616 : vector<128x512xi1> to vector<128x512xi32>
      %convert_element_type3A_618 = arith.sitofp %convert_element_type3A_617 : vector<128x512xi32> to vector<128x512xf32>
      %reduce_sum3A_619 = arith.constant dense<0.000000e+00> : vector<128xf32>
      %reduce_sum3A_620 = vector.multi_reduction <add>, %convert_element_type3A_618, %reduce_sum3A_619 [1] : vector<128x512xf32> to vector<128xf32>
      %broadcast_in_dim3A_621 = vector.shape_cast %reduce_sum3A_620 : vector<128xf32> to vector<128x1xf32>
      %ge3A = arith.constant 6.400000e+01 : f32
      %ge3A_622 = vector.broadcast %ge3A : f32 to vector<128x1xf32>
      %ge3A_623 = arith.cmpf oge, %broadcast_in_dim3A_621, %ge3A_622 : vector<128x1xf32>
      %select_n3A_624 = arith.select %ge3A_623, %scan3A_610, %shift_right_arithmetic3A_614 : vector<128x1xi1>, vector<128x1xi32>
      %select_n3A_625 = arith.select %ge3A_623, %shift_right_arithmetic3A_614, %scan3A_611 : vector<128x1xi1>, vector<128x1xi32>
      scf.yield %select_n3A_624, %select_n3A_625 : vector<128x1xi32>, vector<128x1xi32>
    }
    %le3A = vector.broadcast %scan3A_31#1 : vector<128x1xi32> to vector<128x512xi32>
    %le3A_32 = arith.cmpi sle, %bitcast_convert_type3A, %le3A : vector<128x512xi32>
    %convert_element_type3A = arith.extui %le3A_32 : vector<128x512xi1> to vector<128x512xi32>
    %convert_element_type3A_33 = arith.sitofp %convert_element_type3A : vector<128x512xi32> to vector<128x512xf32>
    %jit3A = arith.constant 0 : i32
    %convert_element_type3A_34 = arith.sitofp %jit3A : i32 to f32
    %pad3A = vector.broadcast %convert_element_type3A_34 : f32 to vector<128x1xf32>
    %pad3A_35 = tpu.concatenate %pad3A, %convert_element_type3A_33 in 1 : vector<128x1xf32>, vector<128x512xf32> -> vector<128x513xf32>
    %slice3A_36 = vector.extract_strided_slice %pad3A_35 {offsets = [0, 0], sizes = [128, 512], strides = [1, 1]} : vector<128x513xf32> to vector<128x512xf32>
    %add3A_37 = arith.addf %convert_element_type3A_33, %slice3A_36 : vector<128x512xf32>
    %jit3A_38 = arith.constant 0 : i32
    %convert_element_type3A_39 = arith.sitofp %jit3A_38 : i32 to f32
    %pad3A_40 = vector.broadcast %convert_element_type3A_39 : f32 to vector<128x2xf32>
    %pad3A_41 = tpu.concatenate %pad3A_40, %add3A_37 in 1 : vector<128x2xf32>, vector<128x512xf32> -> vector<128x514xf32>
    %slice3A_42 = vector.extract_strided_slice %pad3A_41 {offsets = [0, 0], sizes = [128, 512], strides = [1, 1]} : vector<128x514xf32> to vector<128x512xf32>
    %add3A_43 = arith.addf %add3A_37, %slice3A_42 : vector<128x512xf32>
    %jit3A_44 = arith.constant 0 : i32
    %convert_element_type3A_45 = arith.sitofp %jit3A_44 : i32 to f32
    %pad3A_46 = vector.broadcast %convert_element_type3A_45 : f32 to vector<128x4xf32>
    %pad3A_47 = tpu.concatenate %pad3A_46, %add3A_43 in 1 : vector<128x4xf32>, vector<128x512xf32> -> vector<128x516xf32>
    %slice3A_48 = vector.extract_strided_slice %pad3A_47 {offsets = [0, 0], sizes = [128, 512], strides = [1, 1]} : vector<128x516xf32> to vector<128x512xf32>
    %add3A_49 = arith.addf %add3A_43, %slice3A_48 : vector<128x512xf32>
    %jit3A_50 = arith.constant 0 : i32
    %convert_element_type3A_51 = arith.sitofp %jit3A_50 : i32 to f32
    %pad3A_52 = vector.broadcast %convert_element_type3A_51 : f32 to vector<128x8xf32>
    %pad3A_53 = tpu.concatenate %pad3A_52, %add3A_49 in 1 : vector<128x8xf32>, vector<128x512xf32> -> vector<128x520xf32>
    %slice3A_54 = vector.extract_strided_slice %pad3A_53 {offsets = [0, 0], sizes = [128, 512], strides = [1, 1]} : vector<128x520xf32> to vector<128x512xf32>
    %add3A_55 = arith.addf %add3A_49, %slice3A_54 : vector<128x512xf32>
    %jit3A_56 = arith.constant 0 : i32
    %convert_element_type3A_57 = arith.sitofp %jit3A_56 : i32 to f32
    %pad3A_58 = vector.broadcast %convert_element_type3A_57 : f32 to vector<128x16xf32>
    %pad3A_59 = tpu.concatenate %pad3A_58, %add3A_55 in 1 : vector<128x16xf32>, vector<128x512xf32> -> vector<128x528xf32>
    %slice3A_60 = vector.extract_strided_slice %pad3A_59 {offsets = [0, 0], sizes = [128, 512], strides = [1, 1]} : vector<128x528xf32> to vector<128x512xf32>
    %add3A_61 = arith.addf %add3A_55, %slice3A_60 : vector<128x512xf32>
    %jit3A_62 = arith.constant 0 : i32
    %convert_element_type3A_63 = arith.sitofp %jit3A_62 : i32 to f32
    %pad3A_64 = vector.broadcast %convert_element_type3A_63 : f32 to vector<128x32xf32>
    %pad3A_65 = tpu.concatenate %pad3A_64, %add3A_61 in 1 : vector<128x32xf32>, vector<128x512xf32> -> vector<128x544xf32>
    %slice3A_66 = vector.extract_strided_slice %pad3A_65 {offsets = [0, 0], sizes = [128, 512], strides = [1, 1]} : vector<128x544xf32> to vector<128x512xf32>
    %add3A_67 = arith.addf %add3A_61, %slice3A_66 : vector<128x512xf32>
    %jit3A_68 = arith.constant 0 : i32
    %convert_element_type3A_69 = arith.sitofp %jit3A_68 : i32 to f32
    %pad3A_70 = vector.broadcast %convert_element_type3A_69 : f32 to vector<128x64xf32>
    %pad3A_71 = tpu.concatenate %pad3A_70, %add3A_67 in 1 : vector<128x64xf32>, vector<128x512xf32> -> vector<128x576xf32>
    %slice3A_72 = vector.extract_strided_slice %pad3A_71 {offsets = [0, 0], sizes = [128, 512], strides = [1, 1]} : vector<128x576xf32> to vector<128x512xf32>
    %add3A_73 = arith.addf %add3A_67, %slice3A_72 : vector<128x512xf32>
    %jit3A_74 = arith.constant 0 : i32
    %convert_element_type3A_75 = arith.sitofp %jit3A_74 : i32 to f32
    %pad3A_76 = vector.broadcast %convert_element_type3A_75 : f32 to vector<128x128xf32>
    %pad3A_77 = tpu.concatenate %pad3A_76, %add3A_73 in 1 : vector<128x128xf32>, vector<128x512xf32> -> vector<128x640xf32>
    %slice3A_78 = vector.extract_strided_slice %pad3A_77 {offsets = [0, 0], sizes = [128, 512], strides = [1, 1]} : vector<128x640xf32> to vector<128x512xf32>
    %add3A_79 = arith.addf %add3A_73, %slice3A_78 : vector<128x512xf32>
    %jit3A_80 = arith.constant 0 : i32
    %convert_element_type3A_81 = arith.sitofp %jit3A_80 : i32 to f32
    %pad3A_82 = vector.broadcast %convert_element_type3A_81 : f32 to vector<128x256xf32>
    %pad3A_83 = tpu.concatenate %pad3A_82, %add3A_79 in 1 : vector<128x256xf32>, vector<128x512xf32> -> vector<128x768xf32>
    %slice3A_84 = vector.extract_strided_slice %pad3A_83 {offsets = [0, 0], sizes = [128, 512], strides = [1, 1]} : vector<128x768xf32> to vector<128x512xf32>
    %add3A_85 = arith.addf %add3A_79, %slice3A_84 : vector<128x512xf32>
    %sub3A_86 = arith.subf %add3A_85, %convert_element_type3A_33 : vector<128x512xf32>
    %convert_element_type3A_87 = arith.fptosi %sub3A_86 : vector<128x512xf32> to vector<128x512xi32>
    %iota3A = tpu.iota {dimensions = array<i32: 1>} : vector<128x512xi32>
    %jit3A_88 = arith.constant 4194304 : i32
    %broadcast_in_dim3A_89 = vector.broadcast %jit3A_88 : i32 to vector<128x512xi32>
    %select_n3A = arith.select %le3A_32, %convert_element_type3A_87, %broadcast_in_dim3A_89 : vector<128x512xi1>, vector<128x512xi32>
    %and3A = arith.constant 1 : i32
    %and3A_90 = vector.broadcast %and3A : i32 to vector<128x512xi32>
    %and3A_91 = arith.andi %select_n3A, %and3A_90 : vector<128x512xi32>
    %eq3A = arith.constant 1 : i32
    %eq3A_92 = vector.broadcast %eq3A : i32 to vector<128x512xi32>
    %eq3A_93 = arith.cmpi eq, %and3A_91, %eq3A_92 : vector<128x512xi32>
    %add3A_94 = arith.constant 1 : i32
    %add3A_95 = vector.broadcast %add3A_94 : i32 to vector<128x512xi32>
    %add3A_96 = arith.addi %iota3A, %add3A_95 : vector<128x512xi32>
    %shift_left3A = arith.constant 14 : i32
    %shift_left3A_97 = vector.broadcast %shift_left3A : i32 to vector<128x512xi32>
    %shift_left3A_98 = arith.shli %add3A_96, %shift_left3A_97 : vector<128x512xi32>
    %add3A_99 = arith.constant 1 : i32
    %add3A_100 = vector.broadcast %add3A_99 : i32 to vector<128x512xi32>
    %add3A_101 = arith.addi %iota3A, %add3A_100 : vector<128x512xi32>
    %select_n3A_102 = arith.select %eq3A_93, %shift_left3A_98, %add3A_101 : vector<128x512xi1>, vector<128x512xi32>
    %shift_right_logical3A = arith.constant 1 : i32
    %shift_right_logical3A_103 = vector.broadcast %shift_right_logical3A : i32 to vector<128x512xi32>
    %shift_right_logical3A_104 = arith.shrui %select_n3A, %shift_right_logical3A_103 : vector<128x512xi32>
    %eq3A_105 = arith.constant 0 : i32
    %eq3A_106 = vector.broadcast %eq3A_105 : i32 to vector<128x512xi32>
    %eq3A_107 = arith.cmpi eq, %shift_right_logical3A_104, %eq3A_106 : vector<128x512xi32>
    %jit3A_108 = arith.constant 0 : i32
    %broadcast_in_dim3A_109 = vector.broadcast %jit3A_108 : i32 to vector<128x512xi32>
    %select_n3A_110 = arith.select %eq3A_107, %select_n3A_102, %broadcast_in_dim3A_109 : vector<128x512xi1>, vector<128x512xi32>
    %reduce_sum3A = arith.constant dense<0> : vector<128xi32>
    %reduce_sum3A_111 = vector.multi_reduction <add>, %select_n3A_110, %reduce_sum3A [1] : vector<128x512xi32> to vector<128xi32>
    %broadcast_in_dim3A_112 = vector.shape_cast %reduce_sum3A_111 : vector<128xi32> to vector<128x1xi32>
    %swap3A = arith.constant 0 : index
    %swap3A_113 = arith.constant 0 : index
    %swap3A_114 = arith.constant 0 : index
    %swap3A_115 = vector.load %arg4[%swap3A, %swap3A_113, %swap3A_114] : memref<1x128x34xi32, #tpu.memory_space<vmem>>, vector<1x128x1xi32>
    %swap3A_116 = vector.shape_cast %swap3A_115 : vector<1x128x1xi32> to vector<128x1xi32>
    %swap3A_117 = vector.shape_cast %broadcast_in_dim3A_112 : vector<128x1xi32> to vector<1x128x1xi32>
    tpu.vector_store %arg4[%swap3A, %swap3A_113, %swap3A_114], %swap3A_117 {strides = array<i32>} : memref<1x128x34xi32, #tpu.memory_space<vmem>>, vector<1x128x1xi32>,
    %eq3A_118 = arith.constant 1 : i32
    %eq3A_119 = vector.broadcast %eq3A_118 : i32 to vector<128x512xi32>
    %eq3A_120 = arith.cmpi eq, %shift_right_logical3A_104, %eq3A_119 : vector<128x512xi32>
    %jit3A_121 = arith.constant 0 : i32
    %broadcast_in_dim3A_122 = vector.broadcast %jit3A_121 : i32 to vector<128x512xi32>
    %select_n3A_123 = arith.select %eq3A_120, %select_n3A_102, %broadcast_in_dim3A_122 : vector<128x512xi1>, vector<128x512xi32>
    %reduce_sum3A_124 = arith.constant dense<0> : vector<128xi32>
    %reduce_sum3A_125 = vector.multi_reduction <add>, %select_n3A_123, %reduce_sum3A_124 [1] : vector<128x512xi32> to vector<128xi32>
    %broadcast_in_dim3A_126 = vector.shape_cast %reduce_sum3A_125 : vector<128xi32> to vector<128x1xi32>
    %swap3A_127 = arith.constant 0 : index
    %swap3A_128 = arith.constant 0 : index
    %swap3A_129 = arith.constant 1 : index
    %swap3A_130 = vector.load %arg4[%swap3A_127, %swap3A_128, %swap3A_129] : memref<1x128x34xi32, #tpu.memory_space<vmem>>, vector<1x128x1xi32>
    %swap3A_131 = vector.shape_cast %swap3A_130 : vector<1x128x1xi32> to vector<128x1xi32>
    %swap3A_132 = vector.shape_cast %broadcast_in_dim3A_126 : vector<128x1xi32> to vector<1x128x1xi32>
    tpu.vector_store %arg4[%swap3A_127, %swap3A_128, %swap3A_129], %swap3A_132 {strides = array<i32>} : memref<1x128x34xi32, #tpu.memory_space<vmem>>, vector<1x128x1xi32>,
    %eq3A_133 = arith.constant 2 : i32
    %eq3A_134 = vector.broadcast %eq3A_133 : i32 to vector<128x512xi32>
    %eq3A_135 = arith.cmpi eq, %shift_right_logical3A_104, %eq3A_134 : vector<128x512xi32>
    %jit3A_136 = arith.constant 0 : i32
    %broadcast_in_dim3A_137 = vector.broadcast %jit3A_136 : i32 to vector<128x512xi32>
    %select_n3A_138 = arith.select %eq3A_135, %select_n3A_102, %broadcast_in_dim3A_137 : vector<128x512xi1>, vector<128x512xi32>
    %reduce_sum3A_139 = arith.constant dense<0> : vector<128xi32>
    %reduce_sum3A_140 = vector.multi_reduction <add>, %select_n3A_138, %reduce_sum3A_139 [1] : vector<128x512xi32> to vector<128xi32>
    %broadcast_in_dim3A_141 = vector.shape_cast %reduce_sum3A_140 : vector<128xi32> to vector<128x1xi32>
    %swap3A_142 = arith.constant 0 : index
    %swap3A_143 = arith.constant 0 : index
    %swap3A_144 = arith.constant 2 : index
    %swap3A_145 = vector.load %arg4[%swap3A_142, %swap3A_143, %swap3A_144] : memref<1x128x34xi32, #tpu.memory_space<vmem>>, vector<1x128x1xi32>
    %swap3A_146 = vector.shape_cast %swap3A_145 : vector<1x128x1xi32> to vector<128x1xi32>
    %swap3A_147 = vector.shape_cast %broadcast_in_dim3A_141 : vector<128x1xi32> to vector<1x128x1xi32>
    tpu.vector_store %arg4[%swap3A_142, %swap3A_143, %swap3A_144], %swap3A_147 {strides = array<i32>} : memref<1x128x34xi32, #tpu.memory_space<vmem>>, vector<1x128x1xi32>,
    %eq3A_148 = arith.constant 3 : i32
    %eq3A_149 = vector.broadcast %eq3A_148 : i32 to vector<128x512xi32>
    %eq3A_150 = arith.cmpi eq, %shift_right_logical3A_104, %eq3A_149 : vector<128x512xi32>
    %jit3A_151 = arith.constant 0 : i32
    %broadcast_in_dim3A_152 = vector.broadcast %jit3A_151 : i32 to vector<128x512xi32>
    %select_n3A_153 = arith.select %eq3A_150, %select_n3A_102, %broadcast_in_dim3A_152 : vector<128x512xi1>, vector<128x512xi32>
    %reduce_sum3A_154 = arith.constant dense<0> : vector<128xi32>
    %reduce_sum3A_155 = vector.multi_reduction <add>, %select_n3A_153, %reduce_sum3A_154 [1] : vector<128x512xi32> to vector<128xi32>
    %broadcast_in_dim3A_156 = vector.shape_cast %reduce_sum3A_155 : vector<128xi32> to vector<128x1xi32>
    %swap3A_157 = arith.constant 0 : index
    %swap3A_158 = arith.constant 0 : index
    %swap3A_159 = arith.constant 3 : index
    %swap3A_160 = vector.load %arg4[%swap3A_157, %swap3A_158, %swap3A_159] : memref<1x128x34xi32, #tpu.memory_space<vmem>>, vector<1x128x1xi32>
    %swap3A_161 = vector.shape_cast %swap3A_160 : vector<1x128x1xi32> to vector<128x1xi32>
    %swap3A_162 = vector.shape_cast %broadcast_in_dim3A_156 : vector<128x1xi32> to vector<1x128x1xi32>
    tpu.vector_store %arg4[%swap3A_157, %swap3A_158, %swap3A_159], %swap3A_162 {strides = array<i32>} : memref<1x128x34xi32, #tpu.memory_space<vmem>>, vector<1x128x1xi32>,
    %eq3A_163 = arith.constant 4 : i32
    %eq3A_164 = vector.broadcast %eq3A_163 : i32 to vector<128x512xi32>
    %eq3A_165 = arith.cmpi eq, %shift_right_logical3A_104, %eq3A_164 : vector<128x512xi32>
    %jit3A_166 = arith.constant 0 : i32
    %broadcast_in_dim3A_167 = vector.broadcast %jit3A_166 : i32 to vector<128x512xi32>
    %select_n3A_168 = arith.select %eq3A_165, %select_n3A_102, %broadcast_in_dim3A_167 : vector<128x512xi1>, vector<128x512xi32>
    %reduce_sum3A_169 = arith.constant dense<0> : vector<128xi32>
    %reduce_sum3A_170 = vector.multi_reduction <add>, %select_n3A_168, %reduce_sum3A_169 [1] : vector<128x512xi32> to vector<128xi32>
    %broadcast_in_dim3A_171 = vector.shape_cast %reduce_sum3A_170 : vector<128xi32> to vector<128x1xi32>
    %swap3A_172 = arith.constant 0 : index
    %swap3A_173 = arith.constant 0 : index
    %swap3A_174 = arith.constant 4 : index
    %swap3A_175 = vector.load %arg4[%swap3A_172, %swap3A_173, %swap3A_174] : memref<1x128x34xi32, #tpu.memory_space<vmem>>, vector<1x128x1xi32>
    %swap3A_176 = vector.shape_cast %swap3A_175 : vector<1x128x1xi32> to vector<128x1xi32>
    %swap3A_177 = vector.shape_cast %broadcast_in_dim3A_171 : vector<128x1xi32> to vector<1x128x1xi32>
    tpu.vector_store %arg4[%swap3A_172, %swap3A_173, %swap3A_174], %swap3A_177 {strides = array<i32>} : memref<1x128x34xi32, #tpu.memory_space<vmem>>, vector<1x128x1xi32>,
    %eq3A_178 = arith.constant 5 : i32
    %eq3A_179 = vector.broadcast %eq3A_178 : i32 to vector<128x512xi32>
    %eq3A_180 = arith.cmpi eq, %shift_right_logical3A_104, %eq3A_179 : vector<128x512xi32>
    %jit3A_181 = arith.constant 0 : i32
    %broadcast_in_dim3A_182 = vector.broadcast %jit3A_181 : i32 to vector<128x512xi32>
    %select_n3A_183 = arith.select %eq3A_180, %select_n3A_102, %broadcast_in_dim3A_182 : vector<128x512xi1>, vector<128x512xi32>
    %reduce_sum3A_184 = arith.constant dense<0> : vector<128xi32>
    %reduce_sum3A_185 = vector.multi_reduction <add>, %select_n3A_183, %reduce_sum3A_184 [1] : vector<128x512xi32> to vector<128xi32>
    %broadcast_in_dim3A_186 = vector.shape_cast %reduce_sum3A_185 : vector<128xi32> to vector<128x1xi32>
    %swap3A_187 = arith.constant 0 : index
    %swap3A_188 = arith.constant 0 : index
    %swap3A_189 = arith.constant 5 : index
    %swap3A_190 = vector.load %arg4[%swap3A_187, %swap3A_188, %swap3A_189] : memref<1x128x34xi32, #tpu.memory_space<vmem>>, vector<1x128x1xi32>
    %swap3A_191 = vector.shape_cast %swap3A_190 : vector<1x128x1xi32> to vector<128x1xi32>
    %swap3A_192 = vector.shape_cast %broadcast_in_dim3A_186 : vector<128x1xi32> to vector<1x128x1xi32>
    tpu.vector_store %arg4[%swap3A_187, %swap3A_188, %swap3A_189], %swap3A_192 {strides = array<i32>} : memref<1x128x34xi32, #tpu.memory_space<vmem>>, vector<1x128x1xi32>,
    %eq3A_193 = arith.constant 6 : i32
    %eq3A_194 = vector.broadcast %eq3A_193 : i32 to vector<128x512xi32>
    %eq3A_195 = arith.cmpi eq, %shift_right_logical3A_104, %eq3A_194 : vector<128x512xi32>
    %jit3A_196 = arith.constant 0 : i32
    %broadcast_in_dim3A_197 = vector.broadcast %jit3A_196 : i32 to vector<128x512xi32>
    %select_n3A_198 = arith.select %eq3A_195, %select_n3A_102, %broadcast_in_dim3A_197 : vector<128x512xi1>, vector<128x512xi32>
    %reduce_sum3A_199 = arith.constant dense<0> : vector<128xi32>
    %reduce_sum3A_200 = vector.multi_reduction <add>, %select_n3A_198, %reduce_sum3A_199 [1] : vector<128x512xi32> to vector<128xi32>
    %broadcast_in_dim3A_201 = vector.shape_cast %reduce_sum3A_200 : vector<128xi32> to vector<128x1xi32>
    %swap3A_202 = arith.constant 0 : index
    %swap3A_203 = arith.constant 0 : index
    %swap3A_204 = arith.constant 6 : index
    %swap3A_205 = vector.load %arg4[%swap3A_202, %swap3A_203, %swap3A_204] : memref<1x128x34xi32, #tpu.memory_space<vmem>>, vector<1x128x1xi32>
    %swap3A_206 = vector.shape_cast %swap3A_205 : vector<1x128x1xi32> to vector<128x1xi32>
    %swap3A_207 = vector.shape_cast %broadcast_in_dim3A_201 : vector<128x1xi32> to vector<1x128x1xi32>
    tpu.vector_store %arg4[%swap3A_202, %swap3A_203, %swap3A_204], %swap3A_207 {strides = array<i32>} : memref<1x128x34xi32, #tpu.memory_space<vmem>>, vector<1x128x1xi32>,
    %eq3A_208 = arith.constant 7 : i32
    %eq3A_209 = vector.broadcast %eq3A_208 : i32 to vector<128x512xi32>
    %eq3A_210 = arith.cmpi eq, %shift_right_logical3A_104, %eq3A_209 : vector<128x512xi32>
    %jit3A_211 = arith.constant 0 : i32
    %broadcast_in_dim3A_212 = vector.broadcast %jit3A_211 : i32 to vector<128x512xi32>
    %select_n3A_213 = arith.select %eq3A_210, %select_n3A_102, %broadcast_in_dim3A_212 : vector<128x512xi1>, vector<128x512xi32>
    %reduce_sum3A_214 = arith.constant dense<0> : vector<128xi32>
    %reduce_sum3A_215 = vector.multi_reduction <add>, %select_n3A_213, %reduce_sum3A_214 [1] : vector<128x512xi32> to vector<128xi32>
    %broadcast_in_dim3A_216 = vector.shape_cast %reduce_sum3A_215 : vector<128xi32> to vector<128x1xi32>
    %swap3A_217 = arith.constant 0 : index
    %swap3A_218 = arith.constant 0 : index
    %swap3A_219 = arith.constant 7 : index
    %swap3A_220 = vector.load %arg4[%swap3A_217, %swap3A_218, %swap3A_219] : memref<1x128x34xi32, #tpu.memory_space<vmem>>, vector<1x128x1xi32>
    %swap3A_221 = vector.shape_cast %swap3A_220 : vector<1x128x1xi32> to vector<128x1xi32>
    %swap3A_222 = vector.shape_cast %broadcast_in_dim3A_216 : vector<128x1xi32> to vector<1x128x1xi32>
    tpu.vector_store %arg4[%swap3A_217, %swap3A_218, %swap3A_219], %swap3A_222 {strides = array<i32>} : memref<1x128x34xi32, #tpu.memory_space<vmem>>, vector<1x128x1xi32>,
    %eq3A_223 = arith.constant 8 : i32
    %eq3A_224 = vector.broadcast %eq3A_223 : i32 to vector<128x512xi32>
    %eq3A_225 = arith.cmpi eq, %shift_right_logical3A_104, %eq3A_224 : vector<128x512xi32>
    %jit3A_226 = arith.constant 0 : i32
    %broadcast_in_dim3A_227 = vector.broadcast %jit3A_226 : i32 to vector<128x512xi32>
    %select_n3A_228 = arith.select %eq3A_225, %select_n3A_102, %broadcast_in_dim3A_227 : vector<128x512xi1>, vector<128x512xi32>
    %reduce_sum3A_229 = arith.constant dense<0> : vector<128xi32>
    %reduce_sum3A_230 = vector.multi_reduction <add>, %select_n3A_228, %reduce_sum3A_229 [1] : vector<128x512xi32> to vector<128xi32>
    %broadcast_in_dim3A_231 = vector.shape_cast %reduce_sum3A_230 : vector<128xi32> to vector<128x1xi32>
    %swap3A_232 = arith.constant 0 : index
    %swap3A_233 = arith.constant 0 : index
    %swap3A_234 = arith.constant 8 : index
    %swap3A_235 = vector.load %arg4[%swap3A_232, %swap3A_233, %swap3A_234] : memref<1x128x34xi32, #tpu.memory_space<vmem>>, vector<1x128x1xi32>
    %swap3A_236 = vector.shape_cast %swap3A_235 : vector<1x128x1xi32> to vector<128x1xi32>
    %swap3A_237 = vector.shape_cast %broadcast_in_dim3A_231 : vector<128x1xi32> to vector<1x128x1xi32>
    tpu.vector_store %arg4[%swap3A_232, %swap3A_233, %swap3A_234], %swap3A_237 {strides = array<i32>} : memref<1x128x34xi32, #tpu.memory_space<vmem>>, vector<1x128x1xi32>,
    %eq3A_238 = arith.constant 9 : i32
    %eq3A_239 = vector.broadcast %eq3A_238 : i32 to vector<128x512xi32>
    %eq3A_240 = arith.cmpi eq, %shift_right_logical3A_104, %eq3A_239 : vector<128x512xi32>
    %jit3A_241 = arith.constant 0 : i32
    %broadcast_in_dim3A_242 = vector.broadcast %jit3A_241 : i32 to vector<128x512xi32>
    %select_n3A_243 = arith.select %eq3A_240, %select_n3A_102, %broadcast_in_dim3A_242 : vector<128x512xi1>, vector<128x512xi32>
    %reduce_sum3A_244 = arith.constant dense<0> : vector<128xi32>
    %reduce_sum3A_245 = vector.multi_reduction <add>, %select_n3A_243, %reduce_sum3A_244 [1] : vector<128x512xi32> to vector<128xi32>
    %broadcast_in_dim3A_246 = vector.shape_cast %reduce_sum3A_245 : vector<128xi32> to vector<128x1xi32>
    %swap3A_247 = arith.constant 0 : index
    %swap3A_248 = arith.constant 0 : index
    %swap3A_249 = arith.constant 9 : index
    %swap3A_250 = vector.load %arg4[%swap3A_247, %swap3A_248, %swap3A_249] : memref<1x128x34xi32, #tpu.memory_space<vmem>>, vector<1x128x1xi32>
    %swap3A_251 = vector.shape_cast %swap3A_250 : vector<1x128x1xi32> to vector<128x1xi32>
    %swap3A_252 = vector.shape_cast %broadcast_in_dim3A_246 : vector<128x1xi32> to vector<1x128x1xi32>
    tpu.vector_store %arg4[%swap3A_247, %swap3A_248, %swap3A_249], %swap3A_252 {strides = array<i32>} : memref<1x128x34xi32, #tpu.memory_space<vmem>>, vector<1x128x1xi32>,
    %eq3A_253 = arith.constant 10 : i32
    %eq3A_254 = vector.broadcast %eq3A_253 : i32 to vector<128x512xi32>
    %eq3A_255 = arith.cmpi eq, %shift_right_logical3A_104, %eq3A_254 : vector<128x512xi32>
    %jit3A_256 = arith.constant 0 : i32
    %broadcast_in_dim3A_257 = vector.broadcast %jit3A_256 : i32 to vector<128x512xi32>
    %select_n3A_258 = arith.select %eq3A_255, %select_n3A_102, %broadcast_in_dim3A_257 : vector<128x512xi1>, vector<128x512xi32>
    %reduce_sum3A_259 = arith.constant dense<0> : vector<128xi32>
    %reduce_sum3A_260 = vector.multi_reduction <add>, %select_n3A_258, %reduce_sum3A_259 [1] : vector<128x512xi32> to vector<128xi32>
    %broadcast_in_dim3A_261 = vector.shape_cast %reduce_sum3A_260 : vector<128xi32> to vector<128x1xi32>
    %swap3A_262 = arith.constant 0 : index
    %swap3A_263 = arith.constant 0 : index
    %swap3A_264 = arith.constant 10 : index
    %swap3A_265 = vector.load %arg4[%swap3A_262, %swap3A_263, %swap3A_264] : memref<1x128x34xi32, #tpu.memory_space<vmem>>, vector<1x128x1xi32>
    %swap3A_266 = vector.shape_cast %swap3A_265 : vector<1x128x1xi32> to vector<128x1xi32>
    %swap3A_267 = vector.shape_cast %broadcast_in_dim3A_261 : vector<128x1xi32> to vector<1x128x1xi32>
    tpu.vector_store %arg4[%swap3A_262, %swap3A_263, %swap3A_264], %swap3A_267 {strides = array<i32>} : memref<1x128x34xi32, #tpu.memory_space<vmem>>, vector<1x128x1xi32>,
    %eq3A_268 = arith.constant 11 : i32
    %eq3A_269 = vector.broadcast %eq3A_268 : i32 to vector<128x512xi32>
    %eq3A_270 = arith.cmpi eq, %shift_right_logical3A_104, %eq3A_269 : vector<128x512xi32>
    %jit3A_271 = arith.constant 0 : i32
    %broadcast_in_dim3A_272 = vector.broadcast %jit3A_271 : i32 to vector<128x512xi32>
    %select_n3A_273 = arith.select %eq3A_270, %select_n3A_102, %broadcast_in_dim3A_272 : vector<128x512xi1>, vector<128x512xi32>
    %reduce_sum3A_274 = arith.constant dense<0> : vector<128xi32>
    %reduce_sum3A_275 = vector.multi_reduction <add>, %select_n3A_273, %reduce_sum3A_274 [1] : vector<128x512xi32> to vector<128xi32>
    %broadcast_in_dim3A_276 = vector.shape_cast %reduce_sum3A_275 : vector<128xi32> to vector<128x1xi32>
    %swap3A_277 = arith.constant 0 : index
    %swap3A_278 = arith.constant 0 : index
    %swap3A_279 = arith.constant 11 : index
    %swap3A_280 = vector.load %arg4[%swap3A_277, %swap3A_278, %swap3A_279] : memref<1x128x34xi32, #tpu.memory_space<vmem>>, vector<1x128x1xi32>
    %swap3A_281 = vector.shape_cast %swap3A_280 : vector<1x128x1xi32> to vector<128x1xi32>
    %swap3A_282 = vector.shape_cast %broadcast_in_dim3A_276 : vector<128x1xi32> to vector<1x128x1xi32>
    tpu.vector_store %arg4[%swap3A_277, %swap3A_278, %swap3A_279], %swap3A_282 {strides = array<i32>} : memref<1x128x34xi32, #tpu.memory_space<vmem>>, vector<1x128x1xi32>,
    %eq3A_283 = arith.constant 12 : i32
    %eq3A_284 = vector.broadcast %eq3A_283 : i32 to vector<128x512xi32>
    %eq3A_285 = arith.cmpi eq, %shift_right_logical3A_104, %eq3A_284 : vector<128x512xi32>
    %jit3A_286 = arith.constant 0 : i32
    %broadcast_in_dim3A_287 = vector.broadcast %jit3A_286 : i32 to vector<128x512xi32>
    %select_n3A_288 = arith.select %eq3A_285, %select_n3A_102, %broadcast_in_dim3A_287 : vector<128x512xi1>, vector<128x512xi32>
    %reduce_sum3A_289 = arith.constant dense<0> : vector<128xi32>
    %reduce_sum3A_290 = vector.multi_reduction <add>, %select_n3A_288, %reduce_sum3A_289 [1] : vector<128x512xi32> to vector<128xi32>
    %broadcast_in_dim3A_291 = vector.shape_cast %reduce_sum3A_290 : vector<128xi32> to vector<128x1xi32>
    %swap3A_292 = arith.constant 0 : index
    %swap3A_293 = arith.constant 0 : index
    %swap3A_294 = arith.constant 12 : index
    %swap3A_295 = vector.load %arg4[%swap3A_292, %swap3A_293, %swap3A_294] : memref<1x128x34xi32, #tpu.memory_space<vmem>>, vector<1x128x1xi32>
    %swap3A_296 = vector.shape_cast %swap3A_295 : vector<1x128x1xi32> to vector<128x1xi32>
    %swap3A_297 = vector.shape_cast %broadcast_in_dim3A_291 : vector<128x1xi32> to vector<1x128x1xi32>
    tpu.vector_store %arg4[%swap3A_292, %swap3A_293, %swap3A_294], %swap3A_297 {strides = array<i32>} : memref<1x128x34xi32, #tpu.memory_space<vmem>>, vector<1x128x1xi32>,
    %eq3A_298 = arith.constant 13 : i32
    %eq3A_299 = vector.broadcast %eq3A_298 : i32 to vector<128x512xi32>
    %eq3A_300 = arith.cmpi eq, %shift_right_logical3A_104, %eq3A_299 : vector<128x512xi32>
    %jit3A_301 = arith.constant 0 : i32
    %broadcast_in_dim3A_302 = vector.broadcast %jit3A_301 : i32 to vector<128x512xi32>
    %select_n3A_303 = arith.select %eq3A_300, %select_n3A_102, %broadcast_in_dim3A_302 : vector<128x512xi1>, vector<128x512xi32>
    %reduce_sum3A_304 = arith.constant dense<0> : vector<128xi32>
    %reduce_sum3A_305 = vector.multi_reduction <add>, %select_n3A_303, %reduce_sum3A_304 [1] : vector<128x512xi32> to vector<128xi32>
    %broadcast_in_dim3A_306 = vector.shape_cast %reduce_sum3A_305 : vector<128xi32> to vector<128x1xi32>
    %swap3A_307 = arith.constant 0 : index
    %swap3A_308 = arith.constant 0 : index
    %swap3A_309 = arith.constant 13 : index
    %swap3A_310 = vector.load %arg4[%swap3A_307, %swap3A_308, %swap3A_309] : memref<1x128x34xi32, #tpu.memory_space<vmem>>, vector<1x128x1xi32>
    %swap3A_311 = vector.shape_cast %swap3A_310 : vector<1x128x1xi32> to vector<128x1xi32>
    %swap3A_312 = vector.shape_cast %broadcast_in_dim3A_306 : vector<128x1xi32> to vector<1x128x1xi32>
    tpu.vector_store %arg4[%swap3A_307, %swap3A_308, %swap3A_309], %swap3A_312 {strides = array<i32>} : memref<1x128x34xi32, #tpu.memory_space<vmem>>, vector<1x128x1xi32>,
    %eq3A_313 = arith.constant 14 : i32
    %eq3A_314 = vector.broadcast %eq3A_313 : i32 to vector<128x512xi32>
    %eq3A_315 = arith.cmpi eq, %shift_right_logical3A_104, %eq3A_314 : vector<128x512xi32>
    %jit3A_316 = arith.constant 0 : i32
    %broadcast_in_dim3A_317 = vector.broadcast %jit3A_316 : i32 to vector<128x512xi32>
    %select_n3A_318 = arith.select %eq3A_315, %select_n3A_102, %broadcast_in_dim3A_317 : vector<128x512xi1>, vector<128x512xi32>
    %reduce_sum3A_319 = arith.constant dense<0> : vector<128xi32>
    %reduce_sum3A_320 = vector.multi_reduction <add>, %select_n3A_318, %reduce_sum3A_319 [1] : vector<128x512xi32> to vector<128xi32>
    %broadcast_in_dim3A_321 = vector.shape_cast %reduce_sum3A_320 : vector<128xi32> to vector<128x1xi32>
    %swap3A_322 = arith.constant 0 : index
    %swap3A_323 = arith.constant 0 : index
    %swap3A_324 = arith.constant 14 : index
    %swap3A_325 = vector.load %arg4[%swap3A_322, %swap3A_323, %swap3A_324] : memref<1x128x34xi32, #tpu.memory_space<vmem>>, vector<1x128x1xi32>
    %swap3A_326 = vector.shape_cast %swap3A_325 : vector<1x128x1xi32> to vector<128x1xi32>
    %swap3A_327 = vector.shape_cast %broadcast_in_dim3A_321 : vector<128x1xi32> to vector<1x128x1xi32>
    tpu.vector_store %arg4[%swap3A_322, %swap3A_323, %swap3A_324], %swap3A_327 {strides = array<i32>} : memref<1x128x34xi32, #tpu.memory_space<vmem>>, vector<1x128x1xi32>,
    %eq3A_328 = arith.constant 15 : i32
    %eq3A_329 = vector.broadcast %eq3A_328 : i32 to vector<128x512xi32>
    %eq3A_330 = arith.cmpi eq, %shift_right_logical3A_104, %eq3A_329 : vector<128x512xi32>
    %jit3A_331 = arith.constant 0 : i32
    %broadcast_in_dim3A_332 = vector.broadcast %jit3A_331 : i32 to vector<128x512xi32>
    %select_n3A_333 = arith.select %eq3A_330, %select_n3A_102, %broadcast_in_dim3A_332 : vector<128x512xi1>, vector<128x512xi32>
    %reduce_sum3A_334 = arith.constant dense<0> : vector<128xi32>
    %reduce_sum3A_335 = vector.multi_reduction <add>, %select_n3A_333, %reduce_sum3A_334 [1] : vector<128x512xi32> to vector<128xi32>
    %broadcast_in_dim3A_336 = vector.shape_cast %reduce_sum3A_335 : vector<128xi32> to vector<128x1xi32>
    %swap3A_337 = arith.constant 0 : index
    %swap3A_338 = arith.constant 0 : index
    %swap3A_339 = arith.constant 15 : index
    %swap3A_340 = vector.load %arg4[%swap3A_337, %swap3A_338, %swap3A_339] : memref<1x128x34xi32, #tpu.memory_space<vmem>>, vector<1x128x1xi32>
    %swap3A_341 = vector.shape_cast %swap3A_340 : vector<1x128x1xi32> to vector<128x1xi32>
    %swap3A_342 = vector.shape_cast %broadcast_in_dim3A_336 : vector<128x1xi32> to vector<1x128x1xi32>
    tpu.vector_store %arg4[%swap3A_337, %swap3A_338, %swap3A_339], %swap3A_342 {strides = array<i32>} : memref<1x128x34xi32, #tpu.memory_space<vmem>>, vector<1x128x1xi32>,
    %eq3A_343 = arith.constant 16 : i32
    %eq3A_344 = vector.broadcast %eq3A_343 : i32 to vector<128x512xi32>
    %eq3A_345 = arith.cmpi eq, %shift_right_logical3A_104, %eq3A_344 : vector<128x512xi32>
    %jit3A_346 = arith.constant 0 : i32
    %broadcast_in_dim3A_347 = vector.broadcast %jit3A_346 : i32 to vector<128x512xi32>
    %select_n3A_348 = arith.select %eq3A_345, %select_n3A_102, %broadcast_in_dim3A_347 : vector<128x512xi1>, vector<128x512xi32>
    %reduce_sum3A_349 = arith.constant dense<0> : vector<128xi32>
    %reduce_sum3A_350 = vector.multi_reduction <add>, %select_n3A_348, %reduce_sum3A_349 [1] : vector<128x512xi32> to vector<128xi32>
    %broadcast_in_dim3A_351 = vector.shape_cast %reduce_sum3A_350 : vector<128xi32> to vector<128x1xi32>
    %swap3A_352 = arith.constant 0 : index
    %swap3A_353 = arith.constant 0 : index
    %swap3A_354 = arith.constant 16 : index
    %swap3A_355 = vector.load %arg4[%swap3A_352, %swap3A_353, %swap3A_354] : memref<1x128x34xi32, #tpu.memory_space<vmem>>, vector<1x128x1xi32>
    %swap3A_356 = vector.shape_cast %swap3A_355 : vector<1x128x1xi32> to vector<128x1xi32>
    %swap3A_357 = vector.shape_cast %broadcast_in_dim3A_351 : vector<128x1xi32> to vector<1x128x1xi32>
    tpu.vector_store %arg4[%swap3A_352, %swap3A_353, %swap3A_354], %swap3A_357 {strides = array<i32>} : memref<1x128x34xi32, #tpu.memory_space<vmem>>, vector<1x128x1xi32>,
    %eq3A_358 = arith.constant 17 : i32
    %eq3A_359 = vector.broadcast %eq3A_358 : i32 to vector<128x512xi32>
    %eq3A_360 = arith.cmpi eq, %shift_right_logical3A_104, %eq3A_359 : vector<128x512xi32>
    %jit3A_361 = arith.constant 0 : i32
    %broadcast_in_dim3A_362 = vector.broadcast %jit3A_361 : i32 to vector<128x512xi32>
    %select_n3A_363 = arith.select %eq3A_360, %select_n3A_102, %broadcast_in_dim3A_362 : vector<128x512xi1>, vector<128x512xi32>
    %reduce_sum3A_364 = arith.constant dense<0> : vector<128xi32>
    %reduce_sum3A_365 = vector.multi_reduction <add>, %select_n3A_363, %reduce_sum3A_364 [1] : vector<128x512xi32> to vector<128xi32>
    %broadcast_in_dim3A_366 = vector.shape_cast %reduce_sum3A_365 : vector<128xi32> to vector<128x1xi32>
    %swap3A_367 = arith.constant 0 : index
    %swap3A_368 = arith.constant 0 : index
    %swap3A_369 = arith.constant 17 : index
    %swap3A_370 = vector.load %arg4[%swap3A_367, %swap3A_368, %swap3A_369] : memref<1x128x34xi32, #tpu.memory_space<vmem>>, vector<1x128x1xi32>
    %swap3A_371 = vector.shape_cast %swap3A_370 : vector<1x128x1xi32> to vector<128x1xi32>
    %swap3A_372 = vector.shape_cast %broadcast_in_dim3A_366 : vector<128x1xi32> to vector<1x128x1xi32>
    tpu.vector_store %arg4[%swap3A_367, %swap3A_368, %swap3A_369], %swap3A_372 {strides = array<i32>} : memref<1x128x34xi32, #tpu.memory_space<vmem>>, vector<1x128x1xi32>,
    %eq3A_373 = arith.constant 18 : i32
    %eq3A_374 = vector.broadcast %eq3A_373 : i32 to vector<128x512xi32>
    %eq3A_375 = arith.cmpi eq, %shift_right_logical3A_104, %eq3A_374 : vector<128x512xi32>
    %jit3A_376 = arith.constant 0 : i32
    %broadcast_in_dim3A_377 = vector.broadcast %jit3A_376 : i32 to vector<128x512xi32>
    %select_n3A_378 = arith.select %eq3A_375, %select_n3A_102, %broadcast_in_dim3A_377 : vector<128x512xi1>, vector<128x512xi32>
    %reduce_sum3A_379 = arith.constant dense<0> : vector<128xi32>
    %reduce_sum3A_380 = vector.multi_reduction <add>, %select_n3A_378, %reduce_sum3A_379 [1] : vector<128x512xi32> to vector<128xi32>
    %broadcast_in_dim3A_381 = vector.shape_cast %reduce_sum3A_380 : vector<128xi32> to vector<128x1xi32>
    %swap3A_382 = arith.constant 0 : index
    %swap3A_383 = arith.constant 0 : index
    %swap3A_384 = arith.constant 18 : index
    %swap3A_385 = vector.load %arg4[%swap3A_382, %swap3A_383, %swap3A_384] : memref<1x128x34xi32, #tpu.memory_space<vmem>>, vector<1x128x1xi32>
    %swap3A_386 = vector.shape_cast %swap3A_385 : vector<1x128x1xi32> to vector<128x1xi32>
    %swap3A_387 = vector.shape_cast %broadcast_in_dim3A_381 : vector<128x1xi32> to vector<1x128x1xi32>
    tpu.vector_store %arg4[%swap3A_382, %swap3A_383, %swap3A_384], %swap3A_387 {strides = array<i32>} : memref<1x128x34xi32, #tpu.memory_space<vmem>>, vector<1x128x1xi32>,
    %eq3A_388 = arith.constant 19 : i32
    %eq3A_389 = vector.broadcast %eq3A_388 : i32 to vector<128x512xi32>
    %eq3A_390 = arith.cmpi eq, %shift_right_logical3A_104, %eq3A_389 : vector<128x512xi32>
    %jit3A_391 = arith.constant 0 : i32
    %broadcast_in_dim3A_392 = vector.broadcast %jit3A_391 : i32 to vector<128x512xi32>
    %select_n3A_393 = arith.select %eq3A_390, %select_n3A_102, %broadcast_in_dim3A_392 : vector<128x512xi1>, vector<128x512xi32>
    %reduce_sum3A_394 = arith.constant dense<0> : vector<128xi32>
    %reduce_sum3A_395 = vector.multi_reduction <add>, %select_n3A_393, %reduce_sum3A_394 [1] : vector<128x512xi32> to vector<128xi32>
    %broadcast_in_dim3A_396 = vector.shape_cast %reduce_sum3A_395 : vector<128xi32> to vector<128x1xi32>
    %swap3A_397 = arith.constant 0 : index
    %swap3A_398 = arith.constant 0 : index
    %swap3A_399 = arith.constant 19 : index
    %swap3A_400 = vector.load %arg4[%swap3A_397, %swap3A_398, %swap3A_399] : memref<1x128x34xi32, #tpu.memory_space<vmem>>, vector<1x128x1xi32>
    %swap3A_401 = vector.shape_cast %swap3A_400 : vector<1x128x1xi32> to vector<128x1xi32>
    %swap3A_402 = vector.shape_cast %broadcast_in_dim3A_396 : vector<128x1xi32> to vector<1x128x1xi32>
    tpu.vector_store %arg4[%swap3A_397, %swap3A_398, %swap3A_399], %swap3A_402 {strides = array<i32>} : memref<1x128x34xi32, #tpu.memory_space<vmem>>, vector<1x128x1xi32>,
    %eq3A_403 = arith.constant 20 : i32
    %eq3A_404 = vector.broadcast %eq3A_403 : i32 to vector<128x512xi32>
    %eq3A_405 = arith.cmpi eq, %shift_right_logical3A_104, %eq3A_404 : vector<128x512xi32>
    %jit3A_406 = arith.constant 0 : i32
    %broadcast_in_dim3A_407 = vector.broadcast %jit3A_406 : i32 to vector<128x512xi32>
    %select_n3A_408 = arith.select %eq3A_405, %select_n3A_102, %broadcast_in_dim3A_407 : vector<128x512xi1>, vector<128x512xi32>
    %reduce_sum3A_409 = arith.constant dense<0> : vector<128xi32>
    %reduce_sum3A_410 = vector.multi_reduction <add>, %select_n3A_408, %reduce_sum3A_409 [1] : vector<128x512xi32> to vector<128xi32>
    %broadcast_in_dim3A_411 = vector.shape_cast %reduce_sum3A_410 : vector<128xi32> to vector<128x1xi32>
    %swap3A_412 = arith.constant 0 : index
    %swap3A_413 = arith.constant 0 : index
    %swap3A_414 = arith.constant 20 : index
    %swap3A_415 = vector.load %arg4[%swap3A_412, %swap3A_413, %swap3A_414] : memref<1x128x34xi32, #tpu.memory_space<vmem>>, vector<1x128x1xi32>
    %swap3A_416 = vector.shape_cast %swap3A_415 : vector<1x128x1xi32> to vector<128x1xi32>
    %swap3A_417 = vector.shape_cast %broadcast_in_dim3A_411 : vector<128x1xi32> to vector<1x128x1xi32>
    tpu.vector_store %arg4[%swap3A_412, %swap3A_413, %swap3A_414], %swap3A_417 {strides = array<i32>} : memref<1x128x34xi32, #tpu.memory_space<vmem>>, vector<1x128x1xi32>,
    %eq3A_418 = arith.constant 21 : i32
    %eq3A_419 = vector.broadcast %eq3A_418 : i32 to vector<128x512xi32>
    %eq3A_420 = arith.cmpi eq, %shift_right_logical3A_104, %eq3A_419 : vector<128x512xi32>
    %jit3A_421 = arith.constant 0 : i32
    %broadcast_in_dim3A_422 = vector.broadcast %jit3A_421 : i32 to vector<128x512xi32>
    %select_n3A_423 = arith.select %eq3A_420, %select_n3A_102, %broadcast_in_dim3A_422 : vector<128x512xi1>, vector<128x512xi32>
    %reduce_sum3A_424 = arith.constant dense<0> : vector<128xi32>
    %reduce_sum3A_425 = vector.multi_reduction <add>, %select_n3A_423, %reduce_sum3A_424 [1] : vector<128x512xi32> to vector<128xi32>
    %broadcast_in_dim3A_426 = vector.shape_cast %reduce_sum3A_425 : vector<128xi32> to vector<128x1xi32>
    %swap3A_427 = arith.constant 0 : index
    %swap3A_428 = arith.constant 0 : index
    %swap3A_429 = arith.constant 21 : index
    %swap3A_430 = vector.load %arg4[%swap3A_427, %swap3A_428, %swap3A_429] : memref<1x128x34xi32, #tpu.memory_space<vmem>>, vector<1x128x1xi32>
    %swap3A_431 = vector.shape_cast %swap3A_430 : vector<1x128x1xi32> to vector<128x1xi32>
    %swap3A_432 = vector.shape_cast %broadcast_in_dim3A_426 : vector<128x1xi32> to vector<1x128x1xi32>
    tpu.vector_store %arg4[%swap3A_427, %swap3A_428, %swap3A_429], %swap3A_432 {strides = array<i32>} : memref<1x128x34xi32, #tpu.memory_space<vmem>>, vector<1x128x1xi32>,
    %eq3A_433 = arith.constant 22 : i32
    %eq3A_434 = vector.broadcast %eq3A_433 : i32 to vector<128x512xi32>
    %eq3A_435 = arith.cmpi eq, %shift_right_logical3A_104, %eq3A_434 : vector<128x512xi32>
    %jit3A_436 = arith.constant 0 : i32
    %broadcast_in_dim3A_437 = vector.broadcast %jit3A_436 : i32 to vector<128x512xi32>
    %select_n3A_438 = arith.select %eq3A_435, %select_n3A_102, %broadcast_in_dim3A_437 : vector<128x512xi1>, vector<128x512xi32>
    %reduce_sum3A_439 = arith.constant dense<0> : vector<128xi32>
    %reduce_sum3A_440 = vector.multi_reduction <add>, %select_n3A_438, %reduce_sum3A_439 [1] : vector<128x512xi32> to vector<128xi32>
    %broadcast_in_dim3A_441 = vector.shape_cast %reduce_sum3A_440 : vector<128xi32> to vector<128x1xi32>
    %swap3A_442 = arith.constant 0 : index
    %swap3A_443 = arith.constant 0 : index
    %swap3A_444 = arith.constant 22 : index
    %swap3A_445 = vector.load %arg4[%swap3A_442, %swap3A_443, %swap3A_444] : memref<1x128x34xi32, #tpu.memory_space<vmem>>, vector<1x128x1xi32>
    %swap3A_446 = vector.shape_cast %swap3A_445 : vector<1x128x1xi32> to vector<128x1xi32>
    %swap3A_447 = vector.shape_cast %broadcast_in_dim3A_441 : vector<128x1xi32> to vector<1x128x1xi32>
    tpu.vector_store %arg4[%swap3A_442, %swap3A_443, %swap3A_444], %swap3A_447 {strides = array<i32>} : memref<1x128x34xi32, #tpu.memory_space<vmem>>, vector<1x128x1xi32>,
    %eq3A_448 = arith.constant 23 : i32
    %eq3A_449 = vector.broadcast %eq3A_448 : i32 to vector<128x512xi32>
    %eq3A_450 = arith.cmpi eq, %shift_right_logical3A_104, %eq3A_449 : vector<128x512xi32>
    %jit3A_451 = arith.constant 0 : i32
    %broadcast_in_dim3A_452 = vector.broadcast %jit3A_451 : i32 to vector<128x512xi32>
    %select_n3A_453 = arith.select %eq3A_450, %select_n3A_102, %broadcast_in_dim3A_452 : vector<128x512xi1>, vector<128x512xi32>
    %reduce_sum3A_454 = arith.constant dense<0> : vector<128xi32>
    %reduce_sum3A_455 = vector.multi_reduction <add>, %select_n3A_453, %reduce_sum3A_454 [1] : vector<128x512xi32> to vector<128xi32>
    %broadcast_in_dim3A_456 = vector.shape_cast %reduce_sum3A_455 : vector<128xi32> to vector<128x1xi32>
    %swap3A_457 = arith.constant 0 : index
    %swap3A_458 = arith.constant 0 : index
    %swap3A_459 = arith.constant 23 : index
    %swap3A_460 = vector.load %arg4[%swap3A_457, %swap3A_458, %swap3A_459] : memref<1x128x34xi32, #tpu.memory_space<vmem>>, vector<1x128x1xi32>
    %swap3A_461 = vector.shape_cast %swap3A_460 : vector<1x128x1xi32> to vector<128x1xi32>
    %swap3A_462 = vector.shape_cast %broadcast_in_dim3A_456 : vector<128x1xi32> to vector<1x128x1xi32>
    tpu.vector_store %arg4[%swap3A_457, %swap3A_458, %swap3A_459], %swap3A_462 {strides = array<i32>} : memref<1x128x34xi32, #tpu.memory_space<vmem>>, vector<1x128x1xi32>,
    %eq3A_463 = arith.constant 24 : i32
    %eq3A_464 = vector.broadcast %eq3A_463 : i32 to vector<128x512xi32>
    %eq3A_465 = arith.cmpi eq, %shift_right_logical3A_104, %eq3A_464 : vector<128x512xi32>
    %jit3A_466 = arith.constant 0 : i32
    %broadcast_in_dim3A_467 = vector.broadcast %jit3A_466 : i32 to vector<128x512xi32>
    %select_n3A_468 = arith.select %eq3A_465, %select_n3A_102, %broadcast_in_dim3A_467 : vector<128x512xi1>, vector<128x512xi32>
    %reduce_sum3A_469 = arith.constant dense<0> : vector<128xi32>
    %reduce_sum3A_470 = vector.multi_reduction <add>, %select_n3A_468, %reduce_sum3A_469 [1] : vector<128x512xi32> to vector<128xi32>
    %broadcast_in_dim3A_471 = vector.shape_cast %reduce_sum3A_470 : vector<128xi32> to vector<128x1xi32>
    %swap3A_472 = arith.constant 0 : index
    %swap3A_473 = arith.constant 0 : index
    %swap3A_474 = arith.constant 24 : index
    %swap3A_475 = vector.load %arg4[%swap3A_472, %swap3A_473, %swap3A_474] : memref<1x128x34xi32, #tpu.memory_space<vmem>>, vector<1x128x1xi32>
    %swap3A_476 = vector.shape_cast %swap3A_475 : vector<1x128x1xi32> to vector<128x1xi32>
    %swap3A_477 = vector.shape_cast %broadcast_in_dim3A_471 : vector<128x1xi32> to vector<1x128x1xi32>
    tpu.vector_store %arg4[%swap3A_472, %swap3A_473, %swap3A_474], %swap3A_477 {strides = array<i32>} : memref<1x128x34xi32, #tpu.memory_space<vmem>>, vector<1x128x1xi32>,
    %eq3A_478 = arith.constant 25 : i32
    %eq3A_479 = vector.broadcast %eq3A_478 : i32 to vector<128x512xi32>
    %eq3A_480 = arith.cmpi eq, %shift_right_logical3A_104, %eq3A_479 : vector<128x512xi32>
    %jit3A_481 = arith.constant 0 : i32
    %broadcast_in_dim3A_482 = vector.broadcast %jit3A_481 : i32 to vector<128x512xi32>
    %select_n3A_483 = arith.select %eq3A_480, %select_n3A_102, %broadcast_in_dim3A_482 : vector<128x512xi1>, vector<128x512xi32>
    %reduce_sum3A_484 = arith.constant dense<0> : vector<128xi32>
    %reduce_sum3A_485 = vector.multi_reduction <add>, %select_n3A_483, %reduce_sum3A_484 [1] : vector<128x512xi32> to vector<128xi32>
    %broadcast_in_dim3A_486 = vector.shape_cast %reduce_sum3A_485 : vector<128xi32> to vector<128x1xi32>
    %swap3A_487 = arith.constant 0 : index
    %swap3A_488 = arith.constant 0 : index
    %swap3A_489 = arith.constant 25 : index
    %swap3A_490 = vector.load %arg4[%swap3A_487, %swap3A_488, %swap3A_489] : memref<1x128x34xi32, #tpu.memory_space<vmem>>, vector<1x128x1xi32>
    %swap3A_491 = vector.shape_cast %swap3A_490 : vector<1x128x1xi32> to vector<128x1xi32>
    %swap3A_492 = vector.shape_cast %broadcast_in_dim3A_486 : vector<128x1xi32> to vector<1x128x1xi32>
    tpu.vector_store %arg4[%swap3A_487, %swap3A_488, %swap3A_489], %swap3A_492 {strides = array<i32>} : memref<1x128x34xi32, #tpu.memory_space<vmem>>, vector<1x128x1xi32>,
    %eq3A_493 = arith.constant 26 : i32
    %eq3A_494 = vector.broadcast %eq3A_493 : i32 to vector<128x512xi32>
    %eq3A_495 = arith.cmpi eq, %shift_right_logical3A_104, %eq3A_494 : vector<128x512xi32>
    %jit3A_496 = arith.constant 0 : i32
    %broadcast_in_dim3A_497 = vector.broadcast %jit3A_496 : i32 to vector<128x512xi32>
    %select_n3A_498 = arith.select %eq3A_495, %select_n3A_102, %broadcast_in_dim3A_497 : vector<128x512xi1>, vector<128x512xi32>
    %reduce_sum3A_499 = arith.constant dense<0> : vector<128xi32>
    %reduce_sum3A_500 = vector.multi_reduction <add>, %select_n3A_498, %reduce_sum3A_499 [1] : vector<128x512xi32> to vector<128xi32>
    %broadcast_in_dim3A_501 = vector.shape_cast %reduce_sum3A_500 : vector<128xi32> to vector<128x1xi32>
    %swap3A_502 = arith.constant 0 : index
    %swap3A_503 = arith.constant 0 : index
    %swap3A_504 = arith.constant 26 : index
    %swap3A_505 = vector.load %arg4[%swap3A_502, %swap3A_503, %swap3A_504] : memref<1x128x34xi32, #tpu.memory_space<vmem>>, vector<1x128x1xi32>
    %swap3A_506 = vector.shape_cast %swap3A_505 : vector<1x128x1xi32> to vector<128x1xi32>
    %swap3A_507 = vector.shape_cast %broadcast_in_dim3A_501 : vector<128x1xi32> to vector<1x128x1xi32>
    tpu.vector_store %arg4[%swap3A_502, %swap3A_503, %swap3A_504], %swap3A_507 {strides = array<i32>} : memref<1x128x34xi32, #tpu.memory_space<vmem>>, vector<1x128x1xi32>,
    %eq3A_508 = arith.constant 27 : i32
    %eq3A_509 = vector.broadcast %eq3A_508 : i32 to vector<128x512xi32>
    %eq3A_510 = arith.cmpi eq, %shift_right_logical3A_104, %eq3A_509 : vector<128x512xi32>
    %jit3A_511 = arith.constant 0 : i32
    %broadcast_in_dim3A_512 = vector.broadcast %jit3A_511 : i32 to vector<128x512xi32>
    %select_n3A_513 = arith.select %eq3A_510, %select_n3A_102, %broadcast_in_dim3A_512 : vector<128x512xi1>, vector<128x512xi32>
    %reduce_sum3A_514 = arith.constant dense<0> : vector<128xi32>
    %reduce_sum3A_515 = vector.multi_reduction <add>, %select_n3A_513, %reduce_sum3A_514 [1] : vector<128x512xi32> to vector<128xi32>
    %broadcast_in_dim3A_516 = vector.shape_cast %reduce_sum3A_515 : vector<128xi32> to vector<128x1xi32>
    %swap3A_517 = arith.constant 0 : index
    %swap3A_518 = arith.constant 0 : index
    %swap3A_519 = arith.constant 27 : index
    %swap3A_520 = vector.load %arg4[%swap3A_517, %swap3A_518, %swap3A_519] : memref<1x128x34xi32, #tpu.memory_space<vmem>>, vector<1x128x1xi32>
    %swap3A_521 = vector.shape_cast %swap3A_520 : vector<1x128x1xi32> to vector<128x1xi32>
    %swap3A_522 = vector.shape_cast %broadcast_in_dim3A_516 : vector<128x1xi32> to vector<1x128x1xi32>
    tpu.vector_store %arg4[%swap3A_517, %swap3A_518, %swap3A_519], %swap3A_522 {strides = array<i32>} : memref<1x128x34xi32, #tpu.memory_space<vmem>>, vector<1x128x1xi32>,
    %eq3A_523 = arith.constant 28 : i32
    %eq3A_524 = vector.broadcast %eq3A_523 : i32 to vector<128x512xi32>
    %eq3A_525 = arith.cmpi eq, %shift_right_logical3A_104, %eq3A_524 : vector<128x512xi32>
    %jit3A_526 = arith.constant 0 : i32
    %broadcast_in_dim3A_527 = vector.broadcast %jit3A_526 : i32 to vector<128x512xi32>
    %select_n3A_528 = arith.select %eq3A_525, %select_n3A_102, %broadcast_in_dim3A_527 : vector<128x512xi1>, vector<128x512xi32>
    %reduce_sum3A_529 = arith.constant dense<0> : vector<128xi32>
    %reduce_sum3A_530 = vector.multi_reduction <add>, %select_n3A_528, %reduce_sum3A_529 [1] : vector<128x512xi32> to vector<128xi32>
    %broadcast_in_dim3A_531 = vector.shape_cast %reduce_sum3A_530 : vector<128xi32> to vector<128x1xi32>
    %swap3A_532 = arith.constant 0 : index
    %swap3A_533 = arith.constant 0 : index
    %swap3A_534 = arith.constant 28 : index
    %swap3A_535 = vector.load %arg4[%swap3A_532, %swap3A_533, %swap3A_534] : memref<1x128x34xi32, #tpu.memory_space<vmem>>, vector<1x128x1xi32>
    %swap3A_536 = vector.shape_cast %swap3A_535 : vector<1x128x1xi32> to vector<128x1xi32>
    %swap3A_537 = vector.shape_cast %broadcast_in_dim3A_531 : vector<128x1xi32> to vector<1x128x1xi32>
    tpu.vector_store %arg4[%swap3A_532, %swap3A_533, %swap3A_534], %swap3A_537 {strides = array<i32>} : memref<1x128x34xi32, #tpu.memory_space<vmem>>, vector<1x128x1xi32>,
    %eq3A_538 = arith.constant 29 : i32
    %eq3A_539 = vector.broadcast %eq3A_538 : i32 to vector<128x512xi32>
    %eq3A_540 = arith.cmpi eq, %shift_right_logical3A_104, %eq3A_539 : vector<128x512xi32>
    %jit3A_541 = arith.constant 0 : i32
    %broadcast_in_dim3A_542 = vector.broadcast %jit3A_541 : i32 to vector<128x512xi32>
    %select_n3A_543 = arith.select %eq3A_540, %select_n3A_102, %broadcast_in_dim3A_542 : vector<128x512xi1>, vector<128x512xi32>
    %reduce_sum3A_544 = arith.constant dense<0> : vector<128xi32>
    %reduce_sum3A_545 = vector.multi_reduction <add>, %select_n3A_543, %reduce_sum3A_544 [1] : vector<128x512xi32> to vector<128xi32>
    %broadcast_in_dim3A_546 = vector.shape_cast %reduce_sum3A_545 : vector<128xi32> to vector<128x1xi32>
    %swap3A_547 = arith.constant 0 : index
    %swap3A_548 = arith.constant 0 : index
    %swap3A_549 = arith.constant 29 : index
    %swap3A_550 = vector.load %arg4[%swap3A_547, %swap3A_548, %swap3A_549] : memref<1x128x34xi32, #tpu.memory_space<vmem>>, vector<1x128x1xi32>
    %swap3A_551 = vector.shape_cast %swap3A_550 : vector<1x128x1xi32> to vector<128x1xi32>
    %swap3A_552 = vector.shape_cast %broadcast_in_dim3A_546 : vector<128x1xi32> to vector<1x128x1xi32>
    tpu.vector_store %arg4[%swap3A_547, %swap3A_548, %swap3A_549], %swap3A_552 {strides = array<i32>} : memref<1x128x34xi32, #tpu.memory_space<vmem>>, vector<1x128x1xi32>,
    %eq3A_553 = arith.constant 30 : i32
    %eq3A_554 = vector.broadcast %eq3A_553 : i32 to vector<128x512xi32>
    %eq3A_555 = arith.cmpi eq, %shift_right_logical3A_104, %eq3A_554 : vector<128x512xi32>
    %jit3A_556 = arith.constant 0 : i32
    %broadcast_in_dim3A_557 = vector.broadcast %jit3A_556 : i32 to vector<128x512xi32>
    %select_n3A_558 = arith.select %eq3A_555, %select_n3A_102, %broadcast_in_dim3A_557 : vector<128x512xi1>, vector<128x512xi32>
    %reduce_sum3A_559 = arith.constant dense<0> : vector<128xi32>
    %reduce_sum3A_560 = vector.multi_reduction <add>, %select_n3A_558, %reduce_sum3A_559 [1] : vector<128x512xi32> to vector<128xi32>
    %broadcast_in_dim3A_561 = vector.shape_cast %reduce_sum3A_560 : vector<128xi32> to vector<128x1xi32>
    %swap3A_562 = arith.constant 0 : index
    %swap3A_563 = arith.constant 0 : index
    %swap3A_564 = arith.constant 30 : index
    %swap3A_565 = vector.load %arg4[%swap3A_562, %swap3A_563, %swap3A_564] : memref<1x128x34xi32, #tpu.memory_space<vmem>>, vector<1x128x1xi32>
    %swap3A_566 = vector.shape_cast %swap3A_565 : vector<1x128x1xi32> to vector<128x1xi32>
    %swap3A_567 = vector.shape_cast %broadcast_in_dim3A_561 : vector<128x1xi32> to vector<1x128x1xi32>
    tpu.vector_store %arg4[%swap3A_562, %swap3A_563, %swap3A_564], %swap3A_567 {strides = array<i32>} : memref<1x128x34xi32, #tpu.memory_space<vmem>>, vector<1x128x1xi32>,
    %eq3A_568 = arith.constant 31 : i32
    %eq3A_569 = vector.broadcast %eq3A_568 : i32 to vector<128x512xi32>
    %eq3A_570 = arith.cmpi eq, %shift_right_logical3A_104, %eq3A_569 : vector<128x512xi32>
    %jit3A_571 = arith.constant 0 : i32
    %broadcast_in_dim3A_572 = vector.broadcast %jit3A_571 : i32 to vector<128x512xi32>
    %select_n3A_573 = arith.select %eq3A_570, %select_n3A_102, %broadcast_in_dim3A_572 : vector<128x512xi1>, vector<128x512xi32>
    %reduce_sum3A_574 = arith.constant dense<0> : vector<128xi32>
    %reduce_sum3A_575 = vector.multi_reduction <add>, %select_n3A_573, %reduce_sum3A_574 [1] : vector<128x512xi32> to vector<128xi32>
    %broadcast_in_dim3A_576 = vector.shape_cast %reduce_sum3A_575 : vector<128xi32> to vector<128x1xi32>
    %swap3A_577 = arith.constant 0 : index
    %swap3A_578 = arith.constant 0 : index
    %swap3A_579 = arith.constant 31 : index
    %swap3A_580 = vector.load %arg4[%swap3A_577, %swap3A_578, %swap3A_579] : memref<1x128x34xi32, #tpu.memory_space<vmem>>, vector<1x128x1xi32>
    %swap3A_581 = vector.shape_cast %swap3A_580 : vector<1x128x1xi32> to vector<128x1xi32>
    %swap3A_582 = vector.shape_cast %broadcast_in_dim3A_576 : vector<128x1xi32> to vector<1x128x1xi32>
    tpu.vector_store %arg4[%swap3A_577, %swap3A_578, %swap3A_579], %swap3A_582 {strides = array<i32>} : memref<1x128x34xi32, #tpu.memory_space<vmem>>, vector<1x128x1xi32>,
    %reduce_sum3A_583 = arith.constant dense<0.000000e+00> : vector<128xf32>
    %reduce_sum3A_584 = vector.multi_reduction <add>, %convert_element_type3A_33, %reduce_sum3A_583 [1] : vector<128x512xf32> to vector<128xf32>
    %broadcast_in_dim3A_585 = vector.shape_cast %reduce_sum3A_584 : vector<128xf32> to vector<128x1xf32>
    %convert_element_type3A_586 = arith.fptosi %broadcast_in_dim3A_585 : vector<128x1xf32> to vector<128x1xi32>
    %swap3A_587 = arith.constant 0 : index
    %swap3A_588 = arith.constant 0 : index
    %swap3A_589 = arith.constant 32 : index
    %swap3A_590 = vector.load %arg4[%swap3A_587, %swap3A_588, %swap3A_589] : memref<1x128x34xi32, #tpu.memory_space<vmem>>, vector<1x128x1xi32>
    %swap3A_591 = vector.shape_cast %swap3A_590 : vector<1x128x1xi32> to vector<128x1xi32>
    %swap3A_592 = vector.shape_cast %convert_element_type3A_586 : vector<128x1xi32> to vector<1x128x1xi32>
    tpu.vector_store %arg4[%swap3A_587, %swap3A_588, %swap3A_589], %swap3A_592 {strides = array<i32>} : memref<1x128x34xi32, #tpu.memory_space<vmem>>, vector<1x128x1xi32>,
    %reduce_min3A = arith.constant dense<0x7F800000> : vector<128xf32>
    %reduce_min3A_593 = vector.multi_reduction <minimumf>, %add3A_24, %reduce_min3A [1] : vector<128x512xf32> to vector<128xf32>
    %broadcast_in_dim3A_594 = vector.shape_cast %reduce_min3A_593 : vector<128xf32> to vector<128x1xf32>
    %le3A_595 = vector.broadcast %broadcast_in_dim3A_594 : vector<128x1xf32> to vector<128x512xf32>
    %le3A_596 = arith.cmpf ole, %add3A_24, %le3A_595 : vector<128x512xf32>
    %jit3A_597 = arith.constant 4194304 : i32
    %broadcast_in_dim3A_598 = vector.broadcast %jit3A_597 : i32 to vector<128x512xi32>
    %select_n3A_599 = arith.select %le3A_596, %iota3A, %broadcast_in_dim3A_598 : vector<128x512xi1>, vector<128x512xi32>
    %reduce_min3A_600 = arith.constant dense<2147483647> : vector<128xi32>
    %reduce_min3A_601 = vector.multi_reduction <minsi>, %select_n3A_599, %reduce_min3A_600 [1] : vector<128x512xi32> to vector<128xi32>
    %broadcast_in_dim3A_602 = vector.shape_cast %reduce_min3A_601 : vector<128xi32> to vector<128x1xi32>
    %swap3A_603 = arith.constant 0 : index
    %swap3A_604 = arith.constant 0 : index
    %swap3A_605 = arith.constant 33 : index
    %swap3A_606 = vector.load %arg4[%swap3A_603, %swap3A_604, %swap3A_605] : memref<1x128x34xi32, #tpu.memory_space<vmem>>, vector<1x128x1xi32>
    %swap3A_607 = vector.shape_cast %swap3A_606 : vector<1x128x1xi32> to vector<128x1xi32>
    %swap3A_608 = vector.shape_cast %broadcast_in_dim3A_602 : vector<128x1xi32> to vector<1x128x1xi32>
    tpu.vector_store %arg4[%swap3A_603, %swap3A_604, %swap3A_605], %swap3A_608 {strides = array<i32>} : memref<1x128x34xi32, #tpu.memory_space<vmem>>, vector<1x128x1xi32>,
    return
  }
  func.func @transform_0(%arg0: i32, %arg1: i32) -> (i32, i32, i32) {
    %c0_i32 = arith.constant 0 : i32
    %c0_i32_0 = arith.constant 0 : i32
    %c0_i32_1 = arith.constant 0 : i32
    return %arg0, %c0_i32, %c0_i32_0 : i32, i32, i32
  }
  func.func @transform_1(%arg0: i32, %arg1: i32) -> (i32, i32, i32) {
    %c0_i32 = arith.constant 0 : i32
    %c0_i32_0 = arith.constant 0 : i32
    return %arg0, %arg1, %c0_i32 : i32, i32, i32
  }
  func.func @transform_2(%arg0: i32, %arg1: i32) -> (i32, i32, i32) {
    %c0_i32 = arith.constant 0 : i32
    %c0_i32_0 = arith.constant 0 : i32
    return %arg0, %arg1, %c0_i32 : i32, i32, i32
  }
}

module attributes {stable_mosaic.version = 14 : i64} {
  func.func @_mlp1_body(%arg0: i32, %arg1: i32, %arg2: memref<1x6144x6xf32, #tpu.memory_space<vmem>>, %arg3: memref<1x6144x3xf32, #tpu.memory_space<vmem>>, %arg4: memref<1x6144x3xf32, #tpu.memory_space<vmem>>, %arg5: memref<11x64xf32, #tpu.memory_space<vmem>>, %arg6: memref<64xf32, #tpu.memory_space<vmem>>, %arg7: memref<64x3xf32, #tpu.memory_space<vmem>>, %arg8: memref<3xf32, #tpu.memory_space<vmem>>, %arg9: memref<3x128xf32, #tpu.memory_space<vmem>>, %arg10: memref<128xf32, #tpu.memory_space<vmem>>, %arg11: memref<1x128x128xf32, #tpu.memory_space<vmem>>) attributes {dimension_semantics = [#tpu.dimension_semantics<arbitrary>, #tpu.dimension_semantics<arbitrary>], iteration_bounds = array<i64: 8, 4>, scalar_prefetch = 0 : i64, scratch_operands = 0 : i64, tpu.core_type = #tpu.core_type<tc>, window_params = [{transform_indices = @transform_0, window_bounds = array<i64: 1, 6144, 6>}, {transform_indices = @transform_1, window_bounds = array<i64: 1, 6144, 3>}, {transform_indices = @transform_2, window_bounds = array<i64: 1, 6144, 3>}, {pipeline_mode = #tpu.pipeline_mode<synchronous>, transform_indices = @transform_3, window_bounds = array<i64: 11, 64>}, {pipeline_mode = #tpu.pipeline_mode<synchronous>, transform_indices = @transform_4, window_bounds = array<i64: 64>}, {pipeline_mode = #tpu.pipeline_mode<synchronous>, transform_indices = @transform_5, window_bounds = array<i64: 64, 3>}, {pipeline_mode = #tpu.pipeline_mode<synchronous>, transform_indices = @transform_6, window_bounds = array<i64: 3>}, {pipeline_mode = #tpu.pipeline_mode<synchronous>, transform_indices = @transform_7, window_bounds = array<i64: 3, 128>}, {pipeline_mode = #tpu.pipeline_mode<synchronous>, transform_indices = @transform_8, window_bounds = array<i64: 128>}, {transform_indices = @transform_9, window_bounds = array<i64: 1, 128, 128>}]} {
    %get3A = arith.constant 0 : index
    %get3A_0 = arith.constant 0 : index
    %get3A_1 = arith.constant 0 : index
    %get3A_2 = vector.load %arg2[%get3A, %get3A_0, %get3A_1] : memref<1x6144x6xf32, #tpu.memory_space<vmem>>, vector<1x6144x6xf32>
    %get3A_3 = vector.shape_cast %get3A_2 : vector<1x6144x6xf32> to vector<6144x6xf32>
    %slice3A = vector.extract_strided_slice %get3A_3 {offsets = [0, 0], sizes = [6144, 3], strides = [1, 1]} : vector<6144x6xf32> to vector<6144x3xf32>
    %get3A_4 = arith.constant 0 : index
    %get3A_5 = arith.constant 0 : index
    %get3A_6 = arith.constant 0 : index
    %get3A_7 = vector.load %arg2[%get3A_4, %get3A_5, %get3A_6] : memref<1x6144x6xf32, #tpu.memory_space<vmem>>, vector<1x6144x6xf32>
    %get3A_8 = vector.shape_cast %get3A_7 : vector<1x6144x6xf32> to vector<6144x6xf32>
    %slice3A_9 = vector.extract_strided_slice %get3A_8 {offsets = [0, 3], sizes = [6144, 3], strides = [1, 1]} : vector<6144x6xf32> to vector<6144x3xf32>
    %get3A_10 = arith.constant 0 : index
    %get3A_11 = arith.constant 0 : index
    %get3A_12 = arith.constant 0 : index
    %get3A_13 = vector.load %arg3[%get3A_10, %get3A_11, %get3A_12] : memref<1x6144x3xf32, #tpu.memory_space<vmem>>, vector<1x6144x3xf32>
    %get3A_14 = vector.shape_cast %get3A_13 : vector<1x6144x3xf32> to vector<6144x3xf32>
    %get3A_15 = arith.constant 0 : index
    %get3A_16 = arith.constant 0 : index
    %get3A_17 = arith.constant 0 : index
    %get3A_18 = vector.load %arg4[%get3A_15, %get3A_16, %get3A_17] : memref<1x6144x3xf32, #tpu.memory_space<vmem>>, vector<1x6144x3xf32>
    %get3A_19 = vector.shape_cast %get3A_18 : vector<1x6144x3xf32> to vector<6144x3xf32>
    %get3A_20 = arith.constant 0 : index
    %get3A_21 = arith.constant 0 : index
    %get3A_22 = vector.load %arg5[%get3A_20, %get3A_21] : memref<11x64xf32, #tpu.memory_space<vmem>>, vector<11x64xf32>
    %sub3A = arith.subf %slice3A, %get3A_14 : vector<6144x3xf32>
    %mul3A = arith.mulf %sub3A, %sub3A : vector<6144x3xf32>
    %reduce_sum3A = arith.constant dense<0.000000e+00> : vector<6144xf32>
    %reduce_sum3A_23 = vector.multi_reduction <add>, %mul3A, %reduce_sum3A [1] : vector<6144x3xf32> to vector<6144xf32>
    %broadcast_in_dim3A = vector.shape_cast %reduce_sum3A_23 : vector<6144xf32> to vector<6144x1xf32>
    %add3A = arith.constant 9.99999996E-13 : f32
    %add3A_24 = vector.broadcast %add3A : f32 to vector<6144x1xf32>
    %add3A_25 = arith.addf %broadcast_in_dim3A, %add3A_24 : vector<6144x1xf32>
    %sqrt3A = math.sqrt %add3A_25 : vector<6144x1xf32>
    %mul3A_26 = arith.mulf %slice3A_9, %get3A_19 : vector<6144x3xf32>
    %reduce_sum3A_27 = arith.constant dense<0.000000e+00> : vector<6144xf32>
    %reduce_sum3A_28 = vector.multi_reduction <add>, %mul3A_26, %reduce_sum3A_27 [1] : vector<6144x3xf32> to vector<6144xf32>
    %broadcast_in_dim3A_29 = vector.shape_cast %reduce_sum3A_28 : vector<6144xf32> to vector<6144x1xf32>
    %get3A_30 = arith.constant 0 : index
    %get3A_31 = arith.constant 0 : index
    %get3A_32 = vector.load %arg5[%get3A_30, %get3A_31] : memref<11x64xf32, #tpu.memory_space<vmem>>, vector<1x64xf32>
    %mul3A_33 = vector.broadcast %sqrt3A : vector<6144x1xf32> to vector<6144x64xf32>
    %mul3A_34 = vector.broadcast %get3A_32 : vector<1x64xf32> to vector<6144x64xf32>
    %mul3A_35 = arith.mulf %mul3A_33, %mul3A_34 : vector<6144x64xf32>
    %slice3A_36 = vector.extract_strided_slice %get3A_22 {offsets = [1, 0], sizes = [3, 64], strides = [1, 1]} : vector<11x64xf32> to vector<3x64xf32>
    %dot_general3A = arith.constant dense<0.000000e+00> : vector<6144x64xf32>
    %dot_general3A_37 = tpu.matmul %get3A_14, %slice3A_36, %dot_general3A {dimension_numbers = #tpu.dot_dimension_numbers<[1], [0], [0], [1], [0, 0, 1, 1], [], []>, transpose_lhs_hint = false} : vector<6144x3xf32>, vector<3x64xf32>, vector<6144x64xf32> -> vector<6144x64xf32>
    %add3A_38 = arith.addf %mul3A_35, %dot_general3A_37 : vector<6144x64xf32>
    %slice3A_39 = vector.extract_strided_slice %get3A_22 {offsets = [4, 0], sizes = [3, 64], strides = [1, 1]} : vector<11x64xf32> to vector<3x64xf32>
    %dot_general3A_40 = arith.constant dense<0.000000e+00> : vector<6144x64xf32>
    %dot_general3A_41 = tpu.matmul %slice3A, %slice3A_39, %dot_general3A_40 {dimension_numbers = #tpu.dot_dimension_numbers<[1], [0], [0], [1], [0, 0, 1, 1], [], []>, transpose_lhs_hint = false} : vector<6144x3xf32>, vector<3x64xf32>, vector<6144x64xf32> -> vector<6144x64xf32>
    %add3A_42 = arith.addf %add3A_38, %dot_general3A_41 : vector<6144x64xf32>
    %slice3A_43 = vector.extract_strided_slice %get3A_22 {offsets = [7, 0], sizes = [3, 64], strides = [1, 1]} : vector<11x64xf32> to vector<3x64xf32>
    %dot_general3A_44 = arith.constant dense<0.000000e+00> : vector<6144x64xf32>
    %dot_general3A_45 = tpu.matmul %sub3A, %slice3A_43, %dot_general3A_44 {dimension_numbers = #tpu.dot_dimension_numbers<[1], [0], [0], [1], [0, 0, 1, 1], [], []>, transpose_lhs_hint = false} : vector<6144x3xf32>, vector<3x64xf32>, vector<6144x64xf32> -> vector<6144x64xf32>
    %add3A_46 = arith.addf %add3A_42, %dot_general3A_45 : vector<6144x64xf32>
    %get3A_47 = arith.constant 10 : index
    %get3A_48 = arith.constant 0 : index
    %get3A_49 = vector.load %arg5[%get3A_47, %get3A_48] : memref<11x64xf32, #tpu.memory_space<vmem>>, vector<1x64xf32>
    %mul3A_50 = vector.broadcast %broadcast_in_dim3A_29 : vector<6144x1xf32> to vector<6144x64xf32>
    %mul3A_51 = vector.broadcast %get3A_49 : vector<1x64xf32> to vector<6144x64xf32>
    %mul3A_52 = arith.mulf %mul3A_50, %mul3A_51 : vector<6144x64xf32>
    %add3A_53 = arith.addf %add3A_46, %mul3A_52 : vector<6144x64xf32>
    %get3A_54 = arith.constant 0 : index
    %get3A_55 = vector.load %arg6[%get3A_54] : memref<64xf32, #tpu.memory_space<vmem>>, vector<64xf32>
    %broadcast_in_dim3A_56 = vector.shape_cast %get3A_55 : vector<64xf32> to vector<1x64xf32>
    %add3A_57 = vector.broadcast %broadcast_in_dim3A_56 : vector<1x64xf32> to vector<6144x64xf32>
    %add3A_58 = arith.addf %add3A_53, %add3A_57 : vector<6144x64xf32>
    %max3A = arith.constant 0.000000e+00 : f32
    %max3A_59 = vector.broadcast %max3A : f32 to vector<6144x64xf32>
    %max3A_60 = arith.maximumf %add3A_58, %max3A_59 : vector<6144x64xf32>
    %get3A_61 = arith.constant 0 : index
    %get3A_62 = arith.constant 0 : index
    %get3A_63 = vector.load %arg7[%get3A_61, %get3A_62] : memref<64x3xf32, #tpu.memory_space<vmem>>, vector<64x3xf32>
    %dot_general3A_64 = arith.constant dense<0.000000e+00> : vector<6144x3xf32>
    %dot_general3A_65 = tpu.matmul %max3A_60, %get3A_63, %dot_general3A_64 {dimension_numbers = #tpu.dot_dimension_numbers<[1], [0], [0], [1], [0, 0, 1, 1], [], []>, transpose_lhs_hint = false} : vector<6144x64xf32>, vector<64x3xf32>, vector<6144x3xf32> -> vector<6144x3xf32>
    %get3A_66 = arith.constant 0 : index
    %get3A_67 = vector.load %arg8[%get3A_66] : memref<3xf32, #tpu.memory_space<vmem>>, vector<3xf32>
    %broadcast_in_dim3A_68 = vector.shape_cast %get3A_67 : vector<3xf32> to vector<1x3xf32>
    %add3A_69 = vector.broadcast %broadcast_in_dim3A_68 : vector<1x3xf32> to vector<6144x3xf32>
    %add3A_70 = arith.addf %dot_general3A_65, %add3A_69 : vector<6144x3xf32>
    %mul3A_71 = arith.mulf %sub3A, %add3A_70 : vector<6144x3xf32>
    %get3A_72 = arith.constant 0 : index
    %get3A_73 = arith.constant 0 : index
    %get3A_74 = vector.load %arg9[%get3A_72, %get3A_73] : memref<3x128xf32, #tpu.memory_space<vmem>>, vector<3x128xf32>
    %dot_general3A_75 = arith.constant dense<0.000000e+00> : vector<6144x128xf32>
    %dot_general3A_76 = tpu.matmul %mul3A_71, %get3A_74, %dot_general3A_75 {dimension_numbers = #tpu.dot_dimension_numbers<[1], [0], [0], [1], [0, 0, 1, 1], [], []>, transpose_lhs_hint = false} : vector<6144x3xf32>, vector<3x128xf32>, vector<6144x128xf32> -> vector<6144x128xf32>
    %get3A_77 = arith.constant 0 : index
    %get3A_78 = vector.load %arg10[%get3A_77] : memref<128xf32, #tpu.memory_space<vmem>>, vector<128xf32>
    %broadcast_in_dim3A_79 = vector.shape_cast %get3A_78 : vector<128xf32> to vector<1x128xf32>
    %add3A_80 = vector.broadcast %broadcast_in_dim3A_79 : vector<1x128xf32> to vector<6144x128xf32>
    %add3A_81 = arith.addf %dot_general3A_76, %add3A_80 : vector<6144x128xf32>
    %max3A_82 = arith.constant 0.000000e+00 : f32
    %max3A_83 = vector.broadcast %max3A_82 : f32 to vector<6144x128xf32>
    %max3A_84 = arith.maximumf %add3A_81, %max3A_83 : vector<6144x128xf32>
    %reshape3A = vector.shape_cast %max3A_84 : vector<6144x128xf32> to vector<128x48x128xf32>
    %reduce_max3A = arith.constant dense<0xFF800000> : vector<128x128xf32>
    %reduce_max3A_85 = vector.multi_reduction <maximumf>, %reshape3A, %reduce_max3A [1] : vector<128x48x128xf32> to vector<128x128xf32>
    %swap3A = arith.constant 0 : index
    %swap3A_86 = arith.constant 0 : index
    %swap3A_87 = arith.constant 0 : index
    %swap3A_88 = vector.load %arg11[%swap3A, %swap3A_86, %swap3A_87] : memref<1x128x128xf32, #tpu.memory_space<vmem>>, vector<1x128x128xf32>
    %swap3A_89 = vector.shape_cast %swap3A_88 : vector<1x128x128xf32> to vector<128x128xf32>
    %swap3A_90 = vector.shape_cast %reduce_max3A_85 : vector<128x128xf32> to vector<1x128x128xf32>
    tpu.vector_store %arg11[%swap3A, %swap3A_86, %swap3A_87], %swap3A_90 {strides = array<i32>} : memref<1x128x128xf32, #tpu.memory_space<vmem>>, vector<1x128x128xf32>,
    return
  }
  func.func @transform_0(%arg0: i32, %arg1: i32) -> (i32, i32, i32) {
    %c0_i32 = arith.constant 0 : i32
    %c0_i32_0 = arith.constant 0 : i32
    return %arg0, %arg1, %c0_i32 : i32, i32, i32
  }
  func.func @transform_1(%arg0: i32, %arg1: i32) -> (i32, i32, i32) {
    %c0_i32 = arith.constant 0 : i32
    %c0_i32_0 = arith.constant 0 : i32
    return %arg0, %arg1, %c0_i32 : i32, i32, i32
  }
  func.func @transform_2(%arg0: i32, %arg1: i32) -> (i32, i32, i32) {
    %c0_i32 = arith.constant 0 : i32
    %c0_i32_0 = arith.constant 0 : i32
    return %arg0, %arg1, %c0_i32 : i32, i32, i32
  }
  func.func @transform_3(%arg0: i32, %arg1: i32) -> (i32, i32) {
    %c0_i32 = arith.constant 0 : i32
    %c0_i32_0 = arith.constant 0 : i32
    %c0_i32_1 = arith.constant 0 : i32
    return %c0_i32, %c0_i32_0 : i32, i32
  }
  func.func @transform_4(%arg0: i32, %arg1: i32) -> i32 {
    %c0_i32 = arith.constant 0 : i32
    %c0_i32_0 = arith.constant 0 : i32
    return %c0_i32 : i32
  }
  func.func @transform_5(%arg0: i32, %arg1: i32) -> (i32, i32) {
    %c0_i32 = arith.constant 0 : i32
    %c0_i32_0 = arith.constant 0 : i32
    %c0_i32_1 = arith.constant 0 : i32
    return %c0_i32, %c0_i32_0 : i32, i32
  }
  func.func @transform_6(%arg0: i32, %arg1: i32) -> i32 {
    %c0_i32 = arith.constant 0 : i32
    %c0_i32_0 = arith.constant 0 : i32
    return %c0_i32 : i32
  }
  func.func @transform_7(%arg0: i32, %arg1: i32) -> (i32, i32) {
    %c0_i32 = arith.constant 0 : i32
    %c0_i32_0 = arith.constant 0 : i32
    %c0_i32_1 = arith.constant 0 : i32
    return %c0_i32, %c0_i32_0 : i32, i32
  }
  func.func @transform_8(%arg0: i32, %arg1: i32) -> i32 {
    %c0_i32 = arith.constant 0 : i32
    %c0_i32_0 = arith.constant 0 : i32
    return %c0_i32 : i32
  }
  func.func @transform_9(%arg0: i32, %arg1: i32) -> (i32, i32, i32) {
    %c0_i32 = arith.constant 0 : i32
    %c0_i32_0 = arith.constant 0 : i32
    return %arg0, %arg1, %c0_i32 : i32, i32, i32
  }
}

module attributes {stable_mosaic.version = 14 : i64} {
  func.func @_mlp2_body(%arg0: i32, %arg1: i32, %arg2: memref<1x2048x6xf32, #tpu.memory_space<vmem>>, %arg3: memref<1x2048x3xf32, #tpu.memory_space<vmem>>, %arg4: memref<1x2048x3xf32, #tpu.memory_space<vmem>>, %arg5: memref<1x2048x128xf32, #tpu.memory_space<vmem>>, %arg6: memref<11x64xf32, #tpu.memory_space<vmem>>, %arg7: memref<64xf32, #tpu.memory_space<vmem>>, %arg8: memref<64x128xf32, #tpu.memory_space<vmem>>, %arg9: memref<128xf32, #tpu.memory_space<vmem>>, %arg10: memref<128x512xf32, #tpu.memory_space<vmem>>, %arg11: memref<512xf32, #tpu.memory_space<vmem>>, %arg12: memref<1x32x512xf32, #tpu.memory_space<vmem>>) attributes {dimension_semantics = [#tpu.dimension_semantics<arbitrary>, #tpu.dimension_semantics<arbitrary>], iteration_bounds = array<i64: 8, 4>, scalar_prefetch = 0 : i64, scratch_operands = 0 : i64, tpu.core_type = #tpu.core_type<tc>, window_params = [{transform_indices = @transform_0, window_bounds = array<i64: 1, 2048, 6>}, {transform_indices = @transform_1, window_bounds = array<i64: 1, 2048, 3>}, {transform_indices = @transform_2, window_bounds = array<i64: 1, 2048, 3>}, {transform_indices = @transform_3, window_bounds = array<i64: 1, 2048, 128>}, {pipeline_mode = #tpu.pipeline_mode<synchronous>, transform_indices = @transform_4, window_bounds = array<i64: 11, 64>}, {pipeline_mode = #tpu.pipeline_mode<synchronous>, transform_indices = @transform_5, window_bounds = array<i64: 64>}, {pipeline_mode = #tpu.pipeline_mode<synchronous>, transform_indices = @transform_6, window_bounds = array<i64: 64, 128>}, {pipeline_mode = #tpu.pipeline_mode<synchronous>, transform_indices = @transform_7, window_bounds = array<i64: 128>}, {pipeline_mode = #tpu.pipeline_mode<synchronous>, transform_indices = @transform_8, window_bounds = array<i64: 128, 512>}, {pipeline_mode = #tpu.pipeline_mode<synchronous>, transform_indices = @transform_9, window_bounds = array<i64: 512>}, {transform_indices = @transform_10, window_bounds = array<i64: 1, 32, 512>}]} {
    %get3A = arith.constant 0 : index
    %get3A_0 = arith.constant 0 : index
    %get3A_1 = arith.constant 0 : index
    %get3A_2 = vector.load %arg2[%get3A, %get3A_0, %get3A_1] : memref<1x2048x6xf32, #tpu.memory_space<vmem>>, vector<1x2048x6xf32>
    %get3A_3 = vector.shape_cast %get3A_2 : vector<1x2048x6xf32> to vector<2048x6xf32>
    %slice3A = vector.extract_strided_slice %get3A_3 {offsets = [0, 0], sizes = [2048, 3], strides = [1, 1]} : vector<2048x6xf32> to vector<2048x3xf32>
    %get3A_4 = arith.constant 0 : index
    %get3A_5 = arith.constant 0 : index
    %get3A_6 = arith.constant 0 : index
    %get3A_7 = vector.load %arg2[%get3A_4, %get3A_5, %get3A_6] : memref<1x2048x6xf32, #tpu.memory_space<vmem>>, vector<1x2048x6xf32>
    %get3A_8 = vector.shape_cast %get3A_7 : vector<1x2048x6xf32> to vector<2048x6xf32>
    %slice3A_9 = vector.extract_strided_slice %get3A_8 {offsets = [0, 3], sizes = [2048, 3], strides = [1, 1]} : vector<2048x6xf32> to vector<2048x3xf32>
    %get3A_10 = arith.constant 0 : index
    %get3A_11 = arith.constant 0 : index
    %get3A_12 = arith.constant 0 : index
    %get3A_13 = vector.load %arg3[%get3A_10, %get3A_11, %get3A_12] : memref<1x2048x3xf32, #tpu.memory_space<vmem>>, vector<1x2048x3xf32>
    %get3A_14 = vector.shape_cast %get3A_13 : vector<1x2048x3xf32> to vector<2048x3xf32>
    %get3A_15 = arith.constant 0 : index
    %get3A_16 = arith.constant 0 : index
    %get3A_17 = arith.constant 0 : index
    %get3A_18 = vector.load %arg4[%get3A_15, %get3A_16, %get3A_17] : memref<1x2048x3xf32, #tpu.memory_space<vmem>>, vector<1x2048x3xf32>
    %get3A_19 = vector.shape_cast %get3A_18 : vector<1x2048x3xf32> to vector<2048x3xf32>
    %get3A_20 = arith.constant 0 : index
    %get3A_21 = arith.constant 0 : index
    %get3A_22 = vector.load %arg6[%get3A_20, %get3A_21] : memref<11x64xf32, #tpu.memory_space<vmem>>, vector<11x64xf32>
    %sub3A = arith.subf %slice3A, %get3A_14 : vector<2048x3xf32>
    %mul3A = arith.mulf %sub3A, %sub3A : vector<2048x3xf32>
    %reduce_sum3A = arith.constant dense<0.000000e+00> : vector<2048xf32>
    %reduce_sum3A_23 = vector.multi_reduction <add>, %mul3A, %reduce_sum3A [1] : vector<2048x3xf32> to vector<2048xf32>
    %broadcast_in_dim3A = vector.shape_cast %reduce_sum3A_23 : vector<2048xf32> to vector<2048x1xf32>
    %add3A = arith.constant 9.99999996E-13 : f32
    %add3A_24 = vector.broadcast %add3A : f32 to vector<2048x1xf32>
    %add3A_25 = arith.addf %broadcast_in_dim3A, %add3A_24 : vector<2048x1xf32>
    %sqrt3A = math.sqrt %add3A_25 : vector<2048x1xf32>
    %mul3A_26 = arith.mulf %slice3A_9, %get3A_19 : vector<2048x3xf32>
    %reduce_sum3A_27 = arith.constant dense<0.000000e+00> : vector<2048xf32>
    %reduce_sum3A_28 = vector.multi_reduction <add>, %mul3A_26, %reduce_sum3A_27 [1] : vector<2048x3xf32> to vector<2048xf32>
    %broadcast_in_dim3A_29 = vector.shape_cast %reduce_sum3A_28 : vector<2048xf32> to vector<2048x1xf32>
    %get3A_30 = arith.constant 0 : index
    %get3A_31 = arith.constant 0 : index
    %get3A_32 = vector.load %arg6[%get3A_30, %get3A_31] : memref<11x64xf32, #tpu.memory_space<vmem>>, vector<1x64xf32>
    %mul3A_33 = vector.broadcast %sqrt3A : vector<2048x1xf32> to vector<2048x64xf32>
    %mul3A_34 = vector.broadcast %get3A_32 : vector<1x64xf32> to vector<2048x64xf32>
    %mul3A_35 = arith.mulf %mul3A_33, %mul3A_34 : vector<2048x64xf32>
    %slice3A_36 = vector.extract_strided_slice %get3A_22 {offsets = [1, 0], sizes = [3, 64], strides = [1, 1]} : vector<11x64xf32> to vector<3x64xf32>
    %dot_general3A = arith.constant dense<0.000000e+00> : vector<2048x64xf32>
    %dot_general3A_37 = tpu.matmul %get3A_14, %slice3A_36, %dot_general3A {dimension_numbers = #tpu.dot_dimension_numbers<[1], [0], [0], [1], [0, 0, 1, 1], [], []>, transpose_lhs_hint = false} : vector<2048x3xf32>, vector<3x64xf32>, vector<2048x64xf32> -> vector<2048x64xf32>
    %add3A_38 = arith.addf %mul3A_35, %dot_general3A_37 : vector<2048x64xf32>
    %slice3A_39 = vector.extract_strided_slice %get3A_22 {offsets = [4, 0], sizes = [3, 64], strides = [1, 1]} : vector<11x64xf32> to vector<3x64xf32>
    %dot_general3A_40 = arith.constant dense<0.000000e+00> : vector<2048x64xf32>
    %dot_general3A_41 = tpu.matmul %slice3A, %slice3A_39, %dot_general3A_40 {dimension_numbers = #tpu.dot_dimension_numbers<[1], [0], [0], [1], [0, 0, 1, 1], [], []>, transpose_lhs_hint = false} : vector<2048x3xf32>, vector<3x64xf32>, vector<2048x64xf32> -> vector<2048x64xf32>
    %add3A_42 = arith.addf %add3A_38, %dot_general3A_41 : vector<2048x64xf32>
    %slice3A_43 = vector.extract_strided_slice %get3A_22 {offsets = [7, 0], sizes = [3, 64], strides = [1, 1]} : vector<11x64xf32> to vector<3x64xf32>
    %dot_general3A_44 = arith.constant dense<0.000000e+00> : vector<2048x64xf32>
    %dot_general3A_45 = tpu.matmul %sub3A, %slice3A_43, %dot_general3A_44 {dimension_numbers = #tpu.dot_dimension_numbers<[1], [0], [0], [1], [0, 0, 1, 1], [], []>, transpose_lhs_hint = false} : vector<2048x3xf32>, vector<3x64xf32>, vector<2048x64xf32> -> vector<2048x64xf32>
    %add3A_46 = arith.addf %add3A_42, %dot_general3A_45 : vector<2048x64xf32>
    %get3A_47 = arith.constant 10 : index
    %get3A_48 = arith.constant 0 : index
    %get3A_49 = vector.load %arg6[%get3A_47, %get3A_48] : memref<11x64xf32, #tpu.memory_space<vmem>>, vector<1x64xf32>
    %mul3A_50 = vector.broadcast %broadcast_in_dim3A_29 : vector<2048x1xf32> to vector<2048x64xf32>
    %mul3A_51 = vector.broadcast %get3A_49 : vector<1x64xf32> to vector<2048x64xf32>
    %mul3A_52 = arith.mulf %mul3A_50, %mul3A_51 : vector<2048x64xf32>
    %add3A_53 = arith.addf %add3A_46, %mul3A_52 : vector<2048x64xf32>
    %get3A_54 = arith.constant 0 : index
    %get3A_55 = vector.load %arg7[%get3A_54] : memref<64xf32, #tpu.memory_space<vmem>>, vector<64xf32>
    %broadcast_in_dim3A_56 = vector.shape_cast %get3A_55 : vector<64xf32> to vector<1x64xf32>
    %add3A_57 = vector.broadcast %broadcast_in_dim3A_56 : vector<1x64xf32> to vector<2048x64xf32>
    %add3A_58 = arith.addf %add3A_53, %add3A_57 : vector<2048x64xf32>
    %max3A = arith.constant 0.000000e+00 : f32
    %max3A_59 = vector.broadcast %max3A : f32 to vector<2048x64xf32>
    %max3A_60 = arith.maximumf %add3A_58, %max3A_59 : vector<2048x64xf32>
    %get3A_61 = arith.constant 0 : index
    %get3A_62 = arith.constant 0 : index
    %get3A_63 = vector.load %arg8[%get3A_61, %get3A_62] : memref<64x128xf32, #tpu.memory_space<vmem>>, vector<64x128xf32>
    %dot_general3A_64 = arith.constant dense<0.000000e+00> : vector<2048x128xf32>
    %dot_general3A_65 = tpu.matmul %max3A_60, %get3A_63, %dot_general3A_64 {dimension_numbers = #tpu.dot_dimension_numbers<[1], [0], [0], [1], [0, 0, 1, 1], [], []>, transpose_lhs_hint = false} : vector<2048x64xf32>, vector<64x128xf32>, vector<2048x128xf32> -> vector<2048x128xf32>
    %get3A_66 = arith.constant 0 : index
    %get3A_67 = vector.load %arg9[%get3A_66] : memref<128xf32, #tpu.memory_space<vmem>>, vector<128xf32>
    %broadcast_in_dim3A_68 = vector.shape_cast %get3A_67 : vector<128xf32> to vector<1x128xf32>
    %add3A_69 = vector.broadcast %broadcast_in_dim3A_68 : vector<1x128xf32> to vector<2048x128xf32>
    %add3A_70 = arith.addf %dot_general3A_65, %add3A_69 : vector<2048x128xf32>
    %get3A_71 = arith.constant 0 : index
    %get3A_72 = arith.constant 0 : index
    %get3A_73 = arith.constant 0 : index
    %get3A_74 = vector.load %arg5[%get3A_71, %get3A_72, %get3A_73] : memref<1x2048x128xf32, #tpu.memory_space<vmem>>, vector<1x2048x128xf32>
    %get3A_75 = vector.shape_cast %get3A_74 : vector<1x2048x128xf32> to vector<2048x128xf32>
    %mul3A_76 = arith.mulf %get3A_75, %add3A_70 : vector<2048x128xf32>
    %get3A_77 = arith.constant 0 : index
    %get3A_78 = arith.constant 0 : index
    %get3A_79 = vector.load %arg10[%get3A_77, %get3A_78] : memref<128x512xf32, #tpu.memory_space<vmem>>, vector<128x512xf32>
    %dot_general3A_80 = arith.constant dense<0.000000e+00> : vector<2048x512xf32>
    %dot_general3A_81 = tpu.matmul %mul3A_76, %get3A_79, %dot_general3A_80 {dimension_numbers = #tpu.dot_dimension_numbers<[1], [0], [0], [1], [0, 0, 1, 1], [], []>, transpose_lhs_hint = false} : vector<2048x128xf32>, vector<128x512xf32>, vector<2048x512xf32> -> vector<2048x512xf32>
    %get3A_82 = arith.constant 0 : index
    %get3A_83 = vector.load %arg11[%get3A_82] : memref<512xf32, #tpu.memory_space<vmem>>, vector<512xf32>
    %broadcast_in_dim3A_84 = vector.shape_cast %get3A_83 : vector<512xf32> to vector<1x512xf32>
    %add3A_85 = vector.broadcast %broadcast_in_dim3A_84 : vector<1x512xf32> to vector<2048x512xf32>
    %add3A_86 = arith.addf %dot_general3A_81, %add3A_85 : vector<2048x512xf32>
    %max3A_87 = arith.constant 0.000000e+00 : f32
    %max3A_88 = vector.broadcast %max3A_87 : f32 to vector<2048x512xf32>
    %max3A_89 = arith.maximumf %add3A_86, %max3A_88 : vector<2048x512xf32>
    %reshape3A = vector.shape_cast %max3A_89 : vector<2048x512xf32> to vector<32x64x512xf32>
    %reduce_max3A = arith.constant dense<0xFF800000> : vector<32x512xf32>
    %reduce_max3A_90 = vector.multi_reduction <maximumf>, %reshape3A, %reduce_max3A [1] : vector<32x64x512xf32> to vector<32x512xf32>
    %swap3A = arith.constant 0 : index
    %swap3A_91 = arith.constant 0 : index
    %swap3A_92 = arith.constant 0 : index
    %swap3A_93 = vector.load %arg12[%swap3A, %swap3A_91, %swap3A_92] : memref<1x32x512xf32, #tpu.memory_space<vmem>>, vector<1x32x512xf32>
    %swap3A_94 = vector.shape_cast %swap3A_93 : vector<1x32x512xf32> to vector<32x512xf32>
    %swap3A_95 = vector.shape_cast %reduce_max3A_90 : vector<32x512xf32> to vector<1x32x512xf32>
    tpu.vector_store %arg12[%swap3A, %swap3A_91, %swap3A_92], %swap3A_95 {strides = array<i32>} : memref<1x32x512xf32, #tpu.memory_space<vmem>>, vector<1x32x512xf32>,
    return
  }
  func.func @transform_0(%arg0: i32, %arg1: i32) -> (i32, i32, i32) {
    %c0_i32 = arith.constant 0 : i32
    %c0_i32_0 = arith.constant 0 : i32
    return %arg0, %arg1, %c0_i32 : i32, i32, i32
  }
  func.func @transform_1(%arg0: i32, %arg1: i32) -> (i32, i32, i32) {
    %c0_i32 = arith.constant 0 : i32
    %c0_i32_0 = arith.constant 0 : i32
    return %arg0, %arg1, %c0_i32 : i32, i32, i32
  }
  func.func @transform_2(%arg0: i32, %arg1: i32) -> (i32, i32, i32) {
    %c0_i32 = arith.constant 0 : i32
    %c0_i32_0 = arith.constant 0 : i32
    return %arg0, %arg1, %c0_i32 : i32, i32, i32
  }
  func.func @transform_3(%arg0: i32, %arg1: i32) -> (i32, i32, i32) {
    %c0_i32 = arith.constant 0 : i32
    %c0_i32_0 = arith.constant 0 : i32
    return %arg0, %arg1, %c0_i32 : i32, i32, i32
  }
  func.func @transform_4(%arg0: i32, %arg1: i32) -> (i32, i32) {
    %c0_i32 = arith.constant 0 : i32
    %c0_i32_0 = arith.constant 0 : i32
    %c0_i32_1 = arith.constant 0 : i32
    return %c0_i32, %c0_i32_0 : i32, i32
  }
  func.func @transform_5(%arg0: i32, %arg1: i32) -> i32 {
    %c0_i32 = arith.constant 0 : i32
    %c0_i32_0 = arith.constant 0 : i32
    return %c0_i32 : i32
  }
  func.func @transform_6(%arg0: i32, %arg1: i32) -> (i32, i32) {
    %c0_i32 = arith.constant 0 : i32
    %c0_i32_0 = arith.constant 0 : i32
    %c0_i32_1 = arith.constant 0 : i32
    return %c0_i32, %c0_i32_0 : i32, i32
  }
  func.func @transform_7(%arg0: i32, %arg1: i32) -> i32 {
    %c0_i32 = arith.constant 0 : i32
    %c0_i32_0 = arith.constant 0 : i32
    return %c0_i32 : i32
  }
  func.func @transform_8(%arg0: i32, %arg1: i32) -> (i32, i32) {
    %c0_i32 = arith.constant 0 : i32
    %c0_i32_0 = arith.constant 0 : i32
    %c0_i32_1 = arith.constant 0 : i32
    return %c0_i32, %c0_i32_0 : i32, i32
  }
  func.func @transform_9(%arg0: i32, %arg1: i32) -> i32 {
    %c0_i32 = arith.constant 0 : i32
    %c0_i32_0 = arith.constant 0 : i32
    return %c0_i32 : i32
  }
  func.func @transform_10(%arg0: i32, %arg1: i32) -> (i32, i32, i32) {
    %c0_i32 = arith.constant 0 : i32
    %c0_i32_0 = arith.constant 0 : i32
    return %arg0, %arg1, %c0_i32 : i32, i32, i32
  }
}

module attributes {stable_mosaic.version = 14 : i64} {
  func.func @_head_body(%arg0: memref<1024x512xf32, #tpu.memory_space<vmem>>, %arg1: memref<512x1024xf32, #tpu.memory_space<vmem>>, %arg2: memref<1024xf32, #tpu.memory_space<vmem>>, %arg3: memref<1024x512xf32, #tpu.memory_space<vmem>>, %arg4: memref<512xf32, #tpu.memory_space<vmem>>, %arg5: memref<512x256xf32, #tpu.memory_space<vmem>>, %arg6: memref<256xf32, #tpu.memory_space<vmem>>, %arg7: memref<256x40xf32, #tpu.memory_space<vmem>>, %arg8: memref<40xf32, #tpu.memory_space<vmem>>, %arg9: memref<8x40xf32, #tpu.memory_space<vmem>>) attributes {dimension_semantics = [], scalar_prefetch = 0 : i64, scratch_operands = 0 : i64, tpu.core_type = #tpu.core_type<tc>} {
    %get3A = arith.constant 0 : index
    %get3A_0 = arith.constant 0 : index
    %get3A_1 = vector.load %arg0[%get3A, %get3A_0] : memref<1024x512xf32, #tpu.memory_space<vmem>>, vector<1024x512xf32>
    %get3A_2 = arith.constant 0 : index
    %get3A_3 = arith.constant 0 : index
    %get3A_4 = vector.load %arg1[%get3A_2, %get3A_3] : memref<512x1024xf32, #tpu.memory_space<vmem>>, vector<512x1024xf32>
    %dot_general3A = arith.constant dense<0.000000e+00> : vector<1024x1024xf32>
    %dot_general3A_5 = tpu.matmul %get3A_1, %get3A_4, %dot_general3A {dimension_numbers = #tpu.dot_dimension_numbers<[1], [0], [0], [1], [0, 0, 1, 1], [], []>, transpose_lhs_hint = false} : vector<1024x512xf32>, vector<512x1024xf32>, vector<1024x1024xf32> -> vector<1024x1024xf32>
    %get3A_6 = arith.constant 0 : index
    %get3A_7 = vector.load %arg2[%get3A_6] : memref<1024xf32, #tpu.memory_space<vmem>>, vector<1024xf32>
    %broadcast_in_dim3A = vector.shape_cast %get3A_7 : vector<1024xf32> to vector<1x1024xf32>
    %add3A = vector.broadcast %broadcast_in_dim3A : vector<1x1024xf32> to vector<1024x1024xf32>
    %add3A_8 = arith.addf %dot_general3A_5, %add3A : vector<1024x1024xf32>
    %max3A = arith.constant 0.000000e+00 : f32
    %max3A_9 = vector.broadcast %max3A : f32 to vector<1024x1024xf32>
    %max3A_10 = arith.maximumf %add3A_8, %max3A_9 : vector<1024x1024xf32>
    %reshape3A = vector.shape_cast %max3A_10 : vector<1024x1024xf32> to vector<8x128x1024xf32>
    %reduce_max3A = arith.constant dense<0xFF800000> : vector<8x1024xf32>
    %reduce_max3A_11 = vector.multi_reduction <maximumf>, %reshape3A, %reduce_max3A [1] : vector<8x128x1024xf32> to vector<8x1024xf32>
    %get3A_12 = arith.constant 0 : index
    %get3A_13 = arith.constant 0 : index
    %get3A_14 = vector.load %arg3[%get3A_12, %get3A_13] : memref<1024x512xf32, #tpu.memory_space<vmem>>, vector<1024x512xf32>
    %dot_general3A_15 = arith.constant dense<0.000000e+00> : vector<8x512xf32>
    %dot_general3A_16 = tpu.matmul %reduce_max3A_11, %get3A_14, %dot_general3A_15 {dimension_numbers = #tpu.dot_dimension_numbers<[1], [0], [0], [1], [0, 0, 1, 1], [], []>, transpose_lhs_hint = false} : vector<8x1024xf32>, vector<1024x512xf32>, vector<8x512xf32> -> vector<8x512xf32>
    %get3A_17 = arith.constant 0 : index
    %get3A_18 = vector.load %arg4[%get3A_17] : memref<512xf32, #tpu.memory_space<vmem>>, vector<512xf32>
    %broadcast_in_dim3A_19 = vector.shape_cast %get3A_18 : vector<512xf32> to vector<1x512xf32>
    %add3A_20 = vector.broadcast %broadcast_in_dim3A_19 : vector<1x512xf32> to vector<8x512xf32>
    %add3A_21 = arith.addf %dot_general3A_16, %add3A_20 : vector<8x512xf32>
    %max3A_22 = arith.constant 0.000000e+00 : f32
    %max3A_23 = vector.broadcast %max3A_22 : f32 to vector<8x512xf32>
    %max3A_24 = arith.maximumf %add3A_21, %max3A_23 : vector<8x512xf32>
    %get3A_25 = arith.constant 0 : index
    %get3A_26 = arith.constant 0 : index
    %get3A_27 = vector.load %arg5[%get3A_25, %get3A_26] : memref<512x256xf32, #tpu.memory_space<vmem>>, vector<512x256xf32>
    %dot_general3A_28 = arith.constant dense<0.000000e+00> : vector<8x256xf32>
    %dot_general3A_29 = tpu.matmul %max3A_24, %get3A_27, %dot_general3A_28 {dimension_numbers = #tpu.dot_dimension_numbers<[1], [0], [0], [1], [0, 0, 1, 1], [], []>, transpose_lhs_hint = false} : vector<8x512xf32>, vector<512x256xf32>, vector<8x256xf32> -> vector<8x256xf32>
    %get3A_30 = arith.constant 0 : index
    %get3A_31 = vector.load %arg6[%get3A_30] : memref<256xf32, #tpu.memory_space<vmem>>, vector<256xf32>
    %broadcast_in_dim3A_32 = vector.shape_cast %get3A_31 : vector<256xf32> to vector<1x256xf32>
    %add3A_33 = vector.broadcast %broadcast_in_dim3A_32 : vector<1x256xf32> to vector<8x256xf32>
    %add3A_34 = arith.addf %dot_general3A_29, %add3A_33 : vector<8x256xf32>
    %max3A_35 = arith.constant 0.000000e+00 : f32
    %max3A_36 = vector.broadcast %max3A_35 : f32 to vector<8x256xf32>
    %max3A_37 = arith.maximumf %add3A_34, %max3A_36 : vector<8x256xf32>
    %get3A_38 = arith.constant 0 : index
    %get3A_39 = arith.constant 0 : index
    %get3A_40 = vector.load %arg7[%get3A_38, %get3A_39] : memref<256x40xf32, #tpu.memory_space<vmem>>, vector<256x40xf32>
    %dot_general3A_41 = arith.constant dense<0.000000e+00> : vector<8x40xf32>
    %dot_general3A_42 = tpu.matmul %max3A_37, %get3A_40, %dot_general3A_41 {dimension_numbers = #tpu.dot_dimension_numbers<[1], [0], [0], [1], [0, 0, 1, 1], [], []>, transpose_lhs_hint = false} : vector<8x256xf32>, vector<256x40xf32>, vector<8x40xf32> -> vector<8x40xf32>
    %get3A_43 = arith.constant 0 : index
    %get3A_44 = vector.load %arg8[%get3A_43] : memref<40xf32, #tpu.memory_space<vmem>>, vector<40xf32>
    %broadcast_in_dim3A_45 = vector.shape_cast %get3A_44 : vector<40xf32> to vector<1x40xf32>
    %add3A_46 = vector.broadcast %broadcast_in_dim3A_45 : vector<1x40xf32> to vector<8x40xf32>
    %add3A_47 = arith.addf %dot_general3A_42, %add3A_46 : vector<8x40xf32>
    %swap3A = arith.constant 0 : index
    %swap3A_48 = arith.constant 0 : index
    %swap3A_49 = vector.load %arg9[%swap3A, %swap3A_48] : memref<8x40xf32, #tpu.memory_space<vmem>>, vector<8x40xf32>
    tpu.vector_store %arg9[%swap3A, %swap3A_48], %add3A_47 {strides = array<i32>} : memref<8x40xf32, #tpu.memory_space<vmem>>, vector<8x40xf32>,
    return
  }
}

</mosaic_0001>

<sc_bundles>
// kernel: kernel.10.cloned.1.call-start
scs
__scs_entry_jumppad:
0x0: {  	(pc) =	sbr.rel $0x88, $3  }
0x1: {  	(tag) =	ssettag $0x0;
	lr =	simm.s32 $0x1  }
0x2: {  	[smem:$0x3F8B] =	sst lr;
	_ =	strace $0xD0000000  }
0x3: {  	_ = 	snop  }
0x4: {  	_ = 	snop  }
0x5: {  	_ = 	snop  }
0x6: {  	_ = 	snop  }
0x7: {  	_ = 	snop  }
__scs_overlays_trampoline_lowered:
0x8: {  	[smem:$0x3F9A] =	sst s0  }
0x9: {  	[smem:$0x3F9B] =	sst s1  }
0xa: {  	[smem:$0x3F9C] =	sst s2  }
0xb: {  	[smem:$0x3F9D] =	sst s3  }
0xc: {  	[smem:$0x3F9E] =	sst s4  }
0xd: {  	[smem:$0x3F9F] =	sst s5  }
0xe: {  	[smem:$0x3FA0] =	sst s6  }
0xf: {  	[smem:$0x3FA1] =	sst s7  }
0x10: {  	[smem:$0x3FA2] =	sst s8  }
0x11: {  	[smem:$0x3FA3] =	sst s9;
	s0 =	simm.s32 @!p0 $0x0  }
0x12: {  	s1 =	sld [smem:$0x3F89];
	s0 =	simm.s32 @p0 $0x1  }
0x13: {  	[smem:$0x3FA4] =	sst s0;
	s0 =	simm.s32 @!p1 $0x0  }
0x14: {  	s2 =	sld [smem:$0x3F88];
	s0 =	simm.s32 @p1 $0x1  }
0x15: {  	[smem:$0x3FA5] =	sst s0;
	s0 =	simm.s32 @!p2 $0x0  }
0x16: {  	s3 =	sld [smem:$0x3FDB];
	s0 =	simm.s32 @p2 $0x1  }
0x17: {  	s4 =	simm.s32 $0x1BF5;
	[smem:$0x3FA7] =	sst s0  }
0x18: {  	s0 =	sld [smem:$0x3F8A];
	_ =	swait.ge [sflag:s4], $0x0  }
0x19: {  	s7 =	sld [smem:$0x3F8B]  }
0x1a: {  	s8 =	sadd.s32 $0xFFFFE003, lr  }
0x1b: {  	s9 =	sadd.s32 $0xFFFFFEF7, lr;
	s5 =	simm.s32 $0xFFFFFFFF;
	p2 =	slt.u32 s8, $0xFFFFF086  }
0x1c: {  	p1 =	slt.u32 s9, $0xF7A;
	s5 =	simm.s32 @!p2 $0x0  }
0x1d: {  	s5 =	simm.s32 @p1 $0x1;
	p0 =	seq.s32 s7, s2  }
0x1e: {  	s7 =	smul.u32 @!p0 $0xF7A, s2;
	p2 =	seq.s32 @!p0 s5, $0x0  }
0x1f: {  	s9 =	smul.u32 $0xF7A, s1;
	s8 =	simm.s32 @!p0 $0x1BF5;
	p2 =	por !p2, p0  }
0x20: {  	[sflag:s8] =	ssyncset.s32 @!p0 $0xFFFFF086;
	s6 =	sadd.s32 @!p0 s3, s7;
	s7 =	simm.s32 @!p0 $0x108  }
0x21: {  	s3 =	sadd.s32 s3, s9;
	s6 =	sadd.s32 @!p0 $0x88, s6;
	s7 =	simm.s32 @p2 $0x1082  }
0x22: {  	[simem:s7], [sflag:s8] =	dma.local @!p0 [hbm:s6], $0xF7A  }
0x23: {  	s9 =	sor.u32 $0xD0000000, s2;
	s6 =	simm.s32 $0x108;
	_ =	swait.ge @!p0 [sflag:s8], $0x0  }
0x24: {  	s3 =	sadd.s32 $0x88, s3;
	s6 =	simm.s32 @!p1 $0x1082;
	[sflag:s4] =	ssyncset.s32 $0xFFFFF086  }
0x25: {  	[simem:s6], [sflag:s4] =	dma.local [hbm:s3], $0xF7A  }
0x26: {  	[smem:$0x3F8B] =	sst s1;
	(tag) =	ssettag s2;
	_ =	strace s9  }
0x27: {  	s1 =	sld [smem:$0x3F9B]  }
0x28: {  	s2 =	sld [smem:$0x3F9C]  }
0x29: {  	s4 =	sld [smem:$0x3F9E]  }
0x2a: {  	p0 =	seq.s32 s5, $0x0;
	s5 =	sld [smem:$0x3F9F]  }
0x2b: {  	s6 =	sld [smem:$0x3FA0]  }
0x2c: {  	s7 =	sld [smem:$0x3FA1]  }
0x2d: {  	s3 =	simm.s32 $0x108;
	s8 =	sld [smem:$0x3FA2]  }
0x2e: {  	s3 =	simm.s32 @!p0 $0x1082;
	s9 =	sld [smem:$0x3FA3]  }
0x2f: {  	lr =	sadd.s32 s0, s3;
	s0 =	sld [smem:$0x3F9A]  }
0x30: {  	s3 =	sld [smem:$0x3F9D]  }
0x31: {  	[smem:$0x3FA6] =	sst s10  }
0x32: {  	s10 =	sld [smem:$0x3FA4];
	_ =	sdelay $0x3  }
0x33: {  	p0 =	seq.s32 s10, $0x1;
	s10 =	sld [smem:$0x3FA6];
	_ =	sdelay $0x3  }
0x34: {  	[smem:$0x3FA6] =	sst s10  }
0x35: {  	s10 =	sld [smem:$0x3FA5];
	_ =	sdelay $0x3  }
0x36: {  	p1 =	seq.s32 s10, $0x1;
	s10 =	sld [smem:$0x3FA6];
	_ =	sdelay $0x3  }
0x37: {  	[smem:$0x3FA6] =	sst s10  }
0x38: {  	s10 =	sld [smem:$0x3FA7]  }
0x39: {  	_ = 	snop;
	(pc) =	sbr.ind lr, $3  }
0x3a: {  	_ = 	snop  }
0x3b: {  	_ = 	snop  }
0x3c: {  	p2 =	seq.s32 s10, $0x1;
	s10 =	sld [smem:$0x3FA6]  }
0x3d: {  	_ =	shalt  }
0x3e: {  	_ =	shalt  }
0x3f: {  	_ =	shalt  }
0x40: {  	_ =	shalt  }
0x41: {  	_ =	shalt  }
0x42: {  	_ =	shalt  }
0x43: {  	_ =	shalt  }
0x44: {  	_ =	shalt  }
0x45: {  	_ =	shalt  }
0x46: {  	_ =	shalt  }
0x47: {  	_ =	shalt  }
0x48: {  	_ =	shalt  }
0x49: {  	_ =	shalt  }
0x4a: {  	_ =	shalt  }
0x4b: {  	_ =	shalt  }
0x4c: {  	_ =	shalt  }
0x4d: {  	_ =	shalt  }
0x4e: {  	_ =	shalt  }
0x4f: {  	_ =	shalt  }
0x50: {  	_ =	shalt  }
0x51: {  	_ =	shalt  }
0x52: {  	_ =	shalt  }
0x53: {  	_ =	shalt  }
0x54: {  	_ =	shalt  }
0x55: {  	_ =	shalt  }
0x56: {  	_ =	shalt  }
0x57: {  	_ =	shalt  }
0x58: {  	_ =	shalt  }
0x59: {  	_ =	shalt  }
0x5a: {  	_ =	shalt  }
0x5b: {  	_ =	shalt  }
0x5c: {  	_ =	shalt  }
0x5d: {  	_ =	shalt  }
0x5e: {  	_ =	shalt  }
0x5f: {  	_ =	shalt  }
0x60: {  	_ =	shalt  }
0x61: {  	_ =	shalt  }
0x62: {  	_ =	shalt  }
0x63: {  	_ =	shalt  }
0x64: {  	_ =	shalt  }
0x65: {  	_ =	shalt  }
0x66: {  	_ =	shalt  }
0x67: {  	_ =	shalt  }
0x68: {  	_ =	shalt  }
0x69: {  	_ =	shalt  }
0x6a: {  	_ =	shalt  }
0x6b: {  	_ =	shalt  }
0x6c: {  	_ =	shalt  }
0x6d: {  	_ =	shalt  }
0x6e: {  	_ =	shalt  }
0x6f: {  	_ =	shalt  }
0x70: {  	_ =	shalt  }
0x71: {  	_ =	shalt  }
0x72: {  	_ =	shalt  }
0x73: {  	_ =	shalt  }
0x74: {  	_ =	shalt  }
0x75: {  	_ =	shalt  }
0x76: {  	_ =	shalt  }
0x77: {  	_ =	shalt  }
0x78: {  	_ =	shalt  }
0x79: {  	_ =	shalt  }
0x7a: {  	_ =	shalt  }
0x7b: {  	_ =	shalt  }
0x7c: {  	_ =	shalt  }
0x7d: {  	_ =	shalt  }
0x7e: {  	_ =	shalt  }
0x7f: {  	_ =	shalt  }
0x80: {  	_ =	shalt  }
0x81: {  	_ =	shalt  }
0x82: {  	_ =	shalt  }
0x83: {  	_ =	shalt  }
0x84: {  	_ =	shalt  }
0x85: {  	_ =	shalt  }
0x86: {  	_ =	shalt  }
0x87: {  	_ =	shalt  }
.Lfunc_end0:
.L_simem_size_0:
called_computation_lowered:
.L_overlay_start_0:
0x88: {  	s2 =	sld [smem:$0x3FD9]  }
0x89: {  	s3 =	sld [smem:$0x3FFE];
	_ =	sdelay $0x1  }
0x8a: {  	s1 =	srdreg.scid  }
0x8b: {  	s0 =	sand.u32 $0x1, s1  }
0x8c: {  	s16 =	sshll.u32 s0, $0xA;
	s2 =	sadd.s32 s3, s2  }
0x8d: {  	s2 =	sadd.s32 s2, s16  }
0x8e: {  	[smem:$0x3FB2] =	sst s2  }
0x8f: {  	_ = 	snop  }
0x90: {  	(tm) =	ssettm $0x1  }
0x91: {  	s17 =	sld [smem:$0x3FFB];
	_ =	sdelay $0x3  }
0x92: {  	_ =	strace s17  }
0x93: {  	s2 =	sld [smem:$0x3FFC];
	_ =	sdelay $0x3  }
0x94: {  	_ =	strace s2  }
0x95: {  	s2 =	sld [smem:$0x3FFD];
	_ =	sdelay $0x3  }
0x96: {  	_ =	strace s2  }
0x97: {  	_ =	strace $0x8FFFFFFF  }
0x98: {  	s18 =	sld [smem:$0x3FDB];
	_ =	sdelay $0x1  }
0x99: {  	s19 =	simm.s32 $_scs_section_size  }
0x9a: {  	s4 =	simm.s32 $_size__tile_overlayer_lowered;
	s5 =	simm.s32 $_tile_overlayer_lowered  }
0x9b: {  	s22 =	simm.s32 $0x1BFF;
	s21 =	sshll.u32 s5, $0x1;
	s2 =	sadd.s32 s19, s18  }
0x9c: {  	s6 =	simm.s32 $0x0;
	s20 =	sshll.u32 s4, $0x1;
	s4 =	sadd.s32 s21, s2  }
0x9d: {  	[timem:s6], [sflag:s22] =	dma.local [hbm:s4], s20  }
0x9e: {  	_ =	swait.ge [sflag:s22], s20  }
0x9f: {  	s3 =	ssub.s32 $0x0, s20;
	[sflag:s22] =	ssyncset.done $0x0  }
0xa0: {  	[sflag:s22] =	ssyncadd.s32 s3;
	_ =	sdelay $0x1  }
0xa1: {  	s23 =	simm.s32 $0x1B8B  }
0xa2: {  	_ =	swait.ge [sflag:s23], $0x1  }
0xa3: {  	[sflag:s23] =	ssyncset.done $0x0  }
0xa4: {  	s25 =	simm.s32 $0x1B8E;
	s24 =	sld [smem:$0x3FFE];
	[sflag:s23] =	ssyncadd.s32 $0xFFFFFFFF  }
0xa5: {  	s26 =	simm.s32 $execute0_lowered;
	[smem:$0x3FD2] =	sst s25  }
0xa6: {  	s4 =	sshll.u32 s26, $0x1;
	_ =	strace $0x80000046;
	[dreg:$0x1] =	wrdreg $0xFFFFFFFF  }
0xa7: {  	s28 =	simm.s32 $_size_execute0_lowered;
	s2 =	sadd.s32 s2, s4;
	[dreg:$0x0] =	wrdreg $0x0  }
0xa8: {  	s4 =	sshll.u32 s28, $0x1;
	[dreg:$0x2] =	wrdreg s2  }
0xa9: {  	[dreg:$0x3] =	wrdreg s4  }
0xaa: {  	[dreg:$0x4] =	wrdreg $0xC0  }
0xab: {  	_ =	task [dreg:s6], $0x5FFFF  }
0xac: {  	[dreg:$0x1] =	wrdreg $0xFFFFFFFF  }
0xad: {  	[dreg:$0x0] =	wrdreg $0x60  }
0xae: {  	[dreg:$0x2] =	wrdreg s24  }
0xaf: {  	[dreg:$0x3] =	wrdreg $0xA  }
0xb0: {  	_ =	task.clear_ibuf [dreg:s6], $0x4FFFF;
	_ =	strace $0x90000046  }
0xb1: {  	s29 =	simm.s32 $0xA;
	_ =	strace $0x80000048  }
0xb2: {  	_ =	swait.ge [sflag:s29], $0x1  }
0xb3: {  	[sflag:s29] =	ssyncadd.s32 $0xFFFFFFFF  }
0xb4: {  	_ =	strace $0x90000048  }
0xb5: {  	_ =	sfence  }
0xb6: {  	s30 =	sld [smem:$0x0];
	_ =	sdelay $0x2  }
0xb7: {  	s31 =	sshll.u32 s1, $0xD;
	s1 =	sshrl.u32 s1, $0x2  }
0xb8: {  	s3 =	sand.u32 $0x4000, s31;
	s1 =	sadd.s32 s1, s30  }
0xb9: {  	s0 =	sor.u32 s3, s0;
	s1 =	sshll.u32 s1, $0x11  }
0xba: {  	s0 =	sor.u32 s1, s0  }
0xbb: {  	s0 =	sadd.s32 $0x8F2B, s0  }
0xbc: {  	[sflag:s0] =	ssyncadd.remote.s32 $0x1  }
0xbd: {  	_ =	sfence.sel $0xFFFF  }
0xbe: {  	[dreg:$0x0] =	wrdreg $0xFFFFFFFF;
	(pc) =	sbr.abs _section_cstart, $3  }
0xbf: {  	[dreg:$0x1] =	wrdreg $0xFFFFFFFF  }
0xc0: {  	_ =	task.clear_ibuf [dreg:s6], $0x2FFFF;
	_ =	strace $0x9FFFFFFF  }
0xc1: {  	(tm) =	ssettm $0x7FFFFFFF  }
tec
execute0_lowered:
.L_overlay_start_1:
0x0: {  	(tag) =	ssettag $0x1  }
0x1: {  	s0 =	stileid.u32  }
0x2: {  	s1 =	srdreg.scid;
	s2 =	sshll.u32 s0, $0x1  }
0x3: {  	s3 =	sshrl.u32 s0, $0x1;
	s4 =	sand.u32 $0x1, s1;
	s30 =	sand.u32 $0x2, s2  }
0x4: {  	s5 =	smul.u32 $0x6000, s3;
	s1 =	sor.u32 s4, s30  }
0x5: {  	s6 =	rddreg [dreg:$0x0];
	s2 =	simm.s32 $0x0;
	s7 =	smul.u32 $0x1800, s1  }
0x6: {  	s9 =	simm.s32 $0x0;
	s3 =	smul.u32 $0x1800, s3;
	[smem:$0x7FF] =	sst s2  }
0x7: {  	s4 =	ssub.s32 $0x2, s4;
	s1 =	rddreg [dreg:$0x1];
	s5 =	sadd.s32 s5, s7  }
0x8: {  	v0 =	vlaneseq.u32;
	_ =	strace $0x80000047;
	s8 =	sshrl.u32 s4, $0x1;
	s7 =	smul.u32 $0x6, s5  }
0x9: {  	v0 =	vmul.u32 $0x6, v0;
	s3 =	sadd.s32 s3, s6;
	s31 =	ssub.s32 s4, s8;
	s5 =	sshrl.u32 s5, $0x3  }
0xa: {  	s3 =	sadd.s32 $0x102E00, s3;
	s5 =	sadd.s32 s5, s6;
	s7 =	sshrl.u32 s7, $0x3  }
0xb: {  	v1 =	vor.u32 $0x1, v0;
	v2 =	vadd.s32 $0x2, v0;
	s8 =	simm.s32 $0xD800;
	s4 =	sadd.s32 $0x2E00, s5;
	s6 =	sadd.s32 s7, s6  }
0xc: {  	v3 =	vadd.s32 $0x3, v0;
	v4 =	vadd.s32 $0x4, v0;
	v5 =	vadd.s32 $0x5, v0;
	s7 =	simm.s32 $0x1;
	s5 =	sadd.s32 $0x8E00, s6;
	s6 =	smax.u32 s31, $0x1  }
.LBB2_1:
0xd: {  	[tilespmem:s2], [sflag:$0x1] =	stream.linear.gather [hbm4b:s3+s2], $0xC000, $0x38;
	[tilespmem:$0x16800] =	vst v63  }
0xe: {  	_ =	swait.ge [sflag:s7], $0xC000  }
0xf: {  	[sflag:s7] =	ssyncset.done $0x0  }
0x10: {  	s10 =	simm.s32 $0xC000;
	[sflag:s7] =	ssyncadd.s32 $0xFFFF4000  }
0x11: {  	[tilespmem:s10], [sflag:$0x1] =	stream.linear.gather [hbm4b:s4+s2], $0x1800, $0x38;
	[tilespmem:$0x16800] =	vst v63  }
0x12: {  	_ =	swait.ge [sflag:s7], $0x1800  }
0x13: {  	[sflag:s7] =	ssyncset.done $0x0  }
0x14: {  	[sflag:s7] =	ssyncadd.s32 $0xFFFFE800  }
0x15: {  	v6 =	vld [tilespmem:s10+$0x0];
	_ =	sdelay $0x4  }
0x16: {  	v6 =	vmul.u32 $0x6, v6  }
0x17: {  	v7 =	vmov s2  }
0x18: {  	v7 =	vmul.u32 $0x6, v7;
	_ =	sdelay $0x1  }
0x19: {  	v7 =	vbroadcast v7, $0x0;
	_ =	sdelay $0x1  }
0x1a: {  	v9 =	vadd.s32 v0, v7;
	v8 =	vld.idx.msk [tilespmem:v6+s2+$0x0], $0xffff  }
0x1b: {  	v10 =	vor.u32 $0x1, v6;
	_ =	sdelay $0x3  }
0x1c: {  	[tilespmem:v9+s8+$0x0] =	vst.idx.msk $0xffff, v8  }
0x1d: {  	v57 =	vadd.s32 v1, v7;
	v8 =	vld.idx.msk [tilespmem:v10+s2+$0x0], $0xffff  }
0x1e: {  	v58 =	vadd.s32 $0x2, v6;
	_ =	sdelay $0x3  }
0x1f: {  	[tilespmem:v57+s8+$0x0] =	vst.idx.msk $0xffff, v8  }
0x20: {  	v59 =	vadd.s32 v2, v7;
	v8 =	vld.idx.msk [tilespmem:v58+s2+$0x0], $0xffff  }
0x21: {  	v60 =	vadd.s32 $0x3, v6;
	_ =	sdelay $0x3  }
0x22: {  	[tilespmem:v59+s8+$0x0] =	vst.idx.msk $0xffff, v8  }
0x23: {  	v61 =	vadd.s32 v3, v7;
	v8 =	vld.idx.msk [tilespmem:v60+s2+$0x0], $0xffff  }
0x24: {  	v62 =	vadd.s32 $0x4, v6;
	_ =	sdelay $0x3  }
0x25: {  	[tilespmem:v61+s8+$0x0] =	vst.idx.msk $0xffff, v8  }
0x26: {  	v63 =	vadd.s32 v4, v7;
	v8 =	vld.idx.msk [tilespmem:v62+s2+$0x0], $0xffff  }
0x27: {  	v6 =	vadd.s32 $0x5, v6;
	_ =	sdelay $0x3  }
0x28: {  	[tilespmem:v63+s8+$0x0] =	vst.idx.msk $0xffff, v8  }
0x29: {  	s11 =	simm.s32 $0x10;
	v7 =	vadd.s32 v5, v7;
	v6 =	vld.idx.msk [tilespmem:v6+s2+$0x0], $0xffff  }
.LBB2_2:
0x2a: {  	_ =	sdelay $0x2  }
0x2b: {  	p0 =	sne.s32 s11, $0x17F0  }
0x2c: {  	s10 =	sadd.s32 $0x10, s10;
	s12 =	smov.u32 s11;
	s11 =	sadd.s32 $0x10, s11;
	[tilespmem:v7+s8+$0x0] =	vst.idx.msk $0xffff, v6  }
0x2d: {  	v6 =	vld [tilespmem:s10+$0x0];
	_ =	sdelay $0x4  }
0x2e: {  	v6 =	vmul.u32 $0x6, v6;
	_ =	sdelay $0x1  }
0x2f: {  	v7 =	vmov s12  }
0x30: {  	v7 =	vmul.u32 $0x6, v7;
	_ =	sdelay $0x1  }
0x31: {  	v7 =	vbroadcast v7, $0x0  }
0x32: {  	v8 =	vld.idx.msk [tilespmem:v6+s2+$0x0], $0xffff  }
0x33: {  	v9 =	vadd.s32 v0, v7  }
0x34: {  	v10 =	vor.u32 $0x1, v6;
	_ =	sdelay $0x3  }
0x35: {  	[tilespmem:v9+s8+$0x0] =	vst.idx.msk $0xffff, v8  }
0x36: {  	v8 =	vld.idx.msk [tilespmem:v10+s2+$0x0], $0xffff  }
0x37: {  	v9 =	vadd.s32 v1, v7  }
0x38: {  	v10 =	vadd.s32 $0x2, v6;
	_ =	sdelay $0x3  }
0x39: {  	[tilespmem:v9+s8+$0x0] =	vst.idx.msk $0xffff, v8  }
0x3a: {  	v8 =	vld.idx.msk [tilespmem:v10+s2+$0x0], $0xffff  }
0x3b: {  	v9 =	vadd.s32 v2, v7  }
0x3c: {  	v10 =	vadd.s32 $0x3, v6;
	_ =	sdelay $0x3  }
0x3d: {  	[tilespmem:v9+s8+$0x0] =	vst.idx.msk $0xffff, v8  }
0x3e: {  	v8 =	vld.idx.msk [tilespmem:v10+s2+$0x0], $0xffff  }
0x3f: {  	v9 =	vadd.s32 v3, v7  }
0x40: {  	v10 =	vadd.s32 $0x4, v6;
	_ =	sdelay $0x3  }
0x41: {  	[tilespmem:v9+s8+$0x0] =	vst.idx.msk $0xffff, v8  }
0x42: {  	v8 =	vld.idx.msk [tilespmem:v10+s2+$0x0], $0xffff  }
0x43: {  	v9 =	vadd.s32 v4, v7  }
0x44: {  	v6 =	vadd.s32 $0x5, v6;
	_ =	sdelay $0x1  }
.Ltmp0:
0x45: {  	(pc) =	sbr.rel @p0 .LBB2_2-.Ltmp0, $4  }
0x46: {  	_ = 	snop  }
0x47: {  	[tilespmem:v9+s8+$0x0] =	vst.idx.msk $0xffff, v8  }
0x48: {  	v6 =	vld.idx.msk [tilespmem:v6+s2+$0x0], $0xffff  }
0x49: {  	v7 =	vadd.s32 v5, v7  }
0x4a: {  	_ =	sdelay $0x1  }
0x4b: {  	s9 =	sadd.s32 $0x1, s9  }
0x4c: {  	p0 =	sne.s32 s9, s6  }
.Ltmp1:
0x4d: {  	[tilespmem:v7+s8+$0x0] =	vst.idx.msk $0xffff, v6;
	(pc) =	sbr.rel @p0 .LBB2_1-.Ltmp1, $4  }
0x4e: {  	[hbm4b:s5+s2] =	stream.linear.scatter [tilespmem:s8], [sflag:$0x1], $0x9000, $0x38;
	[tilespmem:$0x16800] =	vst v63  }
0x4f: {  	_ =	swait.ge [sflag:s7], $0x9000  }
0x50: {  	[sflag:s7] =	ssyncset.done $0x0  }
0x51: {  	[sflag:s7] =	ssyncadd.s32 $0xFFFF7000  }
0x52: {  	_ =	sfence.sel $0x180000  }
0x53: {  	[bflag:$0x0] =	sbarrier.arrive $0xFFFF  }
0x54: {  	p0 =	sne.s32 s0, $0x0;
	_ =	strace $0x90000047  }
0x55: {  	s0 =	sadd.s32 @!p0 $0x100000, s1;
	[bflag:$0x2] =	sbarrier.arrive $0xFFFF  }
0x56: {  	[sflag:s0] =	ssyncadd.tile.s32 @!p0 $0x1;
	_ =	shalt  }
.Lfunc_end2:
_tile_overlayer_lowered:
.L_overlay_start_2:
0x57: {  	(tag) =	ssettag $0x2  }
0x58: {  	s0 =	rddreg [dreg:$0x0];
	s2 =	stileid.u32  }
0x59: {  	s1 =	rddreg [dreg:$0x1];
	p0 =	sne.s32 s2, $0x0  }
0x5a: {  	s3 =	rddreg [dreg:$0x2];
	[bflag:$0x3] =	sbarrier.arrive $0xFFFF;
	s2 =	simm.s32 @!p0 $0x1C01  }
0x5b: {  	[timem:s3], [sflag:s2] =	dma.local @!p0 [hbm:s0], s1  }
0x5c: {  	s0 =	simm.s32 @!p0 $0x1  }
0x5d: {  	_ =	swait.ge @!p0 [sflag:s0], s1  }
0x5e: {  	s1 =	ssub.s32 @!p0 $0x0, s1;
	[sflag:s0] =	ssyncset.done @!p0 $0x0  }
0x5f: {  	[sflag:s0] =	ssyncadd.s32 @!p0 s1  }
0x60: {  	[bflag:$0x3] =	sbarrier.arrive $0xFFFF  }
0x61: {  	_ =	shalt  }

// kernel: kernel.13.cloned.1.call-start
scs
__scs_entry_jumppad:
0x0: {  	(pc) =	sbr.rel $0x88, $3  }
0x1: {  	(tag) =	ssettag $0x0;
	lr =	simm.s32 $0x1  }
0x2: {  	[smem:$0x3F8B] =	sst lr;
	_ =	strace $0xD0000000  }
0x3: {  	_ = 	snop  }
0x4: {  	_ = 	snop  }
0x5: {  	_ = 	snop  }
0x6: {  	_ = 	snop  }
0x7: {  	_ = 	snop  }
__scs_overlays_trampoline_lowered:
0x8: {  	[smem:$0x3F9A] =	sst s0  }
0x9: {  	[smem:$0x3F9B] =	sst s1  }
0xa: {  	[smem:$0x3F9C] =	sst s2  }
0xb: {  	[smem:$0x3F9D] =	sst s3  }
0xc: {  	[smem:$0x3F9E] =	sst s4  }
0xd: {  	[smem:$0x3F9F] =	sst s5  }
0xe: {  	[smem:$0x3FA0] =	sst s6  }
0xf: {  	[smem:$0x3FA1] =	sst s7  }
0x10: {  	[smem:$0x3FA2] =	sst s8  }
0x11: {  	[smem:$0x3FA3] =	sst s9;
	s0 =	simm.s32 @!p0 $0x0  }
0x12: {  	s1 =	sld [smem:$0x3F89];
	s0 =	simm.s32 @p0 $0x1  }
0x13: {  	[smem:$0x3FA4] =	sst s0;
	s0 =	simm.s32 @!p1 $0x0  }
0x14: {  	s2 =	sld [smem:$0x3F88];
	s0 =	simm.s32 @p1 $0x1  }
0x15: {  	[smem:$0x3FA5] =	sst s0;
	s0 =	simm.s32 @!p2 $0x0  }
0x16: {  	s3 =	sld [smem:$0x3FDB];
	s0 =	simm.s32 @p2 $0x1  }
0x17: {  	s4 =	simm.s32 $0x1BF5;
	[smem:$0x3FA7] =	sst s0  }
0x18: {  	s0 =	sld [smem:$0x3F8A];
	_ =	swait.ge [sflag:s4], $0x0  }
0x19: {  	s7 =	sld [smem:$0x3F8B]  }
0x1a: {  	s8 =	sadd.s32 $0xFFFFE003, lr  }
0x1b: {  	s9 =	sadd.s32 $0xFFFFFEF7, lr;
	s5 =	simm.s32 $0xFFFFFFFF;
	p2 =	slt.u32 s8, $0xFFFFF086  }
0x1c: {  	p1 =	slt.u32 s9, $0xF7A;
	s5 =	simm.s32 @!p2 $0x0  }
0x1d: {  	s5 =	simm.s32 @p1 $0x1;
	p0 =	seq.s32 s7, s2  }
0x1e: {  	s7 =	smul.u32 @!p0 $0xF7A, s2;
	p2 =	seq.s32 @!p0 s5, $0x0  }
0x1f: {  	s9 =	smul.u32 $0xF7A, s1;
	s8 =	simm.s32 @!p0 $0x1BF5;
	p2 =	por !p2, p0  }
0x20: {  	[sflag:s8] =	ssyncset.s32 @!p0 $0xFFFFF086;
	s6 =	sadd.s32 @!p0 s3, s7;
	s7 =	simm.s32 @!p0 $0x108  }
0x21: {  	s3 =	sadd.s32 s3, s9;
	s6 =	sadd.s32 @!p0 $0x88, s6;
	s7 =	simm.s32 @p2 $0x1082  }
0x22: {  	[simem:s7], [sflag:s8] =	dma.local @!p0 [hbm:s6], $0xF7A  }
0x23: {  	s9 =	sor.u32 $0xD0000000, s2;
	s6 =	simm.s32 $0x108;
	_ =	swait.ge @!p0 [sflag:s8], $0x0  }
0x24: {  	s3 =	sadd.s32 $0x88, s3;
	s6 =	simm.s32 @!p1 $0x1082;
	[sflag:s4] =	ssyncset.s32 $0xFFFFF086  }
0x25: {  	[simem:s6], [sflag:s4] =	dma.local [hbm:s3], $0xF7A  }
0x26: {  	[smem:$0x3F8B] =	sst s1;
	(tag) =	ssettag s2;
	_ =	strace s9  }
0x27: {  	s1 =	sld [smem:$0x3F9B]  }
0x28: {  	s2 =	sld [smem:$0x3F9C]  }
0x29: {  	s4 =	sld [smem:$0x3F9E]  }
0x2a: {  	p0 =	seq.s32 s5, $0x0;
	s5 =	sld [smem:$0x3F9F]  }
0x2b: {  	s6 =	sld [smem:$0x3FA0]  }
0x2c: {  	s7 =	sld [smem:$0x3FA1]  }
0x2d: {  	s3 =	simm.s32 $0x108;
	s8 =	sld [smem:$0x3FA2]  }
0x2e: {  	s3 =	simm.s32 @!p0 $0x1082;
	s9 =	sld [smem:$0x3FA3]  }
0x2f: {  	lr =	sadd.s32 s0, s3;
	s0 =	sld [smem:$0x3F9A]  }
0x30: {  	s3 =	sld [smem:$0x3F9D]  }
0x31: {  	[smem:$0x3FA6] =	sst s10  }
0x32: {  	s10 =	sld [smem:$0x3FA4];
	_ =	sdelay $0x3  }
0x33: {  	p0 =	seq.s32 s10, $0x1;
	s10 =	sld [smem:$0x3FA6];
	_ =	sdelay $0x3  }
0x34: {  	[smem:$0x3FA6] =	sst s10  }
0x35: {  	s10 =	sld [smem:$0x3FA5];
	_ =	sdelay $0x3  }
0x36: {  	p1 =	seq.s32 s10, $0x1;
	s10 =	sld [smem:$0x3FA6];
	_ =	sdelay $0x3  }
0x37: {  	[smem:$0x3FA6] =	sst s10  }
0x38: {  	s10 =	sld [smem:$0x3FA7]  }
0x39: {  	_ = 	snop;
	(pc) =	sbr.ind lr, $3  }
0x3a: {  	_ = 	snop  }
0x3b: {  	_ = 	snop  }
0x3c: {  	p2 =	seq.s32 s10, $0x1;
	s10 =	sld [smem:$0x3FA6]  }
0x3d: {  	_ =	shalt  }
0x3e: {  	_ =	shalt  }
0x3f: {  	_ =	shalt  }
0x40: {  	_ =	shalt  }
0x41: {  	_ =	shalt  }
0x42: {  	_ =	shalt  }
0x43: {  	_ =	shalt  }
0x44: {  	_ =	shalt  }
0x45: {  	_ =	shalt  }
0x46: {  	_ =	shalt  }
0x47: {  	_ =	shalt  }
0x48: {  	_ =	shalt  }
0x49: {  	_ =	shalt  }
0x4a: {  	_ =	shalt  }
0x4b: {  	_ =	shalt  }
0x4c: {  	_ =	shalt  }
0x4d: {  	_ =	shalt  }
0x4e: {  	_ =	shalt  }
0x4f: {  	_ =	shalt  }
0x50: {  	_ =	shalt  }
0x51: {  	_ =	shalt  }
0x52: {  	_ =	shalt  }
0x53: {  	_ =	shalt  }
0x54: {  	_ =	shalt  }
0x55: {  	_ =	shalt  }
0x56: {  	_ =	shalt  }
0x57: {  	_ =	shalt  }
0x58: {  	_ =	shalt  }
0x59: {  	_ =	shalt  }
0x5a: {  	_ =	shalt  }
0x5b: {  	_ =	shalt  }
0x5c: {  	_ =	shalt  }
0x5d: {  	_ =	shalt  }
0x5e: {  	_ =	shalt  }
0x5f: {  	_ =	shalt  }
0x60: {  	_ =	shalt  }
0x61: {  	_ =	shalt  }
0x62: {  	_ =	shalt  }
0x63: {  	_ =	shalt  }
0x64: {  	_ =	shalt  }
0x65: {  	_ =	shalt  }
0x66: {  	_ =	shalt  }
0x67: {  	_ =	shalt  }
0x68: {  	_ =	shalt  }
0x69: {  	_ =	shalt  }
0x6a: {  	_ =	shalt  }
0x6b: {  	_ =	shalt  }
0x6c: {  	_ =	shalt  }
0x6d: {  	_ =	shalt  }
0x6e: {  	_ =	shalt  }
0x6f: {  	_ =	shalt  }
0x70: {  	_ =	shalt  }
0x71: {  	_ =	shalt  }
0x72: {  	_ =	shalt  }
0x73: {  	_ =	shalt  }
0x74: {  	_ =	shalt  }
0x75: {  	_ =	shalt  }
0x76: {  	_ =	shalt  }
0x77: {  	_ =	shalt  }
0x78: {  	_ =	shalt  }
0x79: {  	_ =	shalt  }
0x7a: {  	_ =	shalt  }
0x7b: {  	_ =	shalt  }
0x7c: {  	_ =	shalt  }
0x7d: {  	_ =	shalt  }
0x7e: {  	_ =	shalt  }
0x7f: {  	_ =	shalt  }
0x80: {  	_ =	shalt  }
0x81: {  	_ =	shalt  }
0x82: {  	_ =	shalt  }
0x83: {  	_ =	shalt  }
0x84: {  	_ =	shalt  }
0x85: {  	_ =	shalt  }
0x86: {  	_ =	shalt  }
0x87: {  	_ =	shalt  }
.Lfunc_end0:
.L_simem_size_0:
called_computation.1_lowered:
.L_overlay_start_0:
0x88: {  	s2 =	sld [smem:$0x3FD9]  }
0x89: {  	s3 =	sld [smem:$0x3FFE];
	_ =	sdelay $0x1  }
0x8a: {  	s1 =	srdreg.scid  }
0x8b: {  	s0 =	sand.u32 $0x1, s1  }
0x8c: {  	s17 =	sshll.u32 s0, $0xA;
	s2 =	sadd.s32 s3, s2  }
0x8d: {  	s2 =	sadd.s32 s2, s17  }
0x8e: {  	[smem:$0x3FB2] =	sst s2  }
0x8f: {  	_ = 	snop  }
0x90: {  	(tm) =	ssettm $0x1  }
0x91: {  	s18 =	sld [smem:$0x3FFB];
	_ =	sdelay $0x3  }
0x92: {  	_ =	strace s18  }
0x93: {  	s2 =	sld [smem:$0x3FFC];
	_ =	sdelay $0x3  }
0x94: {  	_ =	strace s2  }
0x95: {  	s2 =	sld [smem:$0x3FFD];
	_ =	sdelay $0x3  }
0x96: {  	_ =	strace s2  }
0x97: {  	_ =	strace $0x8FFFFFFF  }
0x98: {  	s19 =	sld [smem:$0x3FDB];
	_ =	sdelay $0x1  }
0x99: {  	s20 =	simm.s32 $_scs_section_size  }
0x9a: {  	s4 =	simm.s32 $_size__tile_overlayer_lowered;
	s5 =	simm.s32 $_tile_overlayer_lowered  }
0x9b: {  	s6 =	simm.s32 $0x1BFF;
	s21 =	sshll.u32 s5, $0x1;
	s3 =	sadd.s32 s20, s19  }
0x9c: {  	s22 =	simm.s32 $0x0;
	s4 =	sshll.u32 s4, $0x1;
	s5 =	sadd.s32 s21, s3  }
0x9d: {  	[timem:s22], [sflag:s6] =	dma.local [hbm:s5], s4  }
0x9e: {  	_ =	swait.ge [sflag:s6], s4  }
0x9f: {  	s4 =	ssub.s32 $0x0, s4;
	[sflag:s6] =	ssyncset.done $0x0  }
0xa0: {  	[sflag:s6] =	ssyncadd.s32 s4;
	_ =	sdelay $0x1  }
0xa1: {  	s23 =	simm.s32 $0x1B8B  }
0xa2: {  	_ =	swait.ge [sflag:s23], $0x1  }
0xa3: {  	[sflag:s23] =	ssyncset.done $0x0  }
0xa4: {  	[sflag:s23] =	ssyncadd.s32 $0xFFFFFFFF  }
0xa5: {  	s4 =	sld [smem:$0x0]  }
0xa6: {  	s5 =	sand.u32 $0xFFFFFFFE, s1  }
0xa7: {  	p0 =	sne.s32 s1, s5  }
0xa8: {  	s5 =	sshll.u32 @p0 s5, $0xE  }
0xa9: {  	s5 =	sadd.s32 @p0 $0x11B8D, s5;
	s6 =	sshll.u32 @p0 s4, $0x11  }
0xaa: {  	s5 =	sor.u32 @p0 s6, s5  }
0xab: {  	[sflag:s5] =	ssyncadd.remote.s32 @p0 $0x1;
	_ =	sdelay $0x1  }
0xac: {  	s5 =	simm.s32 @p0 $0x1B8D  }
0xad: {  	_ =	swait.eq @p0 [sflag:s5], $0x1  }
0xae: {  	[sflag:s5] =	ssyncadd.s32 @p0 $0xFFFFFFFF  }
0xaf: {  	s6 =	sshll.u32 @!p0 s1, $0xE  }
0xb0: {  	s6 =	sor.u32 @!p0 $0x4000, s6;
	s5 =	simm.s32 @!p0 $0x1B8D  }
0xb1: {  	s4 =	sshll.u32 @!p0 s4, $0x11;
	s6 =	sadd.s32 @!p0 $0x11B8D, s6;
	_ =	swait.eq @!p0 [sflag:s5], $0x1  }
0xb2: {  	s4 =	sor.u32 @!p0 s4, s6;
	[sflag:s5] =	ssyncadd.s32 @!p0 $0xFFFFFFFF  }
0xb3: {  	s25 =	simm.s32 $0x1B8E;
	s24 =	sld [smem:$0x3FFE];
	[sflag:s4] =	ssyncadd.remote.s32 @!p0 $0x1  }
0xb4: {  	s26 =	simm.s32 $execute0_lowered;
	[smem:$0x3FD2] =	sst s25  }
0xb5: {  	s5 =	sshll.u32 s26, $0x1;
	_ =	strace $0x80000049;
	[dreg:$0x1] =	wrdreg $0xFFFFFFFF  }
0xb6: {  	s28 =	simm.s32 $_size_execute0_lowered;
	s3 =	sadd.s32 s3, s5;
	[dreg:$0x0] =	wrdreg $0x0  }
0xb7: {  	s5 =	sshll.u32 s28, $0x1;
	[dreg:$0x2] =	wrdreg s3  }
0xb8: {  	[dreg:$0x3] =	wrdreg s5  }
0xb9: {  	[dreg:$0x4] =	wrdreg $0xC0  }
0xba: {  	_ =	task [dreg:s22], $0x5FFFF  }
0xbb: {  	[dreg:$0x1] =	wrdreg $0xFFFFFFFF  }
0xbc: {  	[dreg:$0x0] =	wrdreg $0x60  }
0xbd: {  	[dreg:$0x2] =	wrdreg s24  }
0xbe: {  	[dreg:$0x3] =	wrdreg $0x9  }
0xbf: {  	_ =	task.clear_ibuf [dreg:s22], $0x4FFFF;
	_ =	strace $0x90000049  }
0xc0: {  	s29 =	simm.s32 $0x9;
	_ =	strace $0x8000004B  }
0xc1: {  	_ =	swait.ge [sflag:s29], $0x1  }
0xc2: {  	[sflag:s29] =	ssyncadd.s32 $0xFFFFFFFF  }
0xc3: {  	_ =	strace $0x9000004B  }
0xc4: {  	_ =	sfence  }
0xc5: {  	s30 =	sld [smem:$0x0];
	_ =	sdelay $0x2  }
0xc6: {  	s31 =	sshll.u32 s1, $0xD;
	s1 =	sshrl.u32 s1, $0x2  }
0xc7: {  	s4 =	sand.u32 $0x4000, s31;
	s1 =	sadd.s32 s1, s30  }
0xc8: {  	s0 =	sor.u32 s4, s0;
	s1 =	sshll.u32 s1, $0x11  }
0xc9: {  	s0 =	sor.u32 s1, s0  }
0xca: {  	s0 =	sadd.s32 $0x8F2B, s0  }
0xcb: {  	[sflag:s0] =	ssyncadd.remote.s32 $0x1  }
0xcc: {  	_ =	sfence.sel $0xFFFF  }
0xcd: {  	[dreg:$0x0] =	wrdreg $0xFFFFFFFF;
	(pc) =	sbr.abs _section_cstart, $3  }
0xce: {  	[dreg:$0x1] =	wrdreg $0xFFFFFFFF  }
0xcf: {  	_ =	task.clear_ibuf [dreg:s22], $0x2FFFF;
	_ =	strace $0x9FFFFFFF  }
0xd0: {  	(tm) =	ssettm $0x7FFFFFFF  }
0xd1: {  	_ =	shalt  }
tec
execute0_lowered:
.L_overlay_start_1:
0x0: {  	(tag) =	ssettag $0x1  }
0x1: {  	s0 =	stileid.u32;
	s1 =	srdreg.scid  }
0x2: {  	s3 =	rddreg [dreg:$0x0];
	s9 =	simm.s32 $0x0;
	s2 =	sshll.u32 s0, $0x1  }
0x3: {  	s4 =	sand.u32 $0x1, s1;
	s5 =	sshrl.u32 s0, $0x1;
	s2 =	sand.u32 $0x2, s2  }
0x4: {  	s1 =	rddreg [dreg:$0x1];
	s7 =	sshll.u32 s5, $0xD;
	s6 =	sor.u32 s4, s2  }
0x5: {  	s5 =	smul.u32 $0x180, s5;
	s2 =	simm.s32 $0x0;
	s6 =	sshll.u32 s6, $0xB  }
0x6: {  	s4 =	ssub.s32 $0x2, s4;
	[smem:$0x7FF] =	sst s2;
	s6 =	sor.u32 s7, s6  }
0x7: {  	v0 =	vlaneseq.u32;
	s5 =	sadd.s32 s5, s3;
	s7 =	smul.u32 $0x6, s6;
	s6 =	sshrl.u32 s6, $0x3  }
0x8: {  	v0 =	vmul.u32 $0x6, v0;
	s8 =	sshrl.u32 s4, $0x1;
	_ =	strace $0x8000004A;
	s6 =	sadd.s32 s6, s3  }
0x9: {  	s8 =	ssub.s32 s4, s8;
	s7 =	sshrl.u32 s7, $0x3;
	s4 =	sadd.s32 $0x32000, s6  }
0xa: {  	v1 =	vor.u32 $0x1, v0;
	v2 =	vadd.s32 $0x2, v0;
	s6 =	smax.u32 s8, $0x1;
	s8 =	simm.s32 $0x1400;
	s7 =	sadd.s32 s7, s3  }
0xb: {  	v3 =	vadd.s32 $0x3, v0;
	v4 =	vadd.s32 $0x4, v0;
	v5 =	vadd.s32 $0x5, v0;
	s3 =	sadd.s32 $0x31400, s5;
	s5 =	sadd.s32 $0x36000, s7;
	s7 =	simm.s32 $0x1  }
.LBB2_1:
0xc: {  	[tilespmem:s2], [sflag:$0x1] =	stream.linear.gather [hbm4b:s3+s2], $0xC00, $0x38;
	[tilespmem:$0x4400] =	vst v63  }
0xd: {  	_ =	swait.ge [sflag:s7], $0xC00  }
0xe: {  	[sflag:s7] =	ssyncset.done $0x0  }
0xf: {  	s10 =	simm.s32 $0xC00;
	[sflag:s7] =	ssyncadd.s32 $0xFFFFF400  }
0x10: {  	[tilespmem:s10], [sflag:$0x1] =	stream.linear.gather [hbm4b:s4+s2], $0x800, $0x38;
	[tilespmem:$0x4400] =	vst v63  }
0x11: {  	_ =	swait.ge [sflag:s7], $0x800  }
0x12: {  	[sflag:s7] =	ssyncset.done $0x0  }
0x13: {  	[sflag:s7] =	ssyncadd.s32 $0xFFFFF800  }
0x14: {  	v6 =	vld [tilespmem:s10+$0x0];
	_ =	sdelay $0x4  }
0x15: {  	v6 =	vmul.u32 $0x6, v6  }
0x16: {  	v7 =	vmov s2  }
0x17: {  	v7 =	vmul.u32 $0x6, v7;
	_ =	sdelay $0x1  }
0x18: {  	v7 =	vbroadcast v7, $0x0;
	_ =	sdelay $0x1  }
0x19: {  	v9 =	vadd.s32 v0, v7;
	v8 =	vld.idx.msk [tilespmem:v6+s2+$0x0], $0xffff  }
0x1a: {  	v10 =	vor.u32 $0x1, v6;
	_ =	sdelay $0x3  }
0x1b: {  	[tilespmem:v9+s8+$0x0] =	vst.idx.msk $0xffff, v8  }
0x1c: {  	v57 =	vadd.s32 v1, v7;
	v8 =	vld.idx.msk [tilespmem:v10+s2+$0x0], $0xffff  }
0x1d: {  	v58 =	vadd.s32 $0x2, v6;
	_ =	sdelay $0x3  }
0x1e: {  	[tilespmem:v57+s8+$0x0] =	vst.idx.msk $0xffff, v8  }
0x1f: {  	v59 =	vadd.s32 v2, v7;
	v8 =	vld.idx.msk [tilespmem:v58+s2+$0x0], $0xffff  }
0x20: {  	v60 =	vadd.s32 $0x3, v6;
	_ =	sdelay $0x3  }
0x21: {  	[tilespmem:v59+s8+$0x0] =	vst.idx.msk $0xffff, v8  }
0x22: {  	v61 =	vadd.s32 v3, v7;
	v8 =	vld.idx.msk [tilespmem:v60+s2+$0x0], $0xffff  }
0x23: {  	v62 =	vadd.s32 $0x4, v6;
	_ =	sdelay $0x3  }
0x24: {  	[tilespmem:v61+s8+$0x0] =	vst.idx.msk $0xffff, v8  }
0x25: {  	v63 =	vadd.s32 v4, v7;
	v8 =	vld.idx.msk [tilespmem:v62+s2+$0x0], $0xffff  }
0x26: {  	v6 =	vadd.s32 $0x5, v6;
	_ =	sdelay $0x3  }
0x27: {  	[tilespmem:v63+s8+$0x0] =	vst.idx.msk $0xffff, v8  }
0x28: {  	s11 =	simm.s32 $0x10;
	v7 =	vadd.s32 v5, v7;
	v6 =	vld.idx.msk [tilespmem:v6+s2+$0x0], $0xffff  }
.LBB2_2:
0x29: {  	_ =	sdelay $0x2  }
0x2a: {  	p0 =	sne.s32 s11, $0x7F0  }
0x2b: {  	s10 =	sadd.s32 $0x10, s10;
	s12 =	smov.u32 s11;
	s11 =	sadd.s32 $0x10, s11;
	[tilespmem:v7+s8+$0x0] =	vst.idx.msk $0xffff, v6  }
0x2c: {  	v6 =	vld [tilespmem:s10+$0x0];
	_ =	sdelay $0x4  }
0x2d: {  	v6 =	vmul.u32 $0x6, v6;
	_ =	sdelay $0x1  }
0x2e: {  	v7 =	vmov s12  }
0x2f: {  	v7 =	vmul.u32 $0x6, v7;
	_ =	sdelay $0x1  }
0x30: {  	v7 =	vbroadcast v7, $0x0  }
0x31: {  	v8 =	vld.idx.msk [tilespmem:v6+s2+$0x0], $0xffff  }
0x32: {  	v9 =	vadd.s32 v0, v7  }
0x33: {  	v10 =	vor.u32 $0x1, v6;
	_ =	sdelay $0x3  }
0x34: {  	[tilespmem:v9+s8+$0x0] =	vst.idx.msk $0xffff, v8  }
0x35: {  	v8 =	vld.idx.msk [tilespmem:v10+s2+$0x0], $0xffff  }
0x36: {  	v9 =	vadd.s32 v1, v7  }
0x37: {  	v10 =	vadd.s32 $0x2, v6;
	_ =	sdelay $0x3  }
0x38: {  	[tilespmem:v9+s8+$0x0] =	vst.idx.msk $0xffff, v8  }
0x39: {  	v8 =	vld.idx.msk [tilespmem:v10+s2+$0x0], $0xffff  }
0x3a: {  	v9 =	vadd.s32 v2, v7  }
0x3b: {  	v10 =	vadd.s32 $0x3, v6;
	_ =	sdelay $0x3  }
0x3c: {  	[tilespmem:v9+s8+$0x0] =	vst.idx.msk $0xffff, v8  }
0x3d: {  	v8 =	vld.idx.msk [tilespmem:v10+s2+$0x0], $0xffff  }
0x3e: {  	v9 =	vadd.s32 v3, v7  }
0x3f: {  	v10 =	vadd.s32 $0x4, v6;
	_ =	sdelay $0x3  }
0x40: {  	[tilespmem:v9+s8+$0x0] =	vst.idx.msk $0xffff, v8  }
0x41: {  	v8 =	vld.idx.msk [tilespmem:v10+s2+$0x0], $0xffff  }
0x42: {  	v9 =	vadd.s32 v4, v7  }
0x43: {  	v6 =	vadd.s32 $0x5, v6;
	_ =	sdelay $0x1  }
.Ltmp0:
0x44: {  	(pc) =	sbr.rel @p0 .LBB2_2-.Ltmp0, $4  }
0x45: {  	_ = 	snop  }
0x46: {  	[tilespmem:v9+s8+$0x0] =	vst.idx.msk $0xffff, v8  }
0x47: {  	v6 =	vld.idx.msk [tilespmem:v6+s2+$0x0], $0xffff  }
0x48: {  	v7 =	vadd.s32 v5, v7  }
0x49: {  	_ =	sdelay $0x1  }
0x4a: {  	s9 =	sadd.s32 $0x1, s9  }
0x4b: {  	p0 =	sne.s32 s9, s6  }
.Ltmp1:
0x4c: {  	[tilespmem:v7+s8+$0x0] =	vst.idx.msk $0xffff, v6;
	(pc) =	sbr.rel @p0 .LBB2_1-.Ltmp1, $4  }
0x4d: {  	[hbm4b:s5+s2] =	stream.linear.scatter [tilespmem:s8], [sflag:$0x1], $0x3000, $0x38;
	[tilespmem:$0x4400] =	vst v63  }
0x4e: {  	_ =	swait.ge [sflag:s7], $0x3000  }
0x4f: {  	[sflag:s7] =	ssyncset.done $0x0  }
0x50: {  	[sflag:s7] =	ssyncadd.s32 $0xFFFFD000  }
0x51: {  	_ =	sfence.sel $0x180000  }
0x52: {  	[bflag:$0x0] =	sbarrier.arrive $0xFFFF  }
0x53: {  	p0 =	sne.s32 s0, $0x0;
	_ =	strace $0x9000004A  }
0x54: {  	s0 =	sadd.s32 @!p0 $0x100000, s1;
	[bflag:$0x2] =	sbarrier.arrive $0xFFFF  }
0x55: {  	[sflag:s0] =	ssyncadd.tile.s32 @!p0 $0x1;
	_ =	shalt  }
.Lfunc_end2:
_tile_overlayer_lowered:
.L_overlay_start_2:
0x56: {  	(tag) =	ssettag $0x2  }
0x57: {  	s0 =	rddreg [dreg:$0x0];
	s2 =	stileid.u32  }
0x58: {  	s1 =	rddreg [dreg:$0x1];
	p0 =	sne.s32 s2, $0x0  }
0x59: {  	s3 =	rddreg [dreg:$0x2];
	[bflag:$0x3] =	sbarrier.arrive $0xFFFF;
	s2 =	simm.s32 @!p0 $0x1C01  }
0x5a: {  	[timem:s3], [sflag:s2] =	dma.local @!p0 [hbm:s0], s1  }
0x5b: {  	s0 =	simm.s32 @!p0 $0x1  }
0x5c: {  	_ =	swait.ge @!p0 [sflag:s0], s1  }
0x5d: {  	s1 =	ssub.s32 @!p0 $0x0, s1;
	[sflag:s0] =	ssyncset.done @!p0 $0x0  }
0x5e: {  	[sflag:s0] =	ssyncadd.s32 @!p0 s1  }
0x5f: {  	[bflag:$0x3] =	sbarrier.arrive $0xFFFF  }
0x60: {  	_ =	shalt  }

// kernel: kernel.16.cloned.1.call-start
scs
__scs_entry_jumppad:
0x0: {  	(pc) =	sbr.rel $0x88, $3  }
0x1: {  	(tag) =	ssettag $0x0;
	lr =	simm.s32 $0x1  }
0x2: {  	[smem:$0x3F8B] =	sst lr;
	_ =	strace $0xD0000000  }
0x3: {  	_ = 	snop  }
0x4: {  	_ = 	snop  }
0x5: {  	_ = 	snop  }
0x6: {  	_ = 	snop  }
0x7: {  	_ = 	snop  }
__scs_overlays_trampoline_lowered:
0x8: {  	[smem:$0x3F9A] =	sst s0  }
0x9: {  	[smem:$0x3F9B] =	sst s1  }
0xa: {  	[smem:$0x3F9C] =	sst s2  }
0xb: {  	[smem:$0x3F9D] =	sst s3  }
0xc: {  	[smem:$0x3F9E] =	sst s4  }
0xd: {  	[smem:$0x3F9F] =	sst s5  }
0xe: {  	[smem:$0x3FA0] =	sst s6  }
0xf: {  	[smem:$0x3FA1] =	sst s7  }
0x10: {  	[smem:$0x3FA2] =	sst s8  }
0x11: {  	[smem:$0x3FA3] =	sst s9;
	s0 =	simm.s32 @!p0 $0x0  }
0x12: {  	s1 =	sld [smem:$0x3F89];
	s0 =	simm.s32 @p0 $0x1  }
0x13: {  	[smem:$0x3FA4] =	sst s0;
	s0 =	simm.s32 @!p1 $0x0  }
0x14: {  	s2 =	sld [smem:$0x3F88];
	s0 =	simm.s32 @p1 $0x1  }
0x15: {  	[smem:$0x3FA5] =	sst s0;
	s0 =	simm.s32 @!p2 $0x0  }
0x16: {  	s3 =	sld [smem:$0x3FDB];
	s0 =	simm.s32 @p2 $0x1  }
0x17: {  	s4 =	simm.s32 $0x1BF5;
	[smem:$0x3FA7] =	sst s0  }
0x18: {  	s0 =	sld [smem:$0x3F8A];
	_ =	swait.ge [sflag:s4], $0x0  }
0x19: {  	s7 =	sld [smem:$0x3F8B]  }
0x1a: {  	s8 =	sadd.s32 $0xFFFFE003, lr  }
0x1b: {  	s9 =	sadd.s32 $0xFFFFFEF7, lr;
	s5 =	simm.s32 $0xFFFFFFFF;
	p2 =	slt.u32 s8, $0xFFFFF086  }
0x1c: {  	p1 =	slt.u32 s9, $0xF7A;
	s5 =	simm.s32 @!p2 $0x0  }
0x1d: {  	s5 =	simm.s32 @p1 $0x1;
	p0 =	seq.s32 s7, s2  }
0x1e: {  	s7 =	smul.u32 @!p0 $0xF7A, s2;
	p2 =	seq.s32 @!p0 s5, $0x0  }
0x1f: {  	s9 =	smul.u32 $0xF7A, s1;
	s8 =	simm.s32 @!p0 $0x1BF5;
	p2 =	por !p2, p0  }
0x20: {  	[sflag:s8] =	ssyncset.s32 @!p0 $0xFFFFF086;
	s6 =	sadd.s32 @!p0 s3, s7;
	s7 =	simm.s32 @!p0 $0x108  }
0x21: {  	s3 =	sadd.s32 s3, s9;
	s6 =	sadd.s32 @!p0 $0x88, s6;
	s7 =	simm.s32 @p2 $0x1082  }
0x22: {  	[simem:s7], [sflag:s8] =	dma.local @!p0 [hbm:s6], $0xF7A  }
0x23: {  	s9 =	sor.u32 $0xD0000000, s2;
	s6 =	simm.s32 $0x108;
	_ =	swait.ge @!p0 [sflag:s8], $0x0  }
0x24: {  	s3 =	sadd.s32 $0x88, s3;
	s6 =	simm.s32 @!p1 $0x1082;
	[sflag:s4] =	ssyncset.s32 $0xFFFFF086  }
0x25: {  	[simem:s6], [sflag:s4] =	dma.local [hbm:s3], $0xF7A  }
0x26: {  	[smem:$0x3F8B] =	sst s1;
	(tag) =	ssettag s2;
	_ =	strace s9  }
0x27: {  	s1 =	sld [smem:$0x3F9B]  }
0x28: {  	s2 =	sld [smem:$0x3F9C]  }
0x29: {  	s4 =	sld [smem:$0x3F9E]  }
0x2a: {  	p0 =	seq.s32 s5, $0x0;
	s5 =	sld [smem:$0x3F9F]  }
0x2b: {  	s6 =	sld [smem:$0x3FA0]  }
0x2c: {  	s7 =	sld [smem:$0x3FA1]  }
0x2d: {  	s3 =	simm.s32 $0x108;
	s8 =	sld [smem:$0x3FA2]  }
0x2e: {  	s3 =	simm.s32 @!p0 $0x1082;
	s9 =	sld [smem:$0x3FA3]  }
0x2f: {  	lr =	sadd.s32 s0, s3;
	s0 =	sld [smem:$0x3F9A]  }
0x30: {  	s3 =	sld [smem:$0x3F9D]  }
0x31: {  	[smem:$0x3FA6] =	sst s10  }
0x32: {  	s10 =	sld [smem:$0x3FA4];
	_ =	sdelay $0x3  }
0x33: {  	p0 =	seq.s32 s10, $0x1;
	s10 =	sld [smem:$0x3FA6];
	_ =	sdelay $0x3  }
0x34: {  	[smem:$0x3FA6] =	sst s10  }
0x35: {  	s10 =	sld [smem:$0x3FA5];
	_ =	sdelay $0x3  }
0x36: {  	p1 =	seq.s32 s10, $0x1;
	s10 =	sld [smem:$0x3FA6];
	_ =	sdelay $0x3  }
0x37: {  	[smem:$0x3FA6] =	sst s10  }
0x38: {  	s10 =	sld [smem:$0x3FA7]  }
0x39: {  	_ = 	snop;
	(pc) =	sbr.ind lr, $3  }
0x3a: {  	_ = 	snop  }
0x3b: {  	_ = 	snop  }
0x3c: {  	p2 =	seq.s32 s10, $0x1;
	s10 =	sld [smem:$0x3FA6]  }
0x3d: {  	_ =	shalt  }
0x3e: {  	_ =	shalt  }
0x3f: {  	_ =	shalt  }
0x40: {  	_ =	shalt  }
0x41: {  	_ =	shalt  }
0x42: {  	_ =	shalt  }
0x43: {  	_ =	shalt  }
0x44: {  	_ =	shalt  }
0x45: {  	_ =	shalt  }
0x46: {  	_ =	shalt  }
0x47: {  	_ =	shalt  }
0x48: {  	_ =	shalt  }
0x49: {  	_ =	shalt  }
0x4a: {  	_ =	shalt  }
0x4b: {  	_ =	shalt  }
0x4c: {  	_ =	shalt  }
0x4d: {  	_ =	shalt  }
0x4e: {  	_ =	shalt  }
0x4f: {  	_ =	shalt  }
0x50: {  	_ =	shalt  }
0x51: {  	_ =	shalt  }
0x52: {  	_ =	shalt  }
0x53: {  	_ =	shalt  }
0x54: {  	_ =	shalt  }
0x55: {  	_ =	shalt  }
0x56: {  	_ =	shalt  }
0x57: {  	_ =	shalt  }
0x58: {  	_ =	shalt  }
0x59: {  	_ =	shalt  }
0x5a: {  	_ =	shalt  }
0x5b: {  	_ =	shalt  }
0x5c: {  	_ =	shalt  }
0x5d: {  	_ =	shalt  }
0x5e: {  	_ =	shalt  }
0x5f: {  	_ =	shalt  }
0x60: {  	_ =	shalt  }
0x61: {  	_ =	shalt  }
0x62: {  	_ =	shalt  }
0x63: {  	_ =	shalt  }
0x64: {  	_ =	shalt  }
0x65: {  	_ =	shalt  }
0x66: {  	_ =	shalt  }
0x67: {  	_ =	shalt  }
0x68: {  	_ =	shalt  }
0x69: {  	_ =	shalt  }
0x6a: {  	_ =	shalt  }
0x6b: {  	_ =	shalt  }
0x6c: {  	_ =	shalt  }
0x6d: {  	_ =	shalt  }
0x6e: {  	_ =	shalt  }
0x6f: {  	_ =	shalt  }
0x70: {  	_ =	shalt  }
0x71: {  	_ =	shalt  }
0x72: {  	_ =	shalt  }
0x73: {  	_ =	shalt  }
0x74: {  	_ =	shalt  }
0x75: {  	_ =	shalt  }
0x76: {  	_ =	shalt  }
0x77: {  	_ =	shalt  }
0x78: {  	_ =	shalt  }
0x79: {  	_ =	shalt  }
0x7a: {  	_ =	shalt  }
0x7b: {  	_ =	shalt  }
0x7c: {  	_ =	shalt  }
0x7d: {  	_ =	shalt  }
0x7e: {  	_ =	shalt  }
0x7f: {  	_ =	shalt  }
0x80: {  	_ =	shalt  }
0x81: {  	_ =	shalt  }
0x82: {  	_ =	shalt  }
0x83: {  	_ =	shalt  }
0x84: {  	_ =	shalt  }
0x85: {  	_ =	shalt  }
0x86: {  	_ =	shalt  }
0x87: {  	_ =	shalt  }
.Lfunc_end0:
.L_simem_size_0:
called_computation.2_lowered:
.L_overlay_start_0:
0x88: {  	s2 =	sld [smem:$0x3FD9]  }
0x89: {  	s3 =	sld [smem:$0x3FFE];
	_ =	sdelay $0x1  }
0x8a: {  	s1 =	srdreg.scid  }
0x8b: {  	s0 =	sand.u32 $0x1, s1  }
0x8c: {  	s17 =	sshll.u32 s0, $0xA;
	s2 =	sadd.s32 s3, s2  }
0x8d: {  	s2 =	sadd.s32 s2, s17  }
0x8e: {  	[smem:$0x3FB2] =	sst s2  }
0x8f: {  	_ = 	snop  }
0x90: {  	(tm) =	ssettm $0x1  }
0x91: {  	s18 =	sld [smem:$0x3FFB];
	_ =	sdelay $0x3  }
0x92: {  	_ =	strace s18  }
0x93: {  	s2 =	sld [smem:$0x3FFC];
	_ =	sdelay $0x3  }
0x94: {  	_ =	strace s2  }
0x95: {  	s2 =	sld [smem:$0x3FFD];
	_ =	sdelay $0x3  }
0x96: {  	_ =	strace s2  }
0x97: {  	_ =	strace $0x8FFFFFFF  }
0x98: {  	s19 =	sld [smem:$0x3FDB];
	_ =	sdelay $0x1  }
0x99: {  	s20 =	simm.s32 $_scs_section_size  }
0x9a: {  	s4 =	simm.s32 $_size__tile_overlayer_lowered;
	s5 =	simm.s32 $_tile_overlayer_lowered  }
0x9b: {  	s6 =	simm.s32 $0x1BFF;
	s21 =	sshll.u32 s5, $0x1;
	s3 =	sadd.s32 s20, s19  }
0x9c: {  	s22 =	simm.s32 $0x0;
	s4 =	sshll.u32 s4, $0x1;
	s5 =	sadd.s32 s21, s3  }
0x9d: {  	[timem:s22], [sflag:s6] =	dma.local [hbm:s5], s4  }
0x9e: {  	_ =	swait.ge [sflag:s6], s4  }
0x9f: {  	s4 =	ssub.s32 $0x0, s4;
	[sflag:s6] =	ssyncset.done $0x0  }
0xa0: {  	[sflag:s6] =	ssyncadd.s32 s4;
	_ =	sdelay $0x1  }
0xa1: {  	s23 =	simm.s32 $0x1B8B  }
0xa2: {  	_ =	swait.ge [sflag:s23], $0x1  }
0xa3: {  	[sflag:s23] =	ssyncset.done $0x0  }
0xa4: {  	[sflag:s23] =	ssyncadd.s32 $0xFFFFFFFF  }
0xa5: {  	s4 =	sld [smem:$0x0]  }
0xa6: {  	s5 =	sand.u32 $0xFFFFFFFE, s1  }
0xa7: {  	p0 =	sne.s32 s1, s5  }
0xa8: {  	s5 =	sshll.u32 @p0 s5, $0xE  }
0xa9: {  	s5 =	sadd.s32 @p0 $0x11B8D, s5;
	s6 =	sshll.u32 @p0 s4, $0x11  }
0xaa: {  	s5 =	sor.u32 @p0 s6, s5  }
0xab: {  	[sflag:s5] =	ssyncadd.remote.s32 @p0 $0x1;
	_ =	sdelay $0x1  }
0xac: {  	s5 =	simm.s32 @p0 $0x1B8D  }
0xad: {  	_ =	swait.eq @p0 [sflag:s5], $0x1  }
0xae: {  	[sflag:s5] =	ssyncadd.s32 @p0 $0xFFFFFFFF  }
0xaf: {  	s6 =	sshll.u32 @!p0 s1, $0xE  }
0xb0: {  	s6 =	sor.u32 @!p0 $0x4000, s6;
	s5 =	simm.s32 @!p0 $0x1B8D  }
0xb1: {  	s4 =	sshll.u32 @!p0 s4, $0x11;
	s6 =	sadd.s32 @!p0 $0x11B8D, s6;
	_ =	swait.eq @!p0 [sflag:s5], $0x1  }
0xb2: {  	s4 =	sor.u32 @!p0 s4, s6;
	[sflag:s5] =	ssyncadd.s32 @!p0 $0xFFFFFFFF  }
0xb3: {  	s25 =	simm.s32 $0x1B8E;
	s24 =	sld [smem:$0x3FFE];
	[sflag:s4] =	ssyncadd.remote.s32 @!p0 $0x1  }
0xb4: {  	s26 =	simm.s32 $execute0_lowered;
	[smem:$0x3FD2] =	sst s25  }
0xb5: {  	s5 =	sshll.u32 s26, $0x1;
	_ =	strace $0x8000004C;
	[dreg:$0x1] =	wrdreg $0xFFFFFFFF  }
0xb6: {  	s28 =	simm.s32 $_size_execute0_lowered;
	s3 =	sadd.s32 s3, s5;
	[dreg:$0x0] =	wrdreg $0x0  }
0xb7: {  	s5 =	sshll.u32 s28, $0x1;
	[dreg:$0x2] =	wrdreg s3  }
0xb8: {  	[dreg:$0x3] =	wrdreg s5  }
0xb9: {  	[dreg:$0x4] =	wrdreg $0xC0  }
0xba: {  	_ =	task [dreg:s22], $0x5FFFF  }
0xbb: {  	[dreg:$0x1] =	wrdreg $0xFFFFFFFF  }
0xbc: {  	[dreg:$0x0] =	wrdreg $0x60  }
0xbd: {  	[dreg:$0x2] =	wrdreg s24  }
0xbe: {  	[dreg:$0x3] =	wrdreg $0xA  }
0xbf: {  	_ =	task.clear_ibuf [dreg:s22], $0x4FFFF;
	_ =	strace $0x9000004C  }
0xc0: {  	s29 =	simm.s32 $0xA;
	_ =	strace $0x8000004E  }
0xc1: {  	_ =	swait.ge [sflag:s29], $0x1  }
0xc2: {  	[sflag:s29] =	ssyncadd.s32 $0xFFFFFFFF  }
0xc3: {  	_ =	strace $0x9000004E  }
0xc4: {  	_ =	sfence  }
0xc5: {  	s30 =	sld [smem:$0x0];
	_ =	sdelay $0x2  }
0xc6: {  	s31 =	sshll.u32 s1, $0xD;
	s1 =	sshrl.u32 s1, $0x2  }
0xc7: {  	s4 =	sand.u32 $0x4000, s31;
	s1 =	sadd.s32 s1, s30  }
0xc8: {  	s0 =	sor.u32 s4, s0;
	s1 =	sshll.u32 s1, $0x11  }
0xc9: {  	s0 =	sor.u32 s1, s0  }
0xca: {  	s0 =	sadd.s32 $0x8F2B, s0  }
0xcb: {  	[sflag:s0] =	ssyncadd.remote.s32 $0x1  }
0xcc: {  	_ =	sfence.sel $0xFFFF  }
0xcd: {  	[dreg:$0x0] =	wrdreg $0xFFFFFFFF;
	(pc) =	sbr.abs _section_cstart, $3  }
0xce: {  	[dreg:$0x1] =	wrdreg $0xFFFFFFFF  }
0xcf: {  	_ =	task.clear_ibuf [dreg:s22], $0x2FFFF;
	_ =	strace $0x9FFFFFFF  }
0xd0: {  	(tm) =	ssettm $0x7FFFFFFF  }
0xd1: {  	_ =	shalt  }
tec
execute0_lowered:
.L_overlay_start_1:
0x0: {  	(tag) =	ssettag $0x1  }
0x1: {  	s1 =	srdreg.scid  }
0x2: {  	s0 =	stileid.u32;
	s13 =	sand.u32 $0x1, s1  }
0x3: {  	s31 =	sshll.u32 s0, $0xC;
	s2 =	sshll.u32 s13, $0xB  }
0x4: {  	s9 =	rddreg [dreg:$0x0];
	s10 =	sor.u32 s2, s31  }
0x5: {  	s1 =	rddreg [dreg:$0x1];
	s2 =	simm.s32 $0x0;
	s3 =	sshrl.u32 s10, $0x3  }
0x6: {  	[smem:$0x7FF] =	sst s2;
	s3 =	sadd.s32 s3, s9  }
0x7: {  	_ =	strace $0x8000004D;
	s4 =	sadd.s32 $0x34000, s3;
	s3 =	simm.s32 $0x2  }
0x8: {  	[tilespmem:s2], [sflag:$0x2] =	stream.linear.gather [hbm4b:s4+s2], $0x800, $0x38;
	[tilespmem:$0x10800] =	vst v63  }
0x9: {  	_ =	swait.ge [sflag:s3], $0x800  }
0xa: {  	s6 =	simm.s32 $0x200;
	s7 =	simm.s32 $0x800;
	[sflag:s3] =	ssyncset.done $0x0  }
0xb: {  	s8 =	simm.s32 $0x1;
	s5 =	sadd.s32 $0x2E00, s9;
	[sflag:s3] =	ssyncadd.s32 $0xFFFFF800  }
0xc: {  	[tilespmem:s7], [sflag:$0x1] =	stream.indirect.gather [hbm4b:s5+s6], $0x80, s2, s6, $0xb8;
	[tilespmem:$0x10800] =	vst v63  }
0xd: {  	s10 =	sshll.u32 s10, $0x4;
	_ =	swait.ge [sflag:s8], $0x10000  }
0xe: {  	s14 =	sadd.s32 s10, s9;
	[sflag:s8] =	ssyncset.done $0x0  }
0xf: {  	s9 =	sadd.s32 $0x42000, s14;
	[sflag:s8] =	ssyncadd.s32 $0xFFFF0000  }
0x10: {  	[hbm4b:s9+s2] =	stream.linear.scatter [tilespmem:s7], [sflag:$0x2], $0x10000, $0x38;
	[tilespmem:$0x10800] =	vst v63  }
0x11: {  	_ =	swait.ge [sflag:s3], $0x10000  }
0x12: {  	[sflag:s3] =	ssyncset.done $0x0  }
0x13: {  	[sflag:s3] =	ssyncadd.s32 $0xFFFF0000  }
0x14: {  	[tilespmem:s7], [sflag:$0x1] =	stream.indirect.gather [hbm4b:s5+s6], $0x80, s6, s6, $0xb8;
	[tilespmem:$0x10800] =	vst v63  }
0x15: {  	_ =	swait.ge [sflag:s8], $0x10000  }
0x16: {  	[sflag:s8] =	ssyncset.done $0x0  }
0x17: {  	s10 =	sadd.s32 $0x44000, s14;
	[sflag:s8] =	ssyncadd.s32 $0xFFFF0000  }
0x18: {  	[hbm4b:s10+s2] =	stream.linear.scatter [tilespmem:s7], [sflag:$0x2], $0x10000, $0x38;
	[tilespmem:$0x10800] =	vst v63  }
0x19: {  	_ =	swait.ge [sflag:s3], $0x10000  }
0x1a: {  	[sflag:s3] =	ssyncset.done $0x0  }
0x1b: {  	s11 =	simm.s32 $0x400;
	[sflag:s3] =	ssyncadd.s32 $0xFFFF0000  }
0x1c: {  	[tilespmem:s7], [sflag:$0x1] =	stream.indirect.gather [hbm4b:s5+s6], $0x80, s11, s6, $0xb8;
	[tilespmem:$0x10800] =	vst v63  }
0x1d: {  	_ =	swait.ge [sflag:s8], $0x10000  }
0x1e: {  	[sflag:s8] =	ssyncset.done $0x0  }
0x1f: {  	s15 =	ssub.s32 $0x2, s13;
	s12 =	sadd.s32 $0x46000, s14;
	[sflag:s8] =	ssyncadd.s32 $0xFFFF0000  }
0x20: {  	[hbm4b:s12+s2] =	stream.linear.scatter [tilespmem:s7], [sflag:$0x2], $0x10000, $0x38;
	[tilespmem:$0x10800] =	vst v63  }
0x21: {  	s16 =	sshrl.u32 s15, $0x1;
	_ =	swait.ge [sflag:s3], $0x10000  }
0x22: {  	s15 =	ssub.s32 s15, s16;
	[sflag:s3] =	ssyncset.done $0x0  }
0x23: {  	s13 =	simm.s32 $0x600;
	s15 =	smax.u32 s15, $0x1;
	[sflag:s3] =	ssyncadd.s32 $0xFFFF0000  }
0x24: {  	[tilespmem:s7], [sflag:$0x1] =	stream.indirect.gather [hbm4b:s5+s6], $0x80, s13, s6, $0xb8;
	[tilespmem:$0x10800] =	vst v63  }
0x25: {  	p0 =	sne.s32 s15, $0x1;
	_ =	swait.ge [sflag:s8], $0x10000  }
.Ltmp0:
0x26: {  	[sflag:s8] =	ssyncset.done $0x0;
	(pc) =	sbr.rel @!p0 .LBB2_2-.Ltmp0, $4  }
0x27: {  	s14 =	sadd.s32 $0x48000, s14;
	[sflag:s8] =	ssyncadd.s32 $0xFFFF0000  }
0x28: {  	[hbm4b:s14+s2] =	stream.linear.scatter [tilespmem:s7], [sflag:$0x2], $0x10000, $0x38;
	[tilespmem:$0x10800] =	vst v63  }
0x29: {  	_ =	swait.ge [sflag:s3], $0x10000  }
0x2a: {  	s15 =	sadd.s32 $0xFFFFFFFF, s15;
	[sflag:s3] =	ssyncset.done $0x0  }
.LBB2_1:
0x2b: {  	p0 =	sne.s32 s15, $0x1;
	s15 =	sadd.s32 $0xFFFFFFFF, s15;
	[sflag:s3] =	ssyncadd.s32 $0xFFFF0000  }
0x2c: {  	[tilespmem:s2], [sflag:$0x2] =	stream.linear.gather [hbm4b:s4+s2], $0x800, $0x38;
	[tilespmem:$0x10800] =	vst v63  }
0x2d: {  	_ =	swait.ge [sflag:s3], $0x800  }
0x2e: {  	[sflag:s3] =	ssyncset.done $0x0  }
0x2f: {  	[sflag:s3] =	ssyncadd.s32 $0xFFFFF800  }
0x30: {  	[tilespmem:s7], [sflag:$0x1] =	stream.indirect.gather [hbm4b:s5+s6], $0x80, s2, s6, $0xb8;
	[tilespmem:$0x10800] =	vst v63  }
0x31: {  	_ =	swait.ge [sflag:s8], $0x10000  }
0x32: {  	[sflag:s8] =	ssyncset.done $0x0  }
0x33: {  	[sflag:s8] =	ssyncadd.s32 $0xFFFF0000  }
0x34: {  	[hbm4b:s9+s2] =	stream.linear.scatter [tilespmem:s7], [sflag:$0x2], $0x10000, $0x38;
	[tilespmem:$0x10800] =	vst v63  }
0x35: {  	_ =	swait.ge [sflag:s3], $0x10000  }
0x36: {  	[sflag:s3] =	ssyncset.done $0x0  }
0x37: {  	[sflag:s3] =	ssyncadd.s32 $0xFFFF0000  }
0x38: {  	[tilespmem:s7], [sflag:$0x1] =	stream.indirect.gather [hbm4b:s5+s6], $0x80, s6, s6, $0xb8;
	[tilespmem:$0x10800] =	vst v63  }
0x39: {  	_ =	swait.ge [sflag:s8], $0x10000  }
0x3a: {  	[sflag:s8] =	ssyncset.done $0x0  }
0x3b: {  	[sflag:s8] =	ssyncadd.s32 $0xFFFF0000  }
0x3c: {  	[hbm4b:s10+s2] =	stream.linear.scatter [tilespmem:s7], [sflag:$0x2], $0x10000, $0x38;
	[tilespmem:$0x10800] =	vst v63  }
0x3d: {  	_ =	swait.ge [sflag:s3], $0x10000  }
0x3e: {  	[sflag:s3] =	ssyncset.done $0x0  }
0x3f: {  	[sflag:s3] =	ssyncadd.s32 $0xFFFF0000  }
0x40: {  	[tilespmem:s7], [sflag:$0x1] =	stream.indirect.gather [hbm4b:s5+s6], $0x80, s11, s6, $0xb8;
	[tilespmem:$0x10800] =	vst v63  }
0x41: {  	_ =	swait.ge [sflag:s8], $0x10000  }
0x42: {  	[sflag:s8] =	ssyncset.done $0x0  }
0x43: {  	[sflag:s8] =	ssyncadd.s32 $0xFFFF0000  }
0x44: {  	[hbm4b:s12+s2] =	stream.linear.scatter [tilespmem:s7], [sflag:$0x2], $0x10000, $0x38;
	[tilespmem:$0x10800] =	vst v63  }
0x45: {  	_ =	swait.ge [sflag:s3], $0x10000  }
0x46: {  	[sflag:s3] =	ssyncset.done $0x0  }
0x47: {  	[sflag:s3] =	ssyncadd.s32 $0xFFFF0000  }
0x48: {  	[tilespmem:s7], [sflag:$0x1] =	stream.indirect.gather [hbm4b:s5+s6], $0x80, s13, s6, $0xb8;
	[tilespmem:$0x10800] =	vst v63  }
0x49: {  	_ =	swait.ge [sflag:s8], $0x10000  }
.Ltmp1:
0x4a: {  	[sflag:s8] =	ssyncset.done $0x0;
	(pc) =	sbr.rel @p0 .LBB2_1-.Ltmp1, $4  }
0x4b: {  	[sflag:s8] =	ssyncadd.s32 $0xFFFF0000  }
0x4c: {  	[hbm4b:s14+s2] =	stream.linear.scatter [tilespmem:s7], [sflag:$0x2], $0x10000, $0x38;
	[tilespmem:$0x10800] =	vst v63  }
0x4d: {  	_ =	swait.ge [sflag:s3], $0x10000  }
0x4e: {  	[sflag:s3] =	ssyncset.done $0x0  }
.LBB2_2:
0x4f: {  	[sflag:s3] =	ssyncadd.s32 $0xFFFF0000  }
0x50: {  	_ =	sfence.sel $0x180000  }
0x51: {  	[bflag:$0x0] =	sbarrier.arrive $0xFFFF  }
0x52: {  	p0 =	sne.s32 s0, $0x0;
	_ =	strace $0x9000004D  }
0x53: {  	s0 =	sadd.s32 @!p0 $0x100000, s1;
	[bflag:$0x2] =	sbarrier.arrive $0xFFFF  }
0x54: {  	[sflag:s0] =	ssyncadd.tile.s32 @!p0 $0x1;
	_ =	shalt  }
.Lfunc_end2:
_tile_overlayer_lowered:
.L_overlay_start_2:
0x55: {  	(tag) =	ssettag $0x2  }
0x56: {  	s0 =	rddreg [dreg:$0x0];
	s2 =	stileid.u32  }
0x57: {  	s1 =	rddreg [dreg:$0x1];
	p0 =	sne.s32 s2, $0x0  }
0x58: {  	s3 =	rddreg [dreg:$0x2];
	[bflag:$0x3] =	sbarrier.arrive $0xFFFF;
	s2 =	simm.s32 @!p0 $0x1C02  }
0x59: {  	[timem:s3], [sflag:s2] =	dma.local @!p0 [hbm:s0], s1  }
0x5a: {  	s0 =	simm.s32 @!p0 $0x2  }
0x5b: {  	_ =	swait.ge @!p0 [sflag:s0], s1  }
0x5c: {  	s1 =	ssub.s32 @!p0 $0x0, s1;
	[sflag:s0] =	ssyncset.done @!p0 $0x0  }
0x5d: {  	[sflag:s0] =	ssyncadd.s32 @!p0 s1  }
0x5e: {  	[bflag:$0x3] =	sbarrier.arrive $0xFFFF  }
0x5f: {  	_ =	shalt  }

</sc_bundles>
